<compile_context>
chip_gen: v7x
topology: tpu7x:2x2x1
jax: 0.10.2.dev20260603
libtpu: 0.0.44.dev20260713+nightly
codegen_flags: <defaults>
</compile_context>

<pallas_src>
import dataclasses
import functools

import jax
import jax.numpy as jnp
from jax import lax
from jax.experimental import pallas as pl
from jax.experimental.pallas import tpu as pltpu
from jax.experimental.pallas import tpu_sc as plsc

N = 10000
NPAD = 10240
E = 320000
EPAD = 327680
D_IN = 128
D_HID = 256
D_OUT = 256

CHUNK = 128
EROWS = EPAD // CHUNK
EROWS_TEC = EROWS // 16
EROWS_DEG = EROWS // 32
NROWS_TEC = NPAD // 16
DEGW = 128

HALF = 128
IBLK = 16

_vector_mesh = plsc.VectorSubcoreMesh(
    core_axis_name="core", subcore_axis_name="subcore"
)


def _sc_degree(dst2d, zeros_tab, ones_rows):
    @functools.partial(
        pl.kernel,
        out_type=jax.ShapeDtypeStruct((2, NPAD, DEGW), jnp.float32),
        mesh=_vector_mesh,
        scratch_types=[
            pltpu.VMEM_SHARED((NPAD, DEGW), jnp.float32),
            pltpu.VMEM((EROWS_DEG, CHUNK), jnp.int32),
            pltpu.VMEM((CHUNK, DEGW), jnp.float32),
            pltpu.SemaphoreType.DMA,
        ],
    )
    def deg_kernel(dst_hbm, zeros_hbm, ones_hbm, out_hbm, table, dst_t, ones_t,
                   dsem):
        c = lax.axis_index("core")
        s = lax.axis_index("subcore")
        pltpu.sync_copy(
            zeros_hbm.at[pl.ds(s * NROWS_TEC, NROWS_TEC)],
            table.at[pl.ds(s * NROWS_TEC, NROWS_TEC)],
        )
        pltpu.sync_copy(
            dst_hbm.at[pl.ds(c * (EROWS // 2) + s * EROWS_DEG, EROWS_DEG)],
            dst_t,
        )
        pltpu.sync_copy(ones_hbm, ones_t)
        plsc.subcore_barrier()

        def drain_one():
            pltpu.make_async_copy(zeros_hbm.at[pl.ds(0, CHUNK)],
                                  ones_t, dsem).wait()

        @pl.loop(0, EROWS_DEG)
        def _(j):
            pltpu.async_copy(ones_t, table.at[dst_t.at[j]], dsem, add=True)

            @pl.when(j >= 4)
            def _():
                drain_one()

        @pl.loop(0, 4)
        def _(j):
            drain_one()

        plsc.subcore_barrier()
        pltpu.sync_copy(
            table.at[pl.ds(s * NROWS_TEC, NROWS_TEC)],
            out_hbm.at[c, pl.ds(s * NROWS_TEC, NROWS_TEC)],
        )

    return deg_kernel(dst2d, zeros_tab, ones_rows)


def _sc_aggregate(hs, src2d, dst2d):
    @functools.partial(
        pl.kernel,
        out_type=jax.ShapeDtypeStruct((2, NPAD, HALF), jnp.float32),
        mesh=_vector_mesh,
        scratch_types=[
            pltpu.VMEM_SHARED((NPAD, HALF), jnp.float32),
            pltpu.VMEM((2, IBLK, CHUNK), jnp.int32),
            pltpu.VMEM((2, IBLK, CHUNK), jnp.int32),
            pltpu.VMEM((CHUNK, HALF), jnp.float32),
            pltpu.VMEM((CHUNK, HALF), jnp.float32),
            pltpu.SemaphoreType.DMA,
            pltpu.SemaphoreType.DMA,
            pltpu.SemaphoreType.DMA,
            pltpu.SemaphoreType.DMA,
            pltpu.SemaphoreType.DMA,
        ],
    )
    def agg_kernel(hs_hbm, src_hbm, dst_hbm, out_hbm,
                   acc, src_t, dst_t, rows0, rows1,
                   gsem0, gsem1, ssem0, ssem1, isem):
        c = lax.axis_index("core")
        s = lax.axis_index("subcore")
        hs_c = hs_hbm.at[c]
        nblk = EROWS_TEC // IBLK
        base0 = s * EROWS_TEC

        pltpu.sync_copy(
            hs_c.at[pl.ds(s * NROWS_TEC, NROWS_TEC)],
            acc.at[pl.ds(s * NROWS_TEC, NROWS_TEC)],
        )
        plsc.subcore_barrier()

        def wait_bytes(buf, sem):
            pltpu.make_async_copy(hs_c.at[pl.ds(0, CHUNK)], buf, sem).wait()

        def wait_iblk(slot):
            pltpu.make_async_copy(src_hbm.at[pl.ds(base0, IBLK)],
                                  src_t.at[slot], isem).wait()
            pltpu.make_async_copy(dst_hbm.at[pl.ds(base0, IBLK)],
                                  dst_t.at[slot], isem).wait()

        def prefetch_iblk(blk):
            nxt = base0 + blk * IBLK
            pltpu.async_copy(src_hbm.at[pl.ds(nxt, IBLK)],
                             src_t.at[blk % 2], isem)
            pltpu.async_copy(dst_hbm.at[pl.ds(nxt, IBLK)],
                             dst_t.at[blk % 2], isem)

        def src_at(j):
            return src_t.at[(j // IBLK) % 2, j % IBLK]

        def dst_at(j):
            return dst_t.at[(j // IBLK) % 2, j % IBLK]

        pltpu.sync_copy(src_hbm.at[pl.ds(base0, IBLK)], src_t.at[0])
        pltpu.sync_copy(dst_hbm.at[pl.ds(base0, IBLK)], dst_t.at[0])
        prefetch_iblk(1)
        pltpu.async_copy(hs_c.at[src_at(0)], rows0, gsem0)

        @pl.loop(0, EROWS_TEC, step=2)
        def _(j):
            @pl.when(jnp.logical_and(
                j % IBLK == 2,
                jnp.logical_and(j // IBLK >= 1, j // IBLK + 1 < nblk)))
            def _():
                prefetch_iblk(j // IBLK + 1)

            @pl.when(j > 0)
            def _():
                wait_bytes(rows1, ssem1)
            pltpu.async_copy(hs_c.at[src_at(j + 1)], rows1, gsem1)
            wait_bytes(rows0, gsem0)
            pltpu.async_copy(rows0, acc.at[dst_at(j)], ssem0, add=True)

            @pl.when(j + 2 < EROWS_TEC)
            def _():
                wait_bytes(rows0, ssem0)

                @pl.when((j + 2) % IBLK == 0)
                def _():
                    wait_iblk((j // IBLK + 1) % 2)
                pltpu.async_copy(hs_c.at[src_at(j + 2)], rows0, gsem0)
            wait_bytes(rows1, gsem1)
            pltpu.async_copy(rows1, acc.at[dst_at(j + 1)], ssem1, add=True)

        wait_bytes(rows0, ssem0)
        wait_bytes(rows1, ssem1)
        plsc.subcore_barrier()
        pltpu.sync_copy(
            acc.at[pl.ds(s * NROWS_TEC, NROWS_TEC)],
            out_hbm.at[c, pl.ds(s * NROWS_TEC, NROWS_TEC)],
        )

    return agg_kernel(hs, src2d, dst2d)


BM = 1024
GRID = NPAD // BM

_HIGH = lax.Precision.HIGHEST


def _norm_col(d_ref):
    deg = d_ref[0, :, 0:1] + d_ref[1, :, 0:1] + 1.0
    return lax.rsqrt(deg)


def _tc1_body(x_ref, w_ref, d_ref, o_ref):
    norm = _norm_col(d_ref)
    p = jnp.dot(x_ref[...] * norm, w_ref[...],
                preferred_element_type=jnp.float32, precision=_HIGH)
    o_ref[0] = p[:, :HALF]
    o_ref[1] = p[:, HALF:]


def _tc_scale_matmul1(x, W1, deg):
    return pl.pallas_call(
        _tc1_body,
        grid=(GRID,),
        in_specs=[
            pl.BlockSpec((BM, D_IN), lambda i: (i, 0)),
            pl.BlockSpec((D_IN, D_HID), lambda i: (0, 0)),
            pl.BlockSpec((2, BM, DEGW), lambda i: (0, i, 0)),
        ],
        out_specs=pl.BlockSpec((2, BM, HALF), lambda i: (0, i, 0)),
        out_shape=jax.ShapeDtypeStruct((2, NPAD, HALF), jnp.float32),
    )(x, W1, deg)


def _tc2_body(a_ref, d_ref, b_ref, w_ref, o_ref):
    norm = _norm_col(d_ref)
    b = b_ref[...]
    h_lo = jax.nn.relu(a_ref[0] * norm + b[:, :HALF]) * norm
    h_hi = jax.nn.relu(a_ref[1] * norm + b[:, HALF:]) * norm
    p = (jnp.dot(h_lo, w_ref[:HALF, :],
                 preferred_element_type=jnp.float32, precision=_HIGH)
         + jnp.dot(h_hi, w_ref[HALF:, :],
                   preferred_element_type=jnp.float32, precision=_HIGH))
    o_ref[0] = p[:, :HALF]
    o_ref[1] = p[:, HALF:]


def _tc_mid(agg1, deg, b1, W2):
    return pl.pallas_call(
        _tc2_body,
        grid=(GRID,),
        in_specs=[
            pl.BlockSpec((2, BM, HALF), lambda i: (0, i, 0)),
            pl.BlockSpec((2, BM, DEGW), lambda i: (0, i, 0)),
            pl.BlockSpec((1, D_HID), lambda i: (0, 0)),
            pl.BlockSpec((D_HID, D_OUT), lambda i: (0, 0)),
        ],
        out_specs=pl.BlockSpec((2, BM, HALF), lambda i: (0, i, 0)),
        out_shape=jax.ShapeDtypeStruct((2, NPAD, HALF), jnp.float32),
    )(agg1, deg, b1, W2)


def _tc3_body(a_ref, d_ref, b_ref, o_ref):
    norm = _norm_col(d_ref)
    b = b_ref[...]
    o_ref[:, :HALF] = a_ref[0] * norm + b[:, :HALF]
    o_ref[:, HALF:] = a_ref[1] * norm + b[:, HALF:]


BM3 = 1000


def _tc_final(agg2, deg, b2):
    return pl.pallas_call(
        _tc3_body,
        grid=(N // BM3,),
        in_specs=[
            pl.BlockSpec((2, BM3, HALF), lambda i: (0, i, 0)),
            pl.BlockSpec((2, BM3, DEGW), lambda i: (0, i, 0)),
            pl.BlockSpec((1, D_OUT), lambda i: (0, 0)),
        ],
        out_specs=pl.BlockSpec((BM3, D_OUT), lambda i: (i, 0)),
        out_shape=jax.ShapeDtypeStruct((N, D_OUT), jnp.float32),
    )(agg2, deg, b2)


def kernel(x, edge_index, W1, b1, W2, b2):
    pad = jnp.full((EPAD - E,), NPAD - 1, jnp.int32)
    src2d = jnp.concatenate([edge_index[0], pad]).reshape(EROWS, CHUNK)
    dst2d = jnp.concatenate([edge_index[1], pad]).reshape(EROWS, CHUNK)
    x_pad = jnp.zeros((NPAD, D_IN), jnp.float32).at[:N].set(x)
    zeros_tab = jnp.zeros((NPAD, DEGW), jnp.float32)
    ones_rows = jnp.ones((CHUNK, DEGW), jnp.float32)

    deg = _sc_degree(dst2d, zeros_tab, ones_rows)
    hs1 = _tc_scale_matmul1(x_pad, W1, deg)
    agg1 = _sc_aggregate(hs1, src2d, dst2d)
    hs2 = _tc_mid(agg1, deg, b1.reshape(1, D_HID), W2)
    agg2 = _sc_aggregate(hs2, src2d, dst2d)
    return _tc_final(agg2, deg, b2.reshape(1, D_OUT))

# --- scband reference (transcript-rebuilt; emitter-appended) ---
"""Pipeline reference for scband-gcnencoder-74191265071481 (READ-ONLY COPY).

The authoritative reference and input builder live on the scoring server;
editing this copy changes nothing except your own understanding.
"""

import jax, jax.numpy as jnp
import numpy as np


def gcn_conv(x, edge_index, W, b):
    N = x.shape[0]
    loop = jnp.arange(N, dtype=edge_index.dtype)
    src = jnp.concatenate([edge_index[0], loop])
    dst = jnp.concatenate([edge_index[1], loop])
    deg = jnp.zeros((N,), dtype=x.dtype).at[dst].add(1.0)
    norm = jnp.where(deg > 0, deg ** -0.5, 0.0)
    coeff = (norm[src] * norm[dst])[:, None]
    h = x @ W
    msg = h[src] * coeff
    out = jax.ops.segment_sum(msg, dst, num_segments=N)
    return out + b


def setup_inputs(seed: int = 0):
    key = jax.random.key(seed)
    ks = jax.random.split(key, 6)
    N, E = 10000, 320000
    d_in, d_hid, d_out = 128, 256, 256
    x = jax.random.normal(ks[0], (N, d_in), dtype=jnp.float32)
    edge_index = jax.random.randint(ks[1], (2, E), 0, N, dtype=jnp.int32)
    W1 = jax.random.normal(ks[2], (d_in, d_hid), dtype=jnp.float32) * (1.0 / np.sqrt(d_in))
    b1 = jnp.zeros((d_hid,), dtype=jnp.float32)
    W2 = jax.random.normal(ks[3], (d_hid, d_out), dtype=jnp.float32) * (1.0 / np.sqrt(d_hid))
    b2 = jnp.zeros((d_out,), dtype=jnp.float32)
    return {"x": x, "edge_index": edge_index, "W1": W1, "b1": b1, "W2": W2, "b2": b2}


def reference(x, edge_index, W1, b1, W2, b2):
    h = gcn_conv(x, edge_index, W1, b1)
    h = jax.nn.relu(h)
    out = gcn_conv(h, edge_index, W2, b2)
    return out

if __name__ == "__main__":
    import jax
    _d = setup_inputs()
    print(jax.jit(kernel)(*tuple(_d.values())))

</pallas_src>

<mosaic_0001>
#map = affine_map<(d0, d1) -> (0, 0, 0)>
#map1 = affine_map<(d0, d1) -> (0, 0)>
module attributes {stable_mosaic.version = 14 : i64} {
  func.func @agg_kernel(%arg0: i32, %arg1: i32, %arg2: memref<2x10240x128xf32, #tpu.memory_space<hbm>>, %arg3: memref<2560x128xi32, #tpu.memory_space<hbm>>, %arg4: memref<2560x128xi32, #tpu.memory_space<hbm>>, %arg5: memref<2x10240x128xf32, #tpu.memory_space<hbm>>, %arg6: memref<10240x128xf32, #tpu.memory_space<vmem_shared>>, %arg7: memref<2x16x128xi32, #tpu.memory_space<vmem>>, %arg8: memref<2x16x128xi32, #tpu.memory_space<vmem>>, %arg9: memref<128x128xf32, #tpu.memory_space<vmem>>, %arg10: memref<128x128xf32, #tpu.memory_space<vmem>>, %arg11: memref<!tpu.dma_semaphore, #tpu.memory_space<semaphore_mem>>, %arg12: memref<!tpu.dma_semaphore, #tpu.memory_space<semaphore_mem>>, %arg13: memref<!tpu.dma_semaphore, #tpu.memory_space<semaphore_mem>>, %arg14: memref<!tpu.dma_semaphore, #tpu.memory_space<semaphore_mem>>, %arg15: memref<!tpu.dma_semaphore, #tpu.memory_space<semaphore_mem>>) attributes {dimension_semantics = [#tpu.dimension_semantics<core_parallel>, #tpu.dimension_semantics<subcore_parallel>], iteration_bounds = array<i64: 2, 16>, scalar_prefetch = 0 : i64, scratch_operands = 10 : i64, tpu.core_type = #tpu.core_type<sc_vector_subcore>, window_params = [{transform_indices = #map}, {transform_indices = #map1}, {transform_indices = #map1}, {transform_indices = #map}]} {
    %mul3A = arith.constant 160 : i32
    %mul3A_0 = arith.muli %arg1, %mul3A : i32
    %mul3A_1 = arith.constant 640 : i32
    %mul3A_2 = arith.muli %arg1, %mul3A_1 : i32
    %mul3A_3 = arith.constant 640 : i32
    %mul3A_4 = arith.muli %arg1, %mul3A_3 : i32
    "tpu.region"() ({
      %run_scoped3A_80 = tpu.sem_alloc : memref<!tpu.dma_semaphore, #tpu.memory_space<semaphore_mem>>
      %dma_start3A_81 = arith.constant 0 : i32
      %dma_start3A_82 = tpu.memref_slice %arg6[%mul3A_4, %dma_start3A_81] : memref<10240x128xf32, #tpu.memory_space<vmem_shared>> -> memref<640x128xf32, #tpu.memory_space<vmem_shared>>
      %dma_start3A_83 = arith.constant 0 : i32
      %dma_start3A_84 = arith.constant 0 : i32
      %dma_start3A_85 = tpu.memref_slice %arg2[%arg0, %dma_start3A_83, %dma_start3A_84] : memref<2x10240x128xf32, #tpu.memory_space<hbm>> -> memref<1x10240x128xf32, #tpu.memory_space<hbm>>
      %dma_start3A_86 = tpu.memref_squeeze %dma_start3A_85 : memref<1x10240x128xf32, #tpu.memory_space<hbm>> -> memref<10240x128xf32, #tpu.memory_space<hbm>>
      %dma_start3A_87 = arith.constant 0 : i32
      %dma_start3A_88 = tpu.memref_slice %dma_start3A_86[%mul3A_2, %dma_start3A_87] : memref<10240x128xf32, #tpu.memory_space<hbm>> -> memref<640x128xf32, #tpu.memory_space<hbm>>
      tpu.enqueue_dma source(%dma_start3A_88 : memref<640x128xf32, #tpu.memory_space<hbm>>) target(%dma_start3A_82 : memref<640x128xf32, #tpu.memory_space<vmem_shared>>) target_semaphore(%run_scoped3A_80 : memref<!tpu.dma_semaphore, #tpu.memory_space<semaphore_mem>>)
      %dma_wait3A_89 = arith.constant 0 : i32
      %dma_wait3A_90 = tpu.memref_slice %arg6[%mul3A_4, %dma_wait3A_89] : memref<10240x128xf32, #tpu.memory_space<vmem_shared>> -> memref<640x128xf32, #tpu.memory_space<vmem_shared>>
      %dma_wait3A_91 = arith.constant 0 : i32
      %dma_wait3A_92 = arith.constant 0 : i32
      %dma_wait3A_93 = tpu.memref_slice %arg2[%arg0, %dma_wait3A_91, %dma_wait3A_92] : memref<2x10240x128xf32, #tpu.memory_space<hbm>> -> memref<1x10240x128xf32, #tpu.memory_space<hbm>>
      %dma_wait3A_94 = tpu.memref_squeeze %dma_wait3A_93 : memref<1x10240x128xf32, #tpu.memory_space<hbm>> -> memref<10240x128xf32, #tpu.memory_space<hbm>>
      %dma_wait3A_95 = arith.constant 0 : i32
      %dma_wait3A_96 = tpu.memref_slice %dma_wait3A_94[%mul3A_2, %dma_wait3A_95] : memref<10240x128xf32, #tpu.memory_space<hbm>> -> memref<640x128xf32, #tpu.memory_space<hbm>>
      tpu.wait_dma2 semaphore(%run_scoped3A_80 : memref<!tpu.dma_semaphore, #tpu.memory_space<semaphore_mem>>) src(%dma_wait3A_96 : memref<640x128xf32, #tpu.memory_space<hbm>>) dst(%dma_wait3A_90 : memref<640x128xf32, #tpu.memory_space<vmem_shared>>)
      tpu.yield
    }) : () -> ()
    %barrier3A = arith.constant 0 : index
    tpu.barrier barrier_id(%barrier3A)
    %run_scoped3A = arith.constant 0 : i32
    "tpu.region"() ({
      %run_scoped3A_80 = tpu.sem_alloc : memref<!tpu.dma_semaphore, #tpu.memory_space<semaphore_mem>>
      %dma_start3A_81 = arith.constant 0 : i32
      %dma_start3A_82 = arith.constant 0 : i32
      %dma_start3A_83 = tpu.memref_slice %arg7[%run_scoped3A, %dma_start3A_81, %dma_start3A_82] : memref<2x16x128xi32, #tpu.memory_space<vmem>> -> memref<1x16x128xi32, #tpu.memory_space<vmem>>
      %dma_start3A_84 = tpu.memref_squeeze %dma_start3A_83 : memref<1x16x128xi32, #tpu.memory_space<vmem>> -> memref<16x128xi32, #tpu.memory_space<vmem>>
      %dma_start3A_85 = arith.constant 0 : i32
      %dma_start3A_86 = tpu.memref_slice %arg3[%mul3A_0, %dma_start3A_85] : memref<2560x128xi32, #tpu.memory_space<hbm>> -> memref<16x128xi32, #tpu.memory_space<hbm>>
      %dma_start3A_87 = arith.constant 0 : i32
      %dma_start3A_88 = arith.constant 0 : i32
      %dma_start3A_89 = tpu.memref_slice %arg7[%run_scoped3A, %dma_start3A_87, %dma_start3A_88] : memref<2x16x128xi32, #tpu.memory_space<vmem>> -> memref<1x16x128xi32, #tpu.memory_space<vmem>>
      %dma_start3A_90 = tpu.memref_squeeze %dma_start3A_89 : memref<1x16x128xi32, #tpu.memory_space<vmem>> -> memref<16x128xi32, #tpu.memory_space<vmem>>
      %dma_start3A_91 = arith.constant 0 : i32
      %dma_start3A_92 = tpu.memref_slice %arg3[%mul3A_0, %dma_start3A_91] : memref<2560x128xi32, #tpu.memory_space<hbm>> -> memref<16x128xi32, #tpu.memory_space<hbm>>
      tpu.enqueue_dma source(%dma_start3A_92 : memref<16x128xi32, #tpu.memory_space<hbm>>) target(%dma_start3A_90 : memref<16x128xi32, #tpu.memory_space<vmem>>) target_semaphore(%run_scoped3A_80 : memref<!tpu.dma_semaphore, #tpu.memory_space<semaphore_mem>>)
      %dma_wait3A_93 = arith.constant 0 : i32
      %dma_wait3A_94 = arith.constant 0 : i32
      %dma_wait3A_95 = tpu.memref_slice %arg7[%run_scoped3A, %dma_wait3A_93, %dma_wait3A_94] : memref<2x16x128xi32, #tpu.memory_space<vmem>> -> memref<1x16x128xi32, #tpu.memory_space<vmem>>
      %dma_wait3A_96 = tpu.memref_squeeze %dma_wait3A_95 : memref<1x16x128xi32, #tpu.memory_space<vmem>> -> memref<16x128xi32, #tpu.memory_space<vmem>>
      %dma_wait3A_97 = arith.constant 0 : i32
      %dma_wait3A_98 = tpu.memref_slice %arg3[%mul3A_0, %dma_wait3A_97] : memref<2560x128xi32, #tpu.memory_space<hbm>> -> memref<16x128xi32, #tpu.memory_space<hbm>>
      %dma_wait3A_99 = arith.constant 0 : i32
      %dma_wait3A_100 = arith.constant 0 : i32
      %dma_wait3A_101 = tpu.memref_slice %arg7[%run_scoped3A, %dma_wait3A_99, %dma_wait3A_100] : memref<2x16x128xi32, #tpu.memory_space<vmem>> -> memref<1x16x128xi32, #tpu.memory_space<vmem>>
      %dma_wait3A_102 = tpu.memref_squeeze %dma_wait3A_101 : memref<1x16x128xi32, #tpu.memory_space<vmem>> -> memref<16x128xi32, #tpu.memory_space<vmem>>
      %dma_wait3A_103 = arith.constant 0 : i32
      %dma_wait3A_104 = tpu.memref_slice %arg3[%mul3A_0, %dma_wait3A_103] : memref<2560x128xi32, #tpu.memory_space<hbm>> -> memref<16x128xi32, #tpu.memory_space<hbm>>
      tpu.wait_dma2 semaphore(%run_scoped3A_80 : memref<!tpu.dma_semaphore, #tpu.memory_space<semaphore_mem>>) src(%dma_wait3A_104 : memref<16x128xi32, #tpu.memory_space<hbm>>) dst(%dma_wait3A_102 : memref<16x128xi32, #tpu.memory_space<vmem>>)
      tpu.yield
    }) : () -> ()
    %run_scoped3A_5 = arith.constant 0 : i32
    "tpu.region"() ({
      %run_scoped3A_80 = tpu.sem_alloc : memref<!tpu.dma_semaphore, #tpu.memory_space<semaphore_mem>>
      %dma_start3A_81 = arith.constant 0 : i32
      %dma_start3A_82 = arith.constant 0 : i32
      %dma_start3A_83 = tpu.memref_slice %arg8[%run_scoped3A_5, %dma_start3A_81, %dma_start3A_82] : memref<2x16x128xi32, #tpu.memory_space<vmem>> -> memref<1x16x128xi32, #tpu.memory_space<vmem>>
      %dma_start3A_84 = tpu.memref_squeeze %dma_start3A_83 : memref<1x16x128xi32, #tpu.memory_space<vmem>> -> memref<16x128xi32, #tpu.memory_space<vmem>>
      %dma_start3A_85 = arith.constant 0 : i32
      %dma_start3A_86 = tpu.memref_slice %arg4[%mul3A_0, %dma_start3A_85] : memref<2560x128xi32, #tpu.memory_space<hbm>> -> memref<16x128xi32, #tpu.memory_space<hbm>>
      %dma_start3A_87 = arith.constant 0 : i32
      %dma_start3A_88 = arith.constant 0 : i32
      %dma_start3A_89 = tpu.memref_slice %arg8[%run_scoped3A_5, %dma_start3A_87, %dma_start3A_88] : memref<2x16x128xi32, #tpu.memory_space<vmem>> -> memref<1x16x128xi32, #tpu.memory_space<vmem>>
      %dma_start3A_90 = tpu.memref_squeeze %dma_start3A_89 : memref<1x16x128xi32, #tpu.memory_space<vmem>> -> memref<16x128xi32, #tpu.memory_space<vmem>>
      %dma_start3A_91 = arith.constant 0 : i32
      %dma_start3A_92 = tpu.memref_slice %arg4[%mul3A_0, %dma_start3A_91] : memref<2560x128xi32, #tpu.memory_space<hbm>> -> memref<16x128xi32, #tpu.memory_space<hbm>>
      tpu.enqueue_dma source(%dma_start3A_92 : memref<16x128xi32, #tpu.memory_space<hbm>>) target(%dma_start3A_90 : memref<16x128xi32, #tpu.memory_space<vmem>>) target_semaphore(%run_scoped3A_80 : memref<!tpu.dma_semaphore, #tpu.memory_space<semaphore_mem>>)
      %dma_wait3A_93 = arith.constant 0 : i32
      %dma_wait3A_94 = arith.constant 0 : i32
      %dma_wait3A_95 = tpu.memref_slice %arg8[%run_scoped3A_5, %dma_wait3A_93, %dma_wait3A_94] : memref<2x16x128xi32, #tpu.memory_space<vmem>> -> memref<1x16x128xi32, #tpu.memory_space<vmem>>
      %dma_wait3A_96 = tpu.memref_squeeze %dma_wait3A_95 : memref<1x16x128xi32, #tpu.memory_space<vmem>> -> memref<16x128xi32, #tpu.memory_space<vmem>>
      %dma_wait3A_97 = arith.constant 0 : i32
      %dma_wait3A_98 = tpu.memref_slice %arg4[%mul3A_0, %dma_wait3A_97] : memref<2560x128xi32, #tpu.memory_space<hbm>> -> memref<16x128xi32, #tpu.memory_space<hbm>>
      %dma_wait3A_99 = arith.constant 0 : i32
      %dma_wait3A_100 = arith.constant 0 : i32
      %dma_wait3A_101 = tpu.memref_slice %arg8[%run_scoped3A_5, %dma_wait3A_99, %dma_wait3A_100] : memref<2x16x128xi32, #tpu.memory_space<vmem>> -> memref<1x16x128xi32, #tpu.memory_space<vmem>>
      %dma_wait3A_102 = tpu.memref_squeeze %dma_wait3A_101 : memref<1x16x128xi32, #tpu.memory_space<vmem>> -> memref<16x128xi32, #tpu.memory_space<vmem>>
      %dma_wait3A_103 = arith.constant 0 : i32
      %dma_wait3A_104 = tpu.memref_slice %arg4[%mul3A_0, %dma_wait3A_103] : memref<2560x128xi32, #tpu.memory_space<hbm>> -> memref<16x128xi32, #tpu.memory_space<hbm>>
      tpu.wait_dma2 semaphore(%run_scoped3A_80 : memref<!tpu.dma_semaphore, #tpu.memory_space<semaphore_mem>>) src(%dma_wait3A_104 : memref<16x128xi32, #tpu.memory_space<hbm>>) dst(%dma_wait3A_102 : memref<16x128xi32, #tpu.memory_space<vmem>>)
      tpu.yield
    }) : () -> ()
    %add3A = arith.constant 16 : i32
    %add3A_6 = arith.addi %mul3A_0, %add3A : i32
    %dma_start3A = arith.constant 1 : i32
    %dma_start3A_7 = arith.constant 0 : i32
    %dma_start3A_8 = arith.constant 0 : i32
    %dma_start3A_9 = tpu.memref_slice %arg7[%dma_start3A, %dma_start3A_7, %dma_start3A_8] : memref<2x16x128xi32, #tpu.memory_space<vmem>> -> memref<1x16x128xi32, #tpu.memory_space<vmem>>
    %dma_start3A_10 = tpu.memref_squeeze %dma_start3A_9 : memref<1x16x128xi32, #tpu.memory_space<vmem>> -> memref<16x128xi32, #tpu.memory_space<vmem>>
    %dma_start3A_11 = arith.constant 0 : i32
    %dma_start3A_12 = tpu.memref_slice %arg3[%add3A_6, %dma_start3A_11] : memref<2560x128xi32, #tpu.memory_space<hbm>> -> memref<16x128xi32, #tpu.memory_space<hbm>>
    %dma_start3A_13 = arith.constant 0 : i32
    %dma_start3A_14 = arith.constant 0 : i32
    %dma_start3A_15 = tpu.memref_slice %arg7[%dma_start3A, %dma_start3A_13, %dma_start3A_14] : memref<2x16x128xi32, #tpu.memory_space<vmem>> -> memref<1x16x128xi32, #tpu.memory_space<vmem>>
    %dma_start3A_16 = tpu.memref_squeeze %dma_start3A_15 : memref<1x16x128xi32, #tpu.memory_space<vmem>> -> memref<16x128xi32, #tpu.memory_space<vmem>>
    %dma_start3A_17 = arith.constant 0 : i32
    %dma_start3A_18 = tpu.memref_slice %arg3[%add3A_6, %dma_start3A_17] : memref<2560x128xi32, #tpu.memory_space<hbm>> -> memref<16x128xi32, #tpu.memory_space<hbm>>
    tpu.enqueue_dma source(%dma_start3A_18 : memref<16x128xi32, #tpu.memory_space<hbm>>) target(%dma_start3A_16 : memref<16x128xi32, #tpu.memory_space<vmem>>) target_semaphore(%arg15 : memref<!tpu.dma_semaphore, #tpu.memory_space<semaphore_mem>>)
    %dma_start3A_19 = arith.constant 1 : i32
    %dma_start3A_20 = arith.constant 0 : i32
    %dma_start3A_21 = arith.constant 0 : i32
    %dma_start3A_22 = tpu.memref_slice %arg8[%dma_start3A_19, %dma_start3A_20, %dma_start3A_21] : memref<2x16x128xi32, #tpu.memory_space<vmem>> -> memref<1x16x128xi32, #tpu.memory_space<vmem>>
    %dma_start3A_23 = tpu.memref_squeeze %dma_start3A_22 : memref<1x16x128xi32, #tpu.memory_space<vmem>> -> memref<16x128xi32, #tpu.memory_space<vmem>>
    %dma_start3A_24 = arith.constant 0 : i32
    %dma_start3A_25 = tpu.memref_slice %arg4[%add3A_6, %dma_start3A_24] : memref<2560x128xi32, #tpu.memory_space<hbm>> -> memref<16x128xi32, #tpu.memory_space<hbm>>
    %dma_start3A_26 = arith.constant 0 : i32
    %dma_start3A_27 = arith.constant 0 : i32
    %dma_start3A_28 = tpu.memref_slice %arg8[%dma_start3A_19, %dma_start3A_26, %dma_start3A_27] : memref<2x16x128xi32, #tpu.memory_space<vmem>> -> memref<1x16x128xi32, #tpu.memory_space<vmem>>
    %dma_start3A_29 = tpu.memref_squeeze %dma_start3A_28 : memref<1x16x128xi32, #tpu.memory_space<vmem>> -> memref<16x128xi32, #tpu.memory_space<vmem>>
    %dma_start3A_30 = arith.constant 0 : i32
    %dma_start3A_31 = tpu.memref_slice %arg4[%add3A_6, %dma_start3A_30] : memref<2560x128xi32, #tpu.memory_space<hbm>> -> memref<16x128xi32, #tpu.memory_space<hbm>>
    tpu.enqueue_dma source(%dma_start3A_31 : memref<16x128xi32, #tpu.memory_space<hbm>>) target(%dma_start3A_29 : memref<16x128xi32, #tpu.memory_space<vmem>>) target_semaphore(%arg15 : memref<!tpu.dma_semaphore, #tpu.memory_space<semaphore_mem>>)
    %dma_start3A_32 = arith.constant 0 : i32
    %dma_start3A_33 = arith.constant 0 : i32
    %dma_start3A_34 = arith.constant 0 : i32
    %dma_start3A_35 = tpu.memref_slice %arg7[%dma_start3A_32, %dma_start3A_33, %dma_start3A_34] : memref<2x16x128xi32, #tpu.memory_space<vmem>> -> memref<1x1x128xi32, #tpu.memory_space<vmem>>
    %dma_start3A_36 = tpu.memref_squeeze %dma_start3A_35 : memref<1x1x128xi32, #tpu.memory_space<vmem>> -> memref<128xi32, #tpu.memory_space<vmem>>
    %dma_start3A_37 = arith.constant 0 : i32
    %dma_start3A_38 = arith.constant 0 : i32
    %dma_start3A_39 = tpu.memref_slice %arg2[%arg0, %dma_start3A_37, %dma_start3A_38] : memref<2x10240x128xf32, #tpu.memory_space<hbm>> -> memref<1x10240x128xf32, #tpu.memory_space<hbm>>
    %dma_start3A_40 = tpu.memref_squeeze %dma_start3A_39 : memref<1x10240x128xf32, #tpu.memory_space<hbm>> -> memref<10240x128xf32, #tpu.memory_space<hbm>>
    %dma_start3A_41 = arith.constant 0 : i32
    %dma_start3A_42 = arith.constant 0 : i32
    %dma_start3A_43 = tpu.memref_slice %dma_start3A_40[%dma_start3A_41, %dma_start3A_42] : memref<10240x128xf32, #tpu.memory_space<hbm>> -> memref<10240x128xf32, #tpu.memory_space<hbm>>
    tpu.enqueue_indirect_dma source(%dma_start3A_43 : memref<10240x128xf32, #tpu.memory_space<hbm>>) target(%arg9 : memref<128x128xf32, #tpu.memory_space<vmem>>) offsets(%dma_start3A_36 : memref<128xi32, #tpu.memory_space<vmem>>) semaphore(%arg11 : memref<!tpu.dma_semaphore, #tpu.memory_space<semaphore_mem>>)
    %scan3A = arith.constant 0 : i32
    %scan3A_44 = arith.constant 80 : i32
    %scan3A_45 = arith.addi %scan3A, %scan3A_44 : i32
    %scan3A_46 = arith.constant 1 : i32
    scf.for %scan3A_80 = %scan3A to %scan3A_45 step %scan3A_46  : i32 {
      %mul3A_81 = arith.constant 2 : i32
      %mul3A_82 = arith.muli %scan3A_80, %mul3A_81 : i32
      %add3A_83 = arith.constant 0 : i32
      %add3A_84 = arith.addi %add3A_83, %mul3A_82 : i32
      %jit3A = arith.constant 16 : i32
      %eq3A = arith.constant 0 : i32
      %eq3A_85 = arith.cmpi eq, %jit3A, %eq3A : i32
      %jit3A_86 = arith.constant 1 : i32
      %select_n3A = arith.select %eq3A_85, %jit3A_86, %jit3A : i32
      %rem3A = arith.remsi %add3A_84, %select_n3A : i32
      %ne3A = arith.constant 0 : i32
      %ne3A_87 = arith.cmpi ne, %rem3A, %ne3A : i32
      %lt3A = arith.constant 0 : i32
      %lt3A_88 = arith.cmpi slt, %rem3A, %lt3A : i32
      %lt3A_89 = arith.constant 0 : i32
      %lt3A_90 = arith.cmpi slt, %select_n3A, %lt3A_89 : i32
      %ne3A_91 = arith.xori %lt3A_88, %lt3A_90 : i1
      %and3A = arith.andi %ne3A_91, %ne3A_87 : i1
      %add3A_92 = arith.addi %rem3A, %select_n3A : i32
      %select_n3A_93 = arith.select %and3A, %add3A_92, %rem3A : i32
      %eq3A_94 = arith.constant 2 : i32
      %eq3A_95 = arith.cmpi eq, %select_n3A_93, %eq3A_94 : i32
      %jit3A_96 = arith.constant 16 : i32
      %div3A = arith.divsi %add3A_84, %jit3A_96 : i32
      %sign3A = arith.constant 0 : i32
      %sign3A_97 = arith.cmpi sgt, %add3A_84, %sign3A : i32
      %sign3A_98 = arith.extui %sign3A_97 : i1 to i32
      %sign3A_99 = arith.constant 0 : i32
      %sign3A_100 = arith.cmpi slt, %add3A_84, %sign3A_99 : i32
      %sign3A_101 = arith.extui %sign3A_100 : i1 to i32
      %sign3A_102 = arith.subi %sign3A_98, %sign3A_101 : i32
      %sign3A_103 = arith.constant 0 : i32
      %sign3A_104 = arith.cmpi sgt, %jit3A_96, %sign3A_103 : i32
      %sign3A_105 = arith.extui %sign3A_104 : i1 to i32
      %sign3A_106 = arith.constant 0 : i32
      %sign3A_107 = arith.cmpi slt, %jit3A_96, %sign3A_106 : i32
      %sign3A_108 = arith.extui %sign3A_107 : i1 to i32
      %sign3A_109 = arith.subi %sign3A_105, %sign3A_108 : i32
      %ne3A_110 = arith.cmpi ne, %sign3A_102, %sign3A_109 : i32
      %rem3A_111 = arith.remsi %add3A_84, %jit3A_96 : i32
      %ne3A_112 = arith.constant 0 : i32
      %ne3A_113 = arith.cmpi ne, %rem3A_111, %ne3A_112 : i32
      %and3A_114 = arith.andi %ne3A_110, %ne3A_113 : i1
      %sub3A = arith.constant 1 : i32
      %sub3A_115 = arith.subi %div3A, %sub3A : i32
      %select_n3A_116 = arith.select %and3A_114, %sub3A_115, %div3A : i32
      %ge3A = arith.constant 1 : i32
      %ge3A_117 = arith.cmpi sge, %select_n3A_116, %ge3A : i32
      %jit3A_118 = arith.constant 16 : i32
      %div3A_119 = arith.divsi %add3A_84, %jit3A_118 : i32
      %sign3A_120 = arith.constant 0 : i32
      %sign3A_121 = arith.cmpi sgt, %add3A_84, %sign3A_120 : i32
      %sign3A_122 = arith.extui %sign3A_121 : i1 to i32
      %sign3A_123 = arith.constant 0 : i32
      %sign3A_124 = arith.cmpi slt, %add3A_84, %sign3A_123 : i32
      %sign3A_125 = arith.extui %sign3A_124 : i1 to i32
      %sign3A_126 = arith.subi %sign3A_122, %sign3A_125 : i32
      %sign3A_127 = arith.constant 0 : i32
      %sign3A_128 = arith.cmpi sgt, %jit3A_118, %sign3A_127 : i32
      %sign3A_129 = arith.extui %sign3A_128 : i1 to i32
      %sign3A_130 = arith.constant 0 : i32
      %sign3A_131 = arith.cmpi slt, %jit3A_118, %sign3A_130 : i32
      %sign3A_132 = arith.extui %sign3A_131 : i1 to i32
      %sign3A_133 = arith.subi %sign3A_129, %sign3A_132 : i32
      %ne3A_134 = arith.cmpi ne, %sign3A_126, %sign3A_133 : i32
      %rem3A_135 = arith.remsi %add3A_84, %jit3A_118 : i32
      %ne3A_136 = arith.constant 0 : i32
      %ne3A_137 = arith.cmpi ne, %rem3A_135, %ne3A_136 : i32
      %and3A_138 = arith.andi %ne3A_134, %ne3A_137 : i1
      %sub3A_139 = arith.constant 1 : i32
      %sub3A_140 = arith.subi %div3A_119, %sub3A_139 : i32
      %select_n3A_141 = arith.select %and3A_138, %sub3A_140, %div3A_119 : i32
      %add3A_142 = arith.constant 1 : i32
      %add3A_143 = arith.addi %select_n3A_141, %add3A_142 : i32
      %lt3A_144 = arith.constant 10 : i32
      %lt3A_145 = arith.cmpi slt, %add3A_143, %lt3A_144 : i32
      %and3A_146 = arith.andi %ge3A_117, %lt3A_145 : i1
      %and3A_147 = arith.andi %eq3A_95, %and3A_146 : i1
      %convert_element_type3A = arith.extui %and3A_147 : i1 to i32
      %cond3A = arith.constant 0 : i32
      %cond3A_148 = arith.cmpi ne, %convert_element_type3A, %cond3A : i32
      scf.if %cond3A_148 {
        %jit3A_382 = arith.constant 16 : i32
        %div3A_383 = arith.divsi %add3A_84, %jit3A_382 : i32
        %sign3A_384 = arith.constant 0 : i32
        %sign3A_385 = arith.cmpi sgt, %add3A_84, %sign3A_384 : i32
        %sign3A_386 = arith.extui %sign3A_385 : i1 to i32
        %sign3A_387 = arith.constant 0 : i32
        %sign3A_388 = arith.cmpi slt, %add3A_84, %sign3A_387 : i32
        %sign3A_389 = arith.extui %sign3A_388 : i1 to i32
        %sign3A_390 = arith.subi %sign3A_386, %sign3A_389 : i32
        %sign3A_391 = arith.constant 0 : i32
        %sign3A_392 = arith.cmpi sgt, %jit3A_382, %sign3A_391 : i32
        %sign3A_393 = arith.extui %sign3A_392 : i1 to i32
        %sign3A_394 = arith.constant 0 : i32
        %sign3A_395 = arith.cmpi slt, %jit3A_382, %sign3A_394 : i32
        %sign3A_396 = arith.extui %sign3A_395 : i1 to i32
        %sign3A_397 = arith.subi %sign3A_393, %sign3A_396 : i32
        %ne3A_398 = arith.cmpi ne, %sign3A_390, %sign3A_397 : i32
        %rem3A_399 = arith.remsi %add3A_84, %jit3A_382 : i32
        %ne3A_400 = arith.constant 0 : i32
        %ne3A_401 = arith.cmpi ne, %rem3A_399, %ne3A_400 : i32
        %and3A_402 = arith.andi %ne3A_398, %ne3A_401 : i1
        %sub3A_403 = arith.constant 1 : i32
        %sub3A_404 = arith.subi %div3A_383, %sub3A_403 : i32
        %select_n3A_405 = arith.select %and3A_402, %sub3A_404, %div3A_383 : i32
        %add3A_406 = arith.constant 1 : i32
        %add3A_407 = arith.addi %select_n3A_405, %add3A_406 : i32
        %mul3A_408 = arith.constant 16 : i32
        %mul3A_409 = arith.muli %add3A_407, %mul3A_408 : i32
        %add3A_410 = arith.addi %mul3A_0, %mul3A_409 : i32
        %jit3A_411 = arith.constant 2 : i32
        %eq3A_412 = arith.constant 0 : i32
        %eq3A_413 = arith.cmpi eq, %jit3A_411, %eq3A_412 : i32
        %jit3A_414 = arith.constant 1 : i32
        %select_n3A_415 = arith.select %eq3A_413, %jit3A_414, %jit3A_411 : i32
        %rem3A_416 = arith.remsi %add3A_407, %select_n3A_415 : i32
        %ne3A_417 = arith.constant 0 : i32
        %ne3A_418 = arith.cmpi ne, %rem3A_416, %ne3A_417 : i32
        %lt3A_419 = arith.constant 0 : i32
        %lt3A_420 = arith.cmpi slt, %rem3A_416, %lt3A_419 : i32
        %lt3A_421 = arith.constant 0 : i32
        %lt3A_422 = arith.cmpi slt, %select_n3A_415, %lt3A_421 : i32
        %ne3A_423 = arith.xori %lt3A_420, %lt3A_422 : i1
        %and3A_424 = arith.andi %ne3A_423, %ne3A_418 : i1
        %add3A_425 = arith.addi %rem3A_416, %select_n3A_415 : i32
        %select_n3A_426 = arith.select %and3A_424, %add3A_425, %rem3A_416 : i32
        %dma_start3A_427 = arith.constant 0 : i32
        %dma_start3A_428 = arith.constant 0 : i32
        %dma_start3A_429 = tpu.memref_slice %arg7[%select_n3A_426, %dma_start3A_427, %dma_start3A_428] : memref<2x16x128xi32, #tpu.memory_space<vmem>> -> memref<1x16x128xi32, #tpu.memory_space<vmem>>
        %dma_start3A_430 = tpu.memref_squeeze %dma_start3A_429 : memref<1x16x128xi32, #tpu.memory_space<vmem>> -> memref<16x128xi32, #tpu.memory_space<vmem>>
        %dma_start3A_431 = arith.constant 0 : i32
        %dma_start3A_432 = tpu.memref_slice %arg3[%add3A_410, %dma_start3A_431] : memref<2560x128xi32, #tpu.memory_space<hbm>> -> memref<16x128xi32, #tpu.memory_space<hbm>>
        %dma_start3A_433 = arith.constant 0 : i32
        %dma_start3A_434 = arith.constant 0 : i32
        %dma_start3A_435 = tpu.memref_slice %arg7[%select_n3A_426, %dma_start3A_433, %dma_start3A_434] : memref<2x16x128xi32, #tpu.memory_space<vmem>> -> memref<1x16x128xi32, #tpu.memory_space<vmem>>
        %dma_start3A_436 = tpu.memref_squeeze %dma_start3A_435 : memref<1x16x128xi32, #tpu.memory_space<vmem>> -> memref<16x128xi32, #tpu.memory_space<vmem>>
        %dma_start3A_437 = arith.constant 0 : i32
        %dma_start3A_438 = tpu.memref_slice %arg3[%add3A_410, %dma_start3A_437] : memref<2560x128xi32, #tpu.memory_space<hbm>> -> memref<16x128xi32, #tpu.memory_space<hbm>>
        tpu.enqueue_dma source(%dma_start3A_438 : memref<16x128xi32, #tpu.memory_space<hbm>>) target(%dma_start3A_436 : memref<16x128xi32, #tpu.memory_space<vmem>>) target_semaphore(%arg15 : memref<!tpu.dma_semaphore, #tpu.memory_space<semaphore_mem>>)
        %jit3A_439 = arith.constant 2 : i32
        %eq3A_440 = arith.constant 0 : i32
        %eq3A_441 = arith.cmpi eq, %jit3A_439, %eq3A_440 : i32
        %jit3A_442 = arith.constant 1 : i32
        %select_n3A_443 = arith.select %eq3A_441, %jit3A_442, %jit3A_439 : i32
        %rem3A_444 = arith.remsi %add3A_407, %select_n3A_443 : i32
        %ne3A_445 = arith.constant 0 : i32
        %ne3A_446 = arith.cmpi ne, %rem3A_444, %ne3A_445 : i32
        %lt3A_447 = arith.constant 0 : i32
        %lt3A_448 = arith.cmpi slt, %rem3A_444, %lt3A_447 : i32
        %lt3A_449 = arith.constant 0 : i32
        %lt3A_450 = arith.cmpi slt, %select_n3A_443, %lt3A_449 : i32
        %ne3A_451 = arith.xori %lt3A_448, %lt3A_450 : i1
        %and3A_452 = arith.andi %ne3A_451, %ne3A_446 : i1
        %add3A_453 = arith.addi %rem3A_444, %select_n3A_443 : i32
        %select_n3A_454 = arith.select %and3A_452, %add3A_453, %rem3A_444 : i32
        %dma_start3A_455 = arith.constant 0 : i32
        %dma_start3A_456 = arith.constant 0 : i32
        %dma_start3A_457 = tpu.memref_slice %arg8[%select_n3A_454, %dma_start3A_455, %dma_start3A_456] : memref<2x16x128xi32, #tpu.memory_space<vmem>> -> memref<1x16x128xi32, #tpu.memory_space<vmem>>
        %dma_start3A_458 = tpu.memref_squeeze %dma_start3A_457 : memref<1x16x128xi32, #tpu.memory_space<vmem>> -> memref<16x128xi32, #tpu.memory_space<vmem>>
        %dma_start3A_459 = arith.constant 0 : i32
        %dma_start3A_460 = tpu.memref_slice %arg4[%add3A_410, %dma_start3A_459] : memref<2560x128xi32, #tpu.memory_space<hbm>> -> memref<16x128xi32, #tpu.memory_space<hbm>>
        %dma_start3A_461 = arith.constant 0 : i32
        %dma_start3A_462 = arith.constant 0 : i32
        %dma_start3A_463 = tpu.memref_slice %arg8[%select_n3A_454, %dma_start3A_461, %dma_start3A_462] : memref<2x16x128xi32, #tpu.memory_space<vmem>> -> memref<1x16x128xi32, #tpu.memory_space<vmem>>
        %dma_start3A_464 = tpu.memref_squeeze %dma_start3A_463 : memref<1x16x128xi32, #tpu.memory_space<vmem>> -> memref<16x128xi32, #tpu.memory_space<vmem>>
        %dma_start3A_465 = arith.constant 0 : i32
        %dma_start3A_466 = tpu.memref_slice %arg4[%add3A_410, %dma_start3A_465] : memref<2560x128xi32, #tpu.memory_space<hbm>> -> memref<16x128xi32, #tpu.memory_space<hbm>>
        tpu.enqueue_dma source(%dma_start3A_466 : memref<16x128xi32, #tpu.memory_space<hbm>>) target(%dma_start3A_464 : memref<16x128xi32, #tpu.memory_space<vmem>>) target_semaphore(%arg15 : memref<!tpu.dma_semaphore, #tpu.memory_space<semaphore_mem>>)
      } else {
      }
      %gt3A = arith.constant 0 : i32
      %gt3A_149 = arith.cmpi sgt, %add3A_84, %gt3A : i32
      %convert_element_type3A_150 = arith.extui %gt3A_149 : i1 to i32
      %cond3A_151 = arith.constant 0 : i32
      %cond3A_152 = arith.cmpi ne, %convert_element_type3A_150, %cond3A_151 : i32
      scf.if %cond3A_152 {
        %dma_wait3A_382 = arith.constant 0 : i32
        %dma_wait3A_383 = arith.constant 0 : i32
        %dma_wait3A_384 = tpu.memref_slice %arg2[%arg0, %dma_wait3A_382, %dma_wait3A_383] : memref<2x10240x128xf32, #tpu.memory_space<hbm>> -> memref<1x10240x128xf32, #tpu.memory_space<hbm>>
        %dma_wait3A_385 = tpu.memref_squeeze %dma_wait3A_384 : memref<1x10240x128xf32, #tpu.memory_space<hbm>> -> memref<10240x128xf32, #tpu.memory_space<hbm>>
        %dma_wait3A_386 = arith.constant 0 : i32
        %dma_wait3A_387 = arith.constant 0 : i32
        %dma_wait3A_388 = tpu.memref_slice %dma_wait3A_385[%dma_wait3A_386, %dma_wait3A_387] : memref<10240x128xf32, #tpu.memory_space<hbm>> -> memref<128x128xf32, #tpu.memory_space<hbm>>
        %dma_wait3A_389 = arith.constant 0 : i32
        %dma_wait3A_390 = arith.constant 0 : i32
        %dma_wait3A_391 = tpu.memref_slice %arg2[%arg0, %dma_wait3A_389, %dma_wait3A_390] : memref<2x10240x128xf32, #tpu.memory_space<hbm>> -> memref<1x10240x128xf32, #tpu.memory_space<hbm>>
        %dma_wait3A_392 = tpu.memref_squeeze %dma_wait3A_391 : memref<1x10240x128xf32, #tpu.memory_space<hbm>> -> memref<10240x128xf32, #tpu.memory_space<hbm>>
        %dma_wait3A_393 = arith.constant 0 : i32
        %dma_wait3A_394 = arith.constant 0 : i32
        %dma_wait3A_395 = tpu.memref_slice %dma_wait3A_392[%dma_wait3A_393, %dma_wait3A_394] : memref<10240x128xf32, #tpu.memory_space<hbm>> -> memref<128x128xf32, #tpu.memory_space<hbm>>
        tpu.wait_dma2 semaphore(%arg14 : memref<!tpu.dma_semaphore, #tpu.memory_space<semaphore_mem>>) src(%dma_wait3A_395 : memref<128x128xf32, #tpu.memory_space<hbm>>) dst(%arg10 : memref<128x128xf32, #tpu.memory_space<vmem>>)
      } else {
      }
      %add3A_153 = arith.constant 1 : i32
      %add3A_154 = arith.addi %add3A_84, %add3A_153 : i32
      %jit3A_155 = arith.constant 16 : i32
      %div3A_156 = arith.divsi %add3A_154, %jit3A_155 : i32
      %sign3A_157 = arith.constant 0 : i32
      %sign3A_158 = arith.cmpi sgt, %add3A_154, %sign3A_157 : i32
      %sign3A_159 = arith.extui %sign3A_158 : i1 to i32
      %sign3A_160 = arith.constant 0 : i32
      %sign3A_161 = arith.cmpi slt, %add3A_154, %sign3A_160 : i32
      %sign3A_162 = arith.extui %sign3A_161 : i1 to i32
      %sign3A_163 = arith.subi %sign3A_159, %sign3A_162 : i32
      %sign3A_164 = arith.constant 0 : i32
      %sign3A_165 = arith.cmpi sgt, %jit3A_155, %sign3A_164 : i32
      %sign3A_166 = arith.extui %sign3A_165 : i1 to i32
      %sign3A_167 = arith.constant 0 : i32
      %sign3A_168 = arith.cmpi slt, %jit3A_155, %sign3A_167 : i32
      %sign3A_169 = arith.extui %sign3A_168 : i1 to i32
      %sign3A_170 = arith.subi %sign3A_166, %sign3A_169 : i32
      %ne3A_171 = arith.cmpi ne, %sign3A_163, %sign3A_170 : i32
      %rem3A_172 = arith.remsi %add3A_154, %jit3A_155 : i32
      %ne3A_173 = arith.constant 0 : i32
      %ne3A_174 = arith.cmpi ne, %rem3A_172, %ne3A_173 : i32
      %and3A_175 = arith.andi %ne3A_171, %ne3A_174 : i1
      %sub3A_176 = arith.constant 1 : i32
      %sub3A_177 = arith.subi %div3A_156, %sub3A_176 : i32
      %select_n3A_178 = arith.select %and3A_175, %sub3A_177, %div3A_156 : i32
      %jit3A_179 = arith.constant 2 : i32
      %eq3A_180 = arith.constant 0 : i32
      %eq3A_181 = arith.cmpi eq, %jit3A_179, %eq3A_180 : i32
      %jit3A_182 = arith.constant 1 : i32
      %select_n3A_183 = arith.select %eq3A_181, %jit3A_182, %jit3A_179 : i32
      %rem3A_184 = arith.remsi %select_n3A_178, %select_n3A_183 : i32
      %ne3A_185 = arith.constant 0 : i32
      %ne3A_186 = arith.cmpi ne, %rem3A_184, %ne3A_185 : i32
      %lt3A_187 = arith.constant 0 : i32
      %lt3A_188 = arith.cmpi slt, %rem3A_184, %lt3A_187 : i32
      %lt3A_189 = arith.constant 0 : i32
      %lt3A_190 = arith.cmpi slt, %select_n3A_183, %lt3A_189 : i32
      %ne3A_191 = arith.xori %lt3A_188, %lt3A_190 : i1
      %and3A_192 = arith.andi %ne3A_191, %ne3A_186 : i1
      %add3A_193 = arith.addi %rem3A_184, %select_n3A_183 : i32
      %select_n3A_194 = arith.select %and3A_192, %add3A_193, %rem3A_184 : i32
      %jit3A_195 = arith.constant 16 : i32
      %eq3A_196 = arith.constant 0 : i32
      %eq3A_197 = arith.cmpi eq, %jit3A_195, %eq3A_196 : i32
      %jit3A_198 = arith.constant 1 : i32
      %select_n3A_199 = arith.select %eq3A_197, %jit3A_198, %jit3A_195 : i32
      %rem3A_200 = arith.remsi %add3A_154, %select_n3A_199 : i32
      %ne3A_201 = arith.constant 0 : i32
      %ne3A_202 = arith.cmpi ne, %rem3A_200, %ne3A_201 : i32
      %lt3A_203 = arith.constant 0 : i32
      %lt3A_204 = arith.cmpi slt, %rem3A_200, %lt3A_203 : i32
      %lt3A_205 = arith.constant 0 : i32
      %lt3A_206 = arith.cmpi slt, %select_n3A_199, %lt3A_205 : i32
      %ne3A_207 = arith.xori %lt3A_204, %lt3A_206 : i1
      %and3A_208 = arith.andi %ne3A_207, %ne3A_202 : i1
      %add3A_209 = arith.addi %rem3A_200, %select_n3A_199 : i32
      %select_n3A_210 = arith.select %and3A_208, %add3A_209, %rem3A_200 : i32
      %dma_start3A_211 = arith.constant 0 : i32
      %dma_start3A_212 = tpu.memref_slice %arg7[%select_n3A_194, %select_n3A_210, %dma_start3A_211] : memref<2x16x128xi32, #tpu.memory_space<vmem>> -> memref<1x1x128xi32, #tpu.memory_space<vmem>>
      %dma_start3A_213 = tpu.memref_squeeze %dma_start3A_212 : memref<1x1x128xi32, #tpu.memory_space<vmem>> -> memref<128xi32, #tpu.memory_space<vmem>>
      %dma_start3A_214 = arith.constant 0 : i32
      %dma_start3A_215 = arith.constant 0 : i32
      %dma_start3A_216 = tpu.memref_slice %arg2[%arg0, %dma_start3A_214, %dma_start3A_215] : memref<2x10240x128xf32, #tpu.memory_space<hbm>> -> memref<1x10240x128xf32, #tpu.memory_space<hbm>>
      %dma_start3A_217 = tpu.memref_squeeze %dma_start3A_216 : memref<1x10240x128xf32, #tpu.memory_space<hbm>> -> memref<10240x128xf32, #tpu.memory_space<hbm>>
      %dma_start3A_218 = arith.constant 0 : i32
      %dma_start3A_219 = arith.constant 0 : i32
      %dma_start3A_220 = tpu.memref_slice %dma_start3A_217[%dma_start3A_218, %dma_start3A_219] : memref<10240x128xf32, #tpu.memory_space<hbm>> -> memref<10240x128xf32, #tpu.memory_space<hbm>>
      tpu.enqueue_indirect_dma source(%dma_start3A_220 : memref<10240x128xf32, #tpu.memory_space<hbm>>) target(%arg10 : memref<128x128xf32, #tpu.memory_space<vmem>>) offsets(%dma_start3A_213 : memref<128xi32, #tpu.memory_space<vmem>>) semaphore(%arg12 : memref<!tpu.dma_semaphore, #tpu.memory_space<semaphore_mem>>)
      %dma_wait3A_221 = arith.constant 0 : i32
      %dma_wait3A_222 = arith.constant 0 : i32
      %dma_wait3A_223 = tpu.memref_slice %arg2[%arg0, %dma_wait3A_221, %dma_wait3A_222] : memref<2x10240x128xf32, #tpu.memory_space<hbm>> -> memref<1x10240x128xf32, #tpu.memory_space<hbm>>
      %dma_wait3A_224 = tpu.memref_squeeze %dma_wait3A_223 : memref<1x10240x128xf32, #tpu.memory_space<hbm>> -> memref<10240x128xf32, #tpu.memory_space<hbm>>
      %dma_wait3A_225 = arith.constant 0 : i32
      %dma_wait3A_226 = arith.constant 0 : i32
      %dma_wait3A_227 = tpu.memref_slice %dma_wait3A_224[%dma_wait3A_225, %dma_wait3A_226] : memref<10240x128xf32, #tpu.memory_space<hbm>> -> memref<128x128xf32, #tpu.memory_space<hbm>>
      %dma_wait3A_228 = arith.constant 0 : i32
      %dma_wait3A_229 = arith.constant 0 : i32
      %dma_wait3A_230 = tpu.memref_slice %arg2[%arg0, %dma_wait3A_228, %dma_wait3A_229] : memref<2x10240x128xf32, #tpu.memory_space<hbm>> -> memref<1x10240x128xf32, #tpu.memory_space<hbm>>
      %dma_wait3A_231 = tpu.memref_squeeze %dma_wait3A_230 : memref<1x10240x128xf32, #tpu.memory_space<hbm>> -> memref<10240x128xf32, #tpu.memory_space<hbm>>
      %dma_wait3A_232 = arith.constant 0 : i32
      %dma_wait3A_233 = arith.constant 0 : i32
      %dma_wait3A_234 = tpu.memref_slice %dma_wait3A_231[%dma_wait3A_232, %dma_wait3A_233] : memref<10240x128xf32, #tpu.memory_space<hbm>> -> memref<128x128xf32, #tpu.memory_space<hbm>>
      tpu.wait_dma2 semaphore(%arg11 : memref<!tpu.dma_semaphore, #tpu.memory_space<semaphore_mem>>) src(%dma_wait3A_234 : memref<128x128xf32, #tpu.memory_space<hbm>>) dst(%arg9 : memref<128x128xf32, #tpu.memory_space<vmem>>)
      %jit3A_235 = arith.constant 16 : i32
      %div3A_236 = arith.divsi %add3A_84, %jit3A_235 : i32
      %sign3A_237 = arith.constant 0 : i32
      %sign3A_238 = arith.cmpi sgt, %add3A_84, %sign3A_237 : i32
      %sign3A_239 = arith.extui %sign3A_238 : i1 to i32
      %sign3A_240 = arith.constant 0 : i32
      %sign3A_241 = arith.cmpi slt, %add3A_84, %sign3A_240 : i32
      %sign3A_242 = arith.extui %sign3A_241 : i1 to i32
      %sign3A_243 = arith.subi %sign3A_239, %sign3A_242 : i32
      %sign3A_244 = arith.constant 0 : i32
      %sign3A_245 = arith.cmpi sgt, %jit3A_235, %sign3A_244 : i32
      %sign3A_246 = arith.extui %sign3A_245 : i1 to i32
      %sign3A_247 = arith.constant 0 : i32
      %sign3A_248 = arith.cmpi slt, %jit3A_235, %sign3A_247 : i32
      %sign3A_249 = arith.extui %sign3A_248 : i1 to i32
      %sign3A_250 = arith.subi %sign3A_246, %sign3A_249 : i32
      %ne3A_251 = arith.cmpi ne, %sign3A_243, %sign3A_250 : i32
      %rem3A_252 = arith.remsi %add3A_84, %jit3A_235 : i32
      %ne3A_253 = arith.constant 0 : i32
      %ne3A_254 = arith.cmpi ne, %rem3A_252, %ne3A_253 : i32
      %and3A_255 = arith.andi %ne3A_251, %ne3A_254 : i1
      %sub3A_256 = arith.constant 1 : i32
      %sub3A_257 = arith.subi %div3A_236, %sub3A_256 : i32
      %select_n3A_258 = arith.select %and3A_255, %sub3A_257, %div3A_236 : i32
      %jit3A_259 = arith.constant 2 : i32
      %eq3A_260 = arith.constant 0 : i32
      %eq3A_261 = arith.cmpi eq, %jit3A_259, %eq3A_260 : i32
      %jit3A_262 = arith.constant 1 : i32
      %select_n3A_263 = arith.select %eq3A_261, %jit3A_262, %jit3A_259 : i32
      %rem3A_264 = arith.remsi %select_n3A_258, %select_n3A_263 : i32
      %ne3A_265 = arith.constant 0 : i32
      %ne3A_266 = arith.cmpi ne, %rem3A_264, %ne3A_265 : i32
      %lt3A_267 = arith.constant 0 : i32
      %lt3A_268 = arith.cmpi slt, %rem3A_264, %lt3A_267 : i32
      %lt3A_269 = arith.constant 0 : i32
      %lt3A_270 = arith.cmpi slt, %select_n3A_263, %lt3A_269 : i32
      %ne3A_271 = arith.xori %lt3A_268, %lt3A_270 : i1
      %and3A_272 = arith.andi %ne3A_271, %ne3A_266 : i1
      %add3A_273 = arith.addi %rem3A_264, %select_n3A_263 : i32
      %select_n3A_274 = arith.select %and3A_272, %add3A_273, %rem3A_264 : i32
      %jit3A_275 = arith.constant 16 : i32
      %eq3A_276 = arith.constant 0 : i32
      %eq3A_277 = arith.cmpi eq, %jit3A_275, %eq3A_276 : i32
      %jit3A_278 = arith.constant 1 : i32
      %select_n3A_279 = arith.select %eq3A_277, %jit3A_278, %jit3A_275 : i32
      %rem3A_280 = arith.remsi %add3A_84, %select_n3A_279 : i32
      %ne3A_281 = arith.constant 0 : i32
      %ne3A_282 = arith.cmpi ne, %rem3A_280, %ne3A_281 : i32
      %lt3A_283 = arith.constant 0 : i32
      %lt3A_284 = arith.cmpi slt, %rem3A_280, %lt3A_283 : i32
      %lt3A_285 = arith.constant 0 : i32
      %lt3A_286 = arith.cmpi slt, %select_n3A_279, %lt3A_285 : i32
      %ne3A_287 = arith.xori %lt3A_284, %lt3A_286 : i1
      %and3A_288 = arith.andi %ne3A_287, %ne3A_282 : i1
      %add3A_289 = arith.addi %rem3A_280, %select_n3A_279 : i32
      %select_n3A_290 = arith.select %and3A_288, %add3A_289, %rem3A_280 : i32
      %dma_start3A_291 = arith.constant 0 : i32
      %dma_start3A_292 = tpu.memref_slice %arg8[%select_n3A_274, %select_n3A_290, %dma_start3A_291] : memref<2x16x128xi32, #tpu.memory_space<vmem>> -> memref<1x1x128xi32, #tpu.memory_space<vmem>>
      %dma_start3A_293 = tpu.memref_squeeze %dma_start3A_292 : memref<1x1x128xi32, #tpu.memory_space<vmem>> -> memref<128xi32, #tpu.memory_space<vmem>>
      %dma_start3A_294 = arith.constant 0 : i32
      %dma_start3A_295 = arith.constant 0 : i32
      %dma_start3A_296 = tpu.memref_slice %arg6[%dma_start3A_294, %dma_start3A_295] : memref<10240x128xf32, #tpu.memory_space<vmem_shared>> -> memref<10240x128xf32, #tpu.memory_space<vmem_shared>>
      tpu.enqueue_indirect_dma source(%arg9 : memref<128x128xf32, #tpu.memory_space<vmem>>) target(%dma_start3A_296 : memref<10240x128xf32, #tpu.memory_space<vmem_shared>>) offsets(%dma_start3A_293 : memref<128xi32, #tpu.memory_space<vmem>>) semaphore(%arg13 : memref<!tpu.dma_semaphore, #tpu.memory_space<semaphore_mem>>) {add = true}
      %add3A_297 = arith.constant 2 : i32
      %add3A_298 = arith.addi %add3A_84, %add3A_297 : i32
      %lt3A_299 = arith.constant 160 : i32
      %lt3A_300 = arith.cmpi slt, %add3A_298, %lt3A_299 : i32
      %convert_element_type3A_301 = arith.extui %lt3A_300 : i1 to i32
      %cond3A_302 = arith.constant 0 : i32
      %cond3A_303 = arith.cmpi ne, %convert_element_type3A_301, %cond3A_302 : i32
      scf.if %cond3A_303 {
        %dma_wait3A_382 = arith.constant 0 : i32
        %dma_wait3A_383 = arith.constant 0 : i32
        %dma_wait3A_384 = tpu.memref_slice %arg2[%arg0, %dma_wait3A_382, %dma_wait3A_383] : memref<2x10240x128xf32, #tpu.memory_space<hbm>> -> memref<1x10240x128xf32, #tpu.memory_space<hbm>>
        %dma_wait3A_385 = tpu.memref_squeeze %dma_wait3A_384 : memref<1x10240x128xf32, #tpu.memory_space<hbm>> -> memref<10240x128xf32, #tpu.memory_space<hbm>>
        %dma_wait3A_386 = arith.constant 0 : i32
        %dma_wait3A_387 = arith.constant 0 : i32
        %dma_wait3A_388 = tpu.memref_slice %dma_wait3A_385[%dma_wait3A_386, %dma_wait3A_387] : memref<10240x128xf32, #tpu.memory_space<hbm>> -> memref<128x128xf32, #tpu.memory_space<hbm>>
        %dma_wait3A_389 = arith.constant 0 : i32
        %dma_wait3A_390 = arith.constant 0 : i32
        %dma_wait3A_391 = tpu.memref_slice %arg2[%arg0, %dma_wait3A_389, %dma_wait3A_390] : memref<2x10240x128xf32, #tpu.memory_space<hbm>> -> memref<1x10240x128xf32, #tpu.memory_space<hbm>>
        %dma_wait3A_392 = tpu.memref_squeeze %dma_wait3A_391 : memref<1x10240x128xf32, #tpu.memory_space<hbm>> -> memref<10240x128xf32, #tpu.memory_space<hbm>>
        %dma_wait3A_393 = arith.constant 0 : i32
        %dma_wait3A_394 = arith.constant 0 : i32
        %dma_wait3A_395 = tpu.memref_slice %dma_wait3A_392[%dma_wait3A_393, %dma_wait3A_394] : memref<10240x128xf32, #tpu.memory_space<hbm>> -> memref<128x128xf32, #tpu.memory_space<hbm>>
        tpu.wait_dma2 semaphore(%arg13 : memref<!tpu.dma_semaphore, #tpu.memory_space<semaphore_mem>>) src(%dma_wait3A_395 : memref<128x128xf32, #tpu.memory_space<hbm>>) dst(%arg9 : memref<128x128xf32, #tpu.memory_space<vmem>>)
        %add3A_396 = arith.constant 2 : i32
        %add3A_397 = arith.addi %add3A_84, %add3A_396 : i32
        %jit3A_398 = arith.constant 16 : i32
        %eq3A_399 = arith.constant 0 : i32
        %eq3A_400 = arith.cmpi eq, %jit3A_398, %eq3A_399 : i32
        %jit3A_401 = arith.constant 1 : i32
        %select_n3A_402 = arith.select %eq3A_400, %jit3A_401, %jit3A_398 : i32
        %rem3A_403 = arith.remsi %add3A_397, %select_n3A_402 : i32
        %ne3A_404 = arith.constant 0 : i32
        %ne3A_405 = arith.cmpi ne, %rem3A_403, %ne3A_404 : i32
        %lt3A_406 = arith.constant 0 : i32
        %lt3A_407 = arith.cmpi slt, %rem3A_403, %lt3A_406 : i32
        %lt3A_408 = arith.constant 0 : i32
        %lt3A_409 = arith.cmpi slt, %select_n3A_402, %lt3A_408 : i32
        %ne3A_410 = arith.xori %lt3A_407, %lt3A_409 : i1
        %and3A_411 = arith.andi %ne3A_410, %ne3A_405 : i1
        %add3A_412 = arith.addi %rem3A_403, %select_n3A_402 : i32
        %select_n3A_413 = arith.select %and3A_411, %add3A_412, %rem3A_403 : i32
        %eq3A_414 = arith.constant 0 : i32
        %eq3A_415 = arith.cmpi eq, %select_n3A_413, %eq3A_414 : i32
        %convert_element_type3A_416 = arith.extui %eq3A_415 : i1 to i32
        %cond3A_417 = arith.constant 0 : i32
        %cond3A_418 = arith.cmpi ne, %convert_element_type3A_416, %cond3A_417 : i32
        scf.if %cond3A_418 {
          %jit3A_487 = arith.constant 16 : i32
          %div3A_488 = arith.divsi %add3A_84, %jit3A_487 : i32
          %sign3A_489 = arith.constant 0 : i32
          %sign3A_490 = arith.cmpi sgt, %add3A_84, %sign3A_489 : i32
          %sign3A_491 = arith.extui %sign3A_490 : i1 to i32
          %sign3A_492 = arith.constant 0 : i32
          %sign3A_493 = arith.cmpi slt, %add3A_84, %sign3A_492 : i32
          %sign3A_494 = arith.extui %sign3A_493 : i1 to i32
          %sign3A_495 = arith.subi %sign3A_491, %sign3A_494 : i32
          %sign3A_496 = arith.constant 0 : i32
          %sign3A_497 = arith.cmpi sgt, %jit3A_487, %sign3A_496 : i32
          %sign3A_498 = arith.extui %sign3A_497 : i1 to i32
          %sign3A_499 = arith.constant 0 : i32
          %sign3A_500 = arith.cmpi slt, %jit3A_487, %sign3A_499 : i32
          %sign3A_501 = arith.extui %sign3A_500 : i1 to i32
          %sign3A_502 = arith.subi %sign3A_498, %sign3A_501 : i32
          %ne3A_503 = arith.cmpi ne, %sign3A_495, %sign3A_502 : i32
          %rem3A_504 = arith.remsi %add3A_84, %jit3A_487 : i32
          %ne3A_505 = arith.constant 0 : i32
          %ne3A_506 = arith.cmpi ne, %rem3A_504, %ne3A_505 : i32
          %and3A_507 = arith.andi %ne3A_503, %ne3A_506 : i1
          %sub3A_508 = arith.constant 1 : i32
          %sub3A_509 = arith.subi %div3A_488, %sub3A_508 : i32
          %select_n3A_510 = arith.select %and3A_507, %sub3A_509, %div3A_488 : i32
          %add3A_511 = arith.constant 1 : i32
          %add3A_512 = arith.addi %select_n3A_510, %add3A_511 : i32
          %jit3A_513 = arith.constant 2 : i32
          %eq3A_514 = arith.constant 0 : i32
          %eq3A_515 = arith.cmpi eq, %jit3A_513, %eq3A_514 : i32
          %jit3A_516 = arith.constant 1 : i32
          %select_n3A_517 = arith.select %eq3A_515, %jit3A_516, %jit3A_513 : i32
          %rem3A_518 = arith.remsi %add3A_512, %select_n3A_517 : i32
          %ne3A_519 = arith.constant 0 : i32
          %ne3A_520 = arith.cmpi ne, %rem3A_518, %ne3A_519 : i32
          %lt3A_521 = arith.constant 0 : i32
          %lt3A_522 = arith.cmpi slt, %rem3A_518, %lt3A_521 : i32
          %lt3A_523 = arith.constant 0 : i32
          %lt3A_524 = arith.cmpi slt, %select_n3A_517, %lt3A_523 : i32
          %ne3A_525 = arith.xori %lt3A_522, %lt3A_524 : i1
          %and3A_526 = arith.andi %ne3A_525, %ne3A_520 : i1
          %add3A_527 = arith.addi %rem3A_518, %select_n3A_517 : i32
          %select_n3A_528 = arith.select %and3A_526, %add3A_527, %rem3A_518 : i32
          %dma_wait3A_529 = arith.constant 0 : i32
          %dma_wait3A_530 = arith.constant 0 : i32
          %dma_wait3A_531 = tpu.memref_slice %arg7[%select_n3A_528, %dma_wait3A_529, %dma_wait3A_530] : memref<2x16x128xi32, #tpu.memory_space<vmem>> -> memref<1x16x128xi32, #tpu.memory_space<vmem>>
          %dma_wait3A_532 = tpu.memref_squeeze %dma_wait3A_531 : memref<1x16x128xi32, #tpu.memory_space<vmem>> -> memref<16x128xi32, #tpu.memory_space<vmem>>
          %dma_wait3A_533 = arith.constant 0 : i32
          %dma_wait3A_534 = tpu.memref_slice %arg3[%mul3A_0, %dma_wait3A_533] : memref<2560x128xi32, #tpu.memory_space<hbm>> -> memref<16x128xi32, #tpu.memory_space<hbm>>
          %dma_wait3A_535 = arith.constant 0 : i32
          %dma_wait3A_536 = arith.constant 0 : i32
          %dma_wait3A_537 = tpu.memref_slice %arg7[%select_n3A_528, %dma_wait3A_535, %dma_wait3A_536] : memref<2x16x128xi32, #tpu.memory_space<vmem>> -> memref<1x16x128xi32, #tpu.memory_space<vmem>>
          %dma_wait3A_538 = tpu.memref_squeeze %dma_wait3A_537 : memref<1x16x128xi32, #tpu.memory_space<vmem>> -> memref<16x128xi32, #tpu.memory_space<vmem>>
          %dma_wait3A_539 = arith.constant 0 : i32
          %dma_wait3A_540 = tpu.memref_slice %arg3[%mul3A_0, %dma_wait3A_539] : memref<2560x128xi32, #tpu.memory_space<hbm>> -> memref<16x128xi32, #tpu.memory_space<hbm>>
          tpu.wait_dma2 semaphore(%arg15 : memref<!tpu.dma_semaphore, #tpu.memory_space<semaphore_mem>>) src(%dma_wait3A_540 : memref<16x128xi32, #tpu.memory_space<hbm>>) dst(%dma_wait3A_538 : memref<16x128xi32, #tpu.memory_space<vmem>>)
          %dma_wait3A_541 = arith.constant 0 : i32
          %dma_wait3A_542 = arith.constant 0 : i32
          %dma_wait3A_543 = tpu.memref_slice %arg8[%select_n3A_528, %dma_wait3A_541, %dma_wait3A_542] : memref<2x16x128xi32, #tpu.memory_space<vmem>> -> memref<1x16x128xi32, #tpu.memory_space<vmem>>
          %dma_wait3A_544 = tpu.memref_squeeze %dma_wait3A_543 : memref<1x16x128xi32, #tpu.memory_space<vmem>> -> memref<16x128xi32, #tpu.memory_space<vmem>>
          %dma_wait3A_545 = arith.constant 0 : i32
          %dma_wait3A_546 = tpu.memref_slice %arg4[%mul3A_0, %dma_wait3A_545] : memref<2560x128xi32, #tpu.memory_space<hbm>> -> memref<16x128xi32, #tpu.memory_space<hbm>>
          %dma_wait3A_547 = arith.constant 0 : i32
          %dma_wait3A_548 = arith.constant 0 : i32
          %dma_wait3A_549 = tpu.memref_slice %arg8[%select_n3A_528, %dma_wait3A_547, %dma_wait3A_548] : memref<2x16x128xi32, #tpu.memory_space<vmem>> -> memref<1x16x128xi32, #tpu.memory_space<vmem>>
          %dma_wait3A_550 = tpu.memref_squeeze %dma_wait3A_549 : memref<1x16x128xi32, #tpu.memory_space<vmem>> -> memref<16x128xi32, #tpu.memory_space<vmem>>
          %dma_wait3A_551 = arith.constant 0 : i32
          %dma_wait3A_552 = tpu.memref_slice %arg4[%mul3A_0, %dma_wait3A_551] : memref<2560x128xi32, #tpu.memory_space<hbm>> -> memref<16x128xi32, #tpu.memory_space<hbm>>
          tpu.wait_dma2 semaphore(%arg15 : memref<!tpu.dma_semaphore, #tpu.memory_space<semaphore_mem>>) src(%dma_wait3A_552 : memref<16x128xi32, #tpu.memory_space<hbm>>) dst(%dma_wait3A_550 : memref<16x128xi32, #tpu.memory_space<vmem>>)
        } else {
        }
        %add3A_419 = arith.constant 2 : i32
        %add3A_420 = arith.addi %add3A_84, %add3A_419 : i32
        %jit3A_421 = arith.constant 16 : i32
        %div3A_422 = arith.divsi %add3A_420, %jit3A_421 : i32
        %sign3A_423 = arith.constant 0 : i32
        %sign3A_424 = arith.cmpi sgt, %add3A_420, %sign3A_423 : i32
        %sign3A_425 = arith.extui %sign3A_424 : i1 to i32
        %sign3A_426 = arith.constant 0 : i32
        %sign3A_427 = arith.cmpi slt, %add3A_420, %sign3A_426 : i32
        %sign3A_428 = arith.extui %sign3A_427 : i1 to i32
        %sign3A_429 = arith.subi %sign3A_425, %sign3A_428 : i32
        %sign3A_430 = arith.constant 0 : i32
        %sign3A_431 = arith.cmpi sgt, %jit3A_421, %sign3A_430 : i32
        %sign3A_432 = arith.extui %sign3A_431 : i1 to i32
        %sign3A_433 = arith.constant 0 : i32
        %sign3A_434 = arith.cmpi slt, %jit3A_421, %sign3A_433 : i32
        %sign3A_435 = arith.extui %sign3A_434 : i1 to i32
        %sign3A_436 = arith.subi %sign3A_432, %sign3A_435 : i32
        %ne3A_437 = arith.cmpi ne, %sign3A_429, %sign3A_436 : i32
        %rem3A_438 = arith.remsi %add3A_420, %jit3A_421 : i32
        %ne3A_439 = arith.constant 0 : i32
        %ne3A_440 = arith.cmpi ne, %rem3A_438, %ne3A_439 : i32
        %and3A_441 = arith.andi %ne3A_437, %ne3A_440 : i1
        %sub3A_442 = arith.constant 1 : i32
        %sub3A_443 = arith.subi %div3A_422, %sub3A_442 : i32
        %select_n3A_444 = arith.select %and3A_441, %sub3A_443, %div3A_422 : i32
        %jit3A_445 = arith.constant 2 : i32
        %eq3A_446 = arith.constant 0 : i32
        %eq3A_447 = arith.cmpi eq, %jit3A_445, %eq3A_446 : i32
        %jit3A_448 = arith.constant 1 : i32
        %select_n3A_449 = arith.select %eq3A_447, %jit3A_448, %jit3A_445 : i32
        %rem3A_450 = arith.remsi %select_n3A_444, %select_n3A_449 : i32
        %ne3A_451 = arith.constant 0 : i32
        %ne3A_452 = arith.cmpi ne, %rem3A_450, %ne3A_451 : i32
        %lt3A_453 = arith.constant 0 : i32
        %lt3A_454 = arith.cmpi slt, %rem3A_450, %lt3A_453 : i32
        %lt3A_455 = arith.constant 0 : i32
        %lt3A_456 = arith.cmpi slt, %select_n3A_449, %lt3A_455 : i32
        %ne3A_457 = arith.xori %lt3A_454, %lt3A_456 : i1
        %and3A_458 = arith.andi %ne3A_457, %ne3A_452 : i1
        %add3A_459 = arith.addi %rem3A_450, %select_n3A_449 : i32
        %select_n3A_460 = arith.select %and3A_458, %add3A_459, %rem3A_450 : i32
        %jit3A_461 = arith.constant 16 : i32
        %eq3A_462 = arith.constant 0 : i32
        %eq3A_463 = arith.cmpi eq, %jit3A_461, %eq3A_462 : i32
        %jit3A_464 = arith.constant 1 : i32
        %select_n3A_465 = arith.select %eq3A_463, %jit3A_464, %jit3A_461 : i32
        %rem3A_466 = arith.remsi %add3A_420, %select_n3A_465 : i32
        %ne3A_467 = arith.constant 0 : i32
        %ne3A_468 = arith.cmpi ne, %rem3A_466, %ne3A_467 : i32
        %lt3A_469 = arith.constant 0 : i32
        %lt3A_470 = arith.cmpi slt, %rem3A_466, %lt3A_469 : i32
        %lt3A_471 = arith.constant 0 : i32
        %lt3A_472 = arith.cmpi slt, %select_n3A_465, %lt3A_471 : i32
        %ne3A_473 = arith.xori %lt3A_470, %lt3A_472 : i1
        %and3A_474 = arith.andi %ne3A_473, %ne3A_468 : i1
        %add3A_475 = arith.addi %rem3A_466, %select_n3A_465 : i32
        %select_n3A_476 = arith.select %and3A_474, %add3A_475, %rem3A_466 : i32
        %dma_start3A_477 = arith.constant 0 : i32
        %dma_start3A_478 = tpu.memref_slice %arg7[%select_n3A_460, %select_n3A_476, %dma_start3A_477] : memref<2x16x128xi32, #tpu.memory_space<vmem>> -> memref<1x1x128xi32, #tpu.memory_space<vmem>>
        %dma_start3A_479 = tpu.memref_squeeze %dma_start3A_478 : memref<1x1x128xi32, #tpu.memory_space<vmem>> -> memref<128xi32, #tpu.memory_space<vmem>>
        %dma_start3A_480 = arith.constant 0 : i32
        %dma_start3A_481 = arith.constant 0 : i32
        %dma_start3A_482 = tpu.memref_slice %arg2[%arg0, %dma_start3A_480, %dma_start3A_481] : memref<2x10240x128xf32, #tpu.memory_space<hbm>> -> memref<1x10240x128xf32, #tpu.memory_space<hbm>>
        %dma_start3A_483 = tpu.memref_squeeze %dma_start3A_482 : memref<1x10240x128xf32, #tpu.memory_space<hbm>> -> memref<10240x128xf32, #tpu.memory_space<hbm>>
        %dma_start3A_484 = arith.constant 0 : i32
        %dma_start3A_485 = arith.constant 0 : i32
        %dma_start3A_486 = tpu.memref_slice %dma_start3A_483[%dma_start3A_484, %dma_start3A_485] : memref<10240x128xf32, #tpu.memory_space<hbm>> -> memref<10240x128xf32, #tpu.memory_space<hbm>>
        tpu.enqueue_indirect_dma source(%dma_start3A_486 : memref<10240x128xf32, #tpu.memory_space<hbm>>) target(%arg9 : memref<128x128xf32, #tpu.memory_space<vmem>>) offsets(%dma_start3A_479 : memref<128xi32, #tpu.memory_space<vmem>>) semaphore(%arg11 : memref<!tpu.dma_semaphore, #tpu.memory_space<semaphore_mem>>)
      } else {
      }
      %dma_wait3A_304 = arith.constant 0 : i32
      %dma_wait3A_305 = arith.constant 0 : i32
      %dma_wait3A_306 = tpu.memref_slice %arg2[%arg0, %dma_wait3A_304, %dma_wait3A_305] : memref<2x10240x128xf32, #tpu.memory_space<hbm>> -> memref<1x10240x128xf32, #tpu.memory_space<hbm>>
      %dma_wait3A_307 = tpu.memref_squeeze %dma_wait3A_306 : memref<1x10240x128xf32, #tpu.memory_space<hbm>> -> memref<10240x128xf32, #tpu.memory_space<hbm>>
      %dma_wait3A_308 = arith.constant 0 : i32
      %dma_wait3A_309 = arith.constant 0 : i32
      %dma_wait3A_310 = tpu.memref_slice %dma_wait3A_307[%dma_wait3A_308, %dma_wait3A_309] : memref<10240x128xf32, #tpu.memory_space<hbm>> -> memref<128x128xf32, #tpu.memory_space<hbm>>
      %dma_wait3A_311 = arith.constant 0 : i32
      %dma_wait3A_312 = arith.constant 0 : i32
      %dma_wait3A_313 = tpu.memref_slice %arg2[%arg0, %dma_wait3A_311, %dma_wait3A_312] : memref<2x10240x128xf32, #tpu.memory_space<hbm>> -> memref<1x10240x128xf32, #tpu.memory_space<hbm>>
      %dma_wait3A_314 = tpu.memref_squeeze %dma_wait3A_313 : memref<1x10240x128xf32, #tpu.memory_space<hbm>> -> memref<10240x128xf32, #tpu.memory_space<hbm>>
      %dma_wait3A_315 = arith.constant 0 : i32
      %dma_wait3A_316 = arith.constant 0 : i32
      %dma_wait3A_317 = tpu.memref_slice %dma_wait3A_314[%dma_wait3A_315, %dma_wait3A_316] : memref<10240x128xf32, #tpu.memory_space<hbm>> -> memref<128x128xf32, #tpu.memory_space<hbm>>
      tpu.wait_dma2 semaphore(%arg12 : memref<!tpu.dma_semaphore, #tpu.memory_space<semaphore_mem>>) src(%dma_wait3A_317 : memref<128x128xf32, #tpu.memory_space<hbm>>) dst(%arg10 : memref<128x128xf32, #tpu.memory_space<vmem>>)
      %add3A_318 = arith.constant 1 : i32
      %add3A_319 = arith.addi %add3A_84, %add3A_318 : i32
      %jit3A_320 = arith.constant 16 : i32
      %div3A_321 = arith.divsi %add3A_319, %jit3A_320 : i32
      %sign3A_322 = arith.constant 0 : i32
      %sign3A_323 = arith.cmpi sgt, %add3A_319, %sign3A_322 : i32
      %sign3A_324 = arith.extui %sign3A_323 : i1 to i32
      %sign3A_325 = arith.constant 0 : i32
      %sign3A_326 = arith.cmpi slt, %add3A_319, %sign3A_325 : i32
      %sign3A_327 = arith.extui %sign3A_326 : i1 to i32
      %sign3A_328 = arith.subi %sign3A_324, %sign3A_327 : i32
      %sign3A_329 = arith.constant 0 : i32
      %sign3A_330 = arith.cmpi sgt, %jit3A_320, %sign3A_329 : i32
      %sign3A_331 = arith.extui %sign3A_330 : i1 to i32
      %sign3A_332 = arith.constant 0 : i32
      %sign3A_333 = arith.cmpi slt, %jit3A_320, %sign3A_332 : i32
      %sign3A_334 = arith.extui %sign3A_333 : i1 to i32
      %sign3A_335 = arith.subi %sign3A_331, %sign3A_334 : i32
      %ne3A_336 = arith.cmpi ne, %sign3A_328, %sign3A_335 : i32
      %rem3A_337 = arith.remsi %add3A_319, %jit3A_320 : i32
      %ne3A_338 = arith.constant 0 : i32
      %ne3A_339 = arith.cmpi ne, %rem3A_337, %ne3A_338 : i32
      %and3A_340 = arith.andi %ne3A_336, %ne3A_339 : i1
      %sub3A_341 = arith.constant 1 : i32
      %sub3A_342 = arith.subi %div3A_321, %sub3A_341 : i32
      %select_n3A_343 = arith.select %and3A_340, %sub3A_342, %div3A_321 : i32
      %jit3A_344 = arith.constant 2 : i32
      %eq3A_345 = arith.constant 0 : i32
      %eq3A_346 = arith.cmpi eq, %jit3A_344, %eq3A_345 : i32
      %jit3A_347 = arith.constant 1 : i32
      %select_n3A_348 = arith.select %eq3A_346, %jit3A_347, %jit3A_344 : i32
      %rem3A_349 = arith.remsi %select_n3A_343, %select_n3A_348 : i32
      %ne3A_350 = arith.constant 0 : i32
      %ne3A_351 = arith.cmpi ne, %rem3A_349, %ne3A_350 : i32
      %lt3A_352 = arith.constant 0 : i32
      %lt3A_353 = arith.cmpi slt, %rem3A_349, %lt3A_352 : i32
      %lt3A_354 = arith.constant 0 : i32
      %lt3A_355 = arith.cmpi slt, %select_n3A_348, %lt3A_354 : i32
      %ne3A_356 = arith.xori %lt3A_353, %lt3A_355 : i1
      %and3A_357 = arith.andi %ne3A_356, %ne3A_351 : i1
      %add3A_358 = arith.addi %rem3A_349, %select_n3A_348 : i32
      %select_n3A_359 = arith.select %and3A_357, %add3A_358, %rem3A_349 : i32
      %jit3A_360 = arith.constant 16 : i32
      %eq3A_361 = arith.constant 0 : i32
      %eq3A_362 = arith.cmpi eq, %jit3A_360, %eq3A_361 : i32
      %jit3A_363 = arith.constant 1 : i32
      %select_n3A_364 = arith.select %eq3A_362, %jit3A_363, %jit3A_360 : i32
      %rem3A_365 = arith.remsi %add3A_319, %select_n3A_364 : i32
      %ne3A_366 = arith.constant 0 : i32
      %ne3A_367 = arith.cmpi ne, %rem3A_365, %ne3A_366 : i32
      %lt3A_368 = arith.constant 0 : i32
      %lt3A_369 = arith.cmpi slt, %rem3A_365, %lt3A_368 : i32
      %lt3A_370 = arith.constant 0 : i32
      %lt3A_371 = arith.cmpi slt, %select_n3A_364, %lt3A_370 : i32
      %ne3A_372 = arith.xori %lt3A_369, %lt3A_371 : i1
      %and3A_373 = arith.andi %ne3A_372, %ne3A_367 : i1
      %add3A_374 = arith.addi %rem3A_365, %select_n3A_364 : i32
      %select_n3A_375 = arith.select %and3A_373, %add3A_374, %rem3A_365 : i32
      %dma_start3A_376 = arith.constant 0 : i32
      %dma_start3A_377 = tpu.memref_slice %arg8[%select_n3A_359, %select_n3A_375, %dma_start3A_376] : memref<2x16x128xi32, #tpu.memory_space<vmem>> -> memref<1x1x128xi32, #tpu.memory_space<vmem>>
      %dma_start3A_378 = tpu.memref_squeeze %dma_start3A_377 : memref<1x1x128xi32, #tpu.memory_space<vmem>> -> memref<128xi32, #tpu.memory_space<vmem>>
      %dma_start3A_379 = arith.constant 0 : i32
      %dma_start3A_380 = arith.constant 0 : i32
      %dma_start3A_381 = tpu.memref_slice %arg6[%dma_start3A_379, %dma_start3A_380] : memref<10240x128xf32, #tpu.memory_space<vmem_shared>> -> memref<10240x128xf32, #tpu.memory_space<vmem_shared>>
      tpu.enqueue_indirect_dma source(%arg10 : memref<128x128xf32, #tpu.memory_space<vmem>>) target(%dma_start3A_381 : memref<10240x128xf32, #tpu.memory_space<vmem_shared>>) offsets(%dma_start3A_378 : memref<128xi32, #tpu.memory_space<vmem>>) semaphore(%arg14 : memref<!tpu.dma_semaphore, #tpu.memory_space<semaphore_mem>>) {add = true}
    }
    %scan3A_47 = arith.constant 80 : i32
    %dma_wait3A = arith.constant 0 : i32
    %dma_wait3A_48 = arith.constant 0 : i32
    %dma_wait3A_49 = tpu.memref_slice %arg2[%arg0, %dma_wait3A, %dma_wait3A_48] : memref<2x10240x128xf32, #tpu.memory_space<hbm>> -> memref<1x10240x128xf32, #tpu.memory_space<hbm>>
    %dma_wait3A_50 = tpu.memref_squeeze %dma_wait3A_49 : memref<1x10240x128xf32, #tpu.memory_space<hbm>> -> memref<10240x128xf32, #tpu.memory_space<hbm>>
    %dma_wait3A_51 = arith.constant 0 : i32
    %dma_wait3A_52 = arith.constant 0 : i32
    %dma_wait3A_53 = tpu.memref_slice %dma_wait3A_50[%dma_wait3A_51, %dma_wait3A_52] : memref<10240x128xf32, #tpu.memory_space<hbm>> -> memref<128x128xf32, #tpu.memory_space<hbm>>
    %dma_wait3A_54 = arith.constant 0 : i32
    %dma_wait3A_55 = arith.constant 0 : i32
    %dma_wait3A_56 = tpu.memref_slice %arg2[%arg0, %dma_wait3A_54, %dma_wait3A_55] : memref<2x10240x128xf32, #tpu.memory_space<hbm>> -> memref<1x10240x128xf32, #tpu.memory_space<hbm>>
    %dma_wait3A_57 = tpu.memref_squeeze %dma_wait3A_56 : memref<1x10240x128xf32, #tpu.memory_space<hbm>> -> memref<10240x128xf32, #tpu.memory_space<hbm>>
    %dma_wait3A_58 = arith.constant 0 : i32
    %dma_wait3A_59 = arith.constant 0 : i32
    %dma_wait3A_60 = tpu.memref_slice %dma_wait3A_57[%dma_wait3A_58, %dma_wait3A_59] : memref<10240x128xf32, #tpu.memory_space<hbm>> -> memref<128x128xf32, #tpu.memory_space<hbm>>
    tpu.wait_dma2 semaphore(%arg13 : memref<!tpu.dma_semaphore, #tpu.memory_space<semaphore_mem>>) src(%dma_wait3A_60 : memref<128x128xf32, #tpu.memory_space<hbm>>) dst(%arg9 : memref<128x128xf32, #tpu.memory_space<vmem>>)
    %dma_wait3A_61 = arith.constant 0 : i32
    %dma_wait3A_62 = arith.constant 0 : i32
    %dma_wait3A_63 = tpu.memref_slice %arg2[%arg0, %dma_wait3A_61, %dma_wait3A_62] : memref<2x10240x128xf32, #tpu.memory_space<hbm>> -> memref<1x10240x128xf32, #tpu.memory_space<hbm>>
    %dma_wait3A_64 = tpu.memref_squeeze %dma_wait3A_63 : memref<1x10240x128xf32, #tpu.memory_space<hbm>> -> memref<10240x128xf32, #tpu.memory_space<hbm>>
    %dma_wait3A_65 = arith.constant 0 : i32
    %dma_wait3A_66 = arith.constant 0 : i32
    %dma_wait3A_67 = tpu.memref_slice %dma_wait3A_64[%dma_wait3A_65, %dma_wait3A_66] : memref<10240x128xf32, #tpu.memory_space<hbm>> -> memref<128x128xf32, #tpu.memory_space<hbm>>
    %dma_wait3A_68 = arith.constant 0 : i32
    %dma_wait3A_69 = arith.constant 0 : i32
    %dma_wait3A_70 = tpu.memref_slice %arg2[%arg0, %dma_wait3A_68, %dma_wait3A_69] : memref<2x10240x128xf32, #tpu.memory_space<hbm>> -> memref<1x10240x128xf32, #tpu.memory_space<hbm>>
    %dma_wait3A_71 = tpu.memref_squeeze %dma_wait3A_70 : memref<1x10240x128xf32, #tpu.memory_space<hbm>> -> memref<10240x128xf32, #tpu.memory_space<hbm>>
    %dma_wait3A_72 = arith.constant 0 : i32
    %dma_wait3A_73 = arith.constant 0 : i32
    %dma_wait3A_74 = tpu.memref_slice %dma_wait3A_71[%dma_wait3A_72, %dma_wait3A_73] : memref<10240x128xf32, #tpu.memory_space<hbm>> -> memref<128x128xf32, #tpu.memory_space<hbm>>
    tpu.wait_dma2 semaphore(%arg14 : memref<!tpu.dma_semaphore, #tpu.memory_space<semaphore_mem>>) src(%dma_wait3A_74 : memref<128x128xf32, #tpu.memory_space<hbm>>) dst(%arg10 : memref<128x128xf32, #tpu.memory_space<vmem>>)
    %barrier3A_75 = arith.constant 0 : index
    tpu.barrier barrier_id(%barrier3A_75)
    %mul3A_76 = arith.constant 640 : i32
    %mul3A_77 = arith.muli %arg1, %mul3A_76 : i32
    %mul3A_78 = arith.constant 640 : i32
    %mul3A_79 = arith.muli %arg1, %mul3A_78 : i32
    "tpu.region"() ({
      %run_scoped3A_80 = tpu.sem_alloc : memref<!tpu.dma_semaphore, #tpu.memory_space<semaphore_mem>>
      %dma_start3A_81 = arith.constant 0 : i32
      %dma_start3A_82 = tpu.memref_slice %arg5[%arg0, %mul3A_79, %dma_start3A_81] : memref<2x10240x128xf32, #tpu.memory_space<hbm>> -> memref<1x640x128xf32, #tpu.memory_space<hbm>>
      %dma_start3A_83 = tpu.memref_squeeze %dma_start3A_82 : memref<1x640x128xf32, #tpu.memory_space<hbm>> -> memref<640x128xf32, #tpu.memory_space<hbm>>
      %dma_start3A_84 = arith.constant 0 : i32
      %dma_start3A_85 = tpu.memref_slice %arg6[%mul3A_77, %dma_start3A_84] : memref<10240x128xf32, #tpu.memory_space<vmem_shared>> -> memref<640x128xf32, #tpu.memory_space<vmem_shared>>
      tpu.enqueue_dma source(%dma_start3A_85 : memref<640x128xf32, #tpu.memory_space<vmem_shared>>) target(%dma_start3A_83 : memref<640x128xf32, #tpu.memory_space<hbm>>) target_semaphore(%run_scoped3A_80 : memref<!tpu.dma_semaphore, #tpu.memory_space<semaphore_mem>>)
      %dma_wait3A_86 = arith.constant 0 : i32
      %dma_wait3A_87 = tpu.memref_slice %arg5[%arg0, %mul3A_79, %dma_wait3A_86] : memref<2x10240x128xf32, #tpu.memory_space<hbm>> -> memref<1x640x128xf32, #tpu.memory_space<hbm>>
      %dma_wait3A_88 = tpu.memref_squeeze %dma_wait3A_87 : memref<1x640x128xf32, #tpu.memory_space<hbm>> -> memref<640x128xf32, #tpu.memory_space<hbm>>
      %dma_wait3A_89 = arith.constant 0 : i32
      %dma_wait3A_90 = tpu.memref_slice %arg6[%mul3A_77, %dma_wait3A_89] : memref<10240x128xf32, #tpu.memory_space<vmem_shared>> -> memref<640x128xf32, #tpu.memory_space<vmem_shared>>
      tpu.wait_dma2 semaphore(%run_scoped3A_80 : memref<!tpu.dma_semaphore, #tpu.memory_space<semaphore_mem>>) src(%dma_wait3A_90 : memref<640x128xf32, #tpu.memory_space<vmem_shared>>) dst(%dma_wait3A_88 : memref<640x128xf32, #tpu.memory_space<hbm>>)
      tpu.yield
    }) : () -> ()
    return
  }
}

#map = affine_map<(d0, d1) -> (0, 0, 0)>
#map1 = affine_map<(d0, d1) -> (0, 0)>
module attributes {stable_mosaic.version = 14 : i64} {
  func.func @agg_kernel(%arg0: i32, %arg1: i32, %arg2: memref<2x10240x128xf32, #tpu.memory_space<hbm>>, %arg3: memref<2560x128xi32, #tpu.memory_space<hbm>>, %arg4: memref<2560x128xi32, #tpu.memory_space<hbm>>, %arg5: memref<2x10240x128xf32, #tpu.memory_space<hbm>>, %arg6: memref<10240x128xf32, #tpu.memory_space<vmem_shared>>, %arg7: memref<2x16x128xi32, #tpu.memory_space<vmem>>, %arg8: memref<2x16x128xi32, #tpu.memory_space<vmem>>, %arg9: memref<128x128xf32, #tpu.memory_space<vmem>>, %arg10: memref<128x128xf32, #tpu.memory_space<vmem>>, %arg11: memref<!tpu.dma_semaphore, #tpu.memory_space<semaphore_mem>>, %arg12: memref<!tpu.dma_semaphore, #tpu.memory_space<semaphore_mem>>, %arg13: memref<!tpu.dma_semaphore, #tpu.memory_space<semaphore_mem>>, %arg14: memref<!tpu.dma_semaphore, #tpu.memory_space<semaphore_mem>>, %arg15: memref<!tpu.dma_semaphore, #tpu.memory_space<semaphore_mem>>) attributes {dimension_semantics = [#tpu.dimension_semantics<core_parallel>, #tpu.dimension_semantics<subcore_parallel>], iteration_bounds = array<i64: 2, 16>, scalar_prefetch = 0 : i64, scratch_operands = 10 : i64, tpu.core_type = #tpu.core_type<sc_vector_subcore>, window_params = [{transform_indices = #map}, {transform_indices = #map1}, {transform_indices = #map1}, {transform_indices = #map}]} {
    %mul3A = arith.constant 160 : i32
    %mul3A_0 = arith.muli %arg1, %mul3A : i32
    %mul3A_1 = arith.constant 640 : i32
    %mul3A_2 = arith.muli %arg1, %mul3A_1 : i32
    %mul3A_3 = arith.constant 640 : i32
    %mul3A_4 = arith.muli %arg1, %mul3A_3 : i32
    "tpu.region"() ({
      %run_scoped3A_80 = tpu.sem_alloc : memref<!tpu.dma_semaphore, #tpu.memory_space<semaphore_mem>>
      %dma_start3A_81 = arith.constant 0 : i32
      %dma_start3A_82 = tpu.memref_slice %arg6[%mul3A_4, %dma_start3A_81] : memref<10240x128xf32, #tpu.memory_space<vmem_shared>> -> memref<640x128xf32, #tpu.memory_space<vmem_shared>>
      %dma_start3A_83 = arith.constant 0 : i32
      %dma_start3A_84 = arith.constant 0 : i32
      %dma_start3A_85 = tpu.memref_slice %arg2[%arg0, %dma_start3A_83, %dma_start3A_84] : memref<2x10240x128xf32, #tpu.memory_space<hbm>> -> memref<1x10240x128xf32, #tpu.memory_space<hbm>>
      %dma_start3A_86 = tpu.memref_squeeze %dma_start3A_85 : memref<1x10240x128xf32, #tpu.memory_space<hbm>> -> memref<10240x128xf32, #tpu.memory_space<hbm>>
      %dma_start3A_87 = arith.constant 0 : i32
      %dma_start3A_88 = tpu.memref_slice %dma_start3A_86[%mul3A_2, %dma_start3A_87] : memref<10240x128xf32, #tpu.memory_space<hbm>> -> memref<640x128xf32, #tpu.memory_space<hbm>>
      tpu.enqueue_dma source(%dma_start3A_88 : memref<640x128xf32, #tpu.memory_space<hbm>>) target(%dma_start3A_82 : memref<640x128xf32, #tpu.memory_space<vmem_shared>>) target_semaphore(%run_scoped3A_80 : memref<!tpu.dma_semaphore, #tpu.memory_space<semaphore_mem>>)
      %dma_wait3A_89 = arith.constant 0 : i32
      %dma_wait3A_90 = tpu.memref_slice %arg6[%mul3A_4, %dma_wait3A_89] : memref<10240x128xf32, #tpu.memory_space<vmem_shared>> -> memref<640x128xf32, #tpu.memory_space<vmem_shared>>
      %dma_wait3A_91 = arith.constant 0 : i32
      %dma_wait3A_92 = arith.constant 0 : i32
      %dma_wait3A_93 = tpu.memref_slice %arg2[%arg0, %dma_wait3A_91, %dma_wait3A_92] : memref<2x10240x128xf32, #tpu.memory_space<hbm>> -> memref<1x10240x128xf32, #tpu.memory_space<hbm>>
      %dma_wait3A_94 = tpu.memref_squeeze %dma_wait3A_93 : memref<1x10240x128xf32, #tpu.memory_space<hbm>> -> memref<10240x128xf32, #tpu.memory_space<hbm>>
      %dma_wait3A_95 = arith.constant 0 : i32
      %dma_wait3A_96 = tpu.memref_slice %dma_wait3A_94[%mul3A_2, %dma_wait3A_95] : memref<10240x128xf32, #tpu.memory_space<hbm>> -> memref<640x128xf32, #tpu.memory_space<hbm>>
      tpu.wait_dma2 semaphore(%run_scoped3A_80 : memref<!tpu.dma_semaphore, #tpu.memory_space<semaphore_mem>>) src(%dma_wait3A_96 : memref<640x128xf32, #tpu.memory_space<hbm>>) dst(%dma_wait3A_90 : memref<640x128xf32, #tpu.memory_space<vmem_shared>>)
      tpu.yield
    }) : () -> ()
    %barrier3A = arith.constant 0 : index
    tpu.barrier barrier_id(%barrier3A)
    %run_scoped3A = arith.constant 0 : i32
    "tpu.region"() ({
      %run_scoped3A_80 = tpu.sem_alloc : memref<!tpu.dma_semaphore, #tpu.memory_space<semaphore_mem>>
      %dma_start3A_81 = arith.constant 0 : i32
      %dma_start3A_82 = arith.constant 0 : i32
      %dma_start3A_83 = tpu.memref_slice %arg7[%run_scoped3A, %dma_start3A_81, %dma_start3A_82] : memref<2x16x128xi32, #tpu.memory_space<vmem>> -> memref<1x16x128xi32, #tpu.memory_space<vmem>>
      %dma_start3A_84 = tpu.memref_squeeze %dma_start3A_83 : memref<1x16x128xi32, #tpu.memory_space<vmem>> -> memref<16x128xi32, #tpu.memory_space<vmem>>
      %dma_start3A_85 = arith.constant 0 : i32
      %dma_start3A_86 = tpu.memref_slice %arg3[%mul3A_0, %dma_start3A_85] : memref<2560x128xi32, #tpu.memory_space<hbm>> -> memref<16x128xi32, #tpu.memory_space<hbm>>
      %dma_start3A_87 = arith.constant 0 : i32
      %dma_start3A_88 = arith.constant 0 : i32
      %dma_start3A_89 = tpu.memref_slice %arg7[%run_scoped3A, %dma_start3A_87, %dma_start3A_88] : memref<2x16x128xi32, #tpu.memory_space<vmem>> -> memref<1x16x128xi32, #tpu.memory_space<vmem>>
      %dma_start3A_90 = tpu.memref_squeeze %dma_start3A_89 : memref<1x16x128xi32, #tpu.memory_space<vmem>> -> memref<16x128xi32, #tpu.memory_space<vmem>>
      %dma_start3A_91 = arith.constant 0 : i32
      %dma_start3A_92 = tpu.memref_slice %arg3[%mul3A_0, %dma_start3A_91] : memref<2560x128xi32, #tpu.memory_space<hbm>> -> memref<16x128xi32, #tpu.memory_space<hbm>>
      tpu.enqueue_dma source(%dma_start3A_92 : memref<16x128xi32, #tpu.memory_space<hbm>>) target(%dma_start3A_90 : memref<16x128xi32, #tpu.memory_space<vmem>>) target_semaphore(%run_scoped3A_80 : memref<!tpu.dma_semaphore, #tpu.memory_space<semaphore_mem>>)
      %dma_wait3A_93 = arith.constant 0 : i32
      %dma_wait3A_94 = arith.constant 0 : i32
      %dma_wait3A_95 = tpu.memref_slice %arg7[%run_scoped3A, %dma_wait3A_93, %dma_wait3A_94] : memref<2x16x128xi32, #tpu.memory_space<vmem>> -> memref<1x16x128xi32, #tpu.memory_space<vmem>>
      %dma_wait3A_96 = tpu.memref_squeeze %dma_wait3A_95 : memref<1x16x128xi32, #tpu.memory_space<vmem>> -> memref<16x128xi32, #tpu.memory_space<vmem>>
      %dma_wait3A_97 = arith.constant 0 : i32
      %dma_wait3A_98 = tpu.memref_slice %arg3[%mul3A_0, %dma_wait3A_97] : memref<2560x128xi32, #tpu.memory_space<hbm>> -> memref<16x128xi32, #tpu.memory_space<hbm>>
      %dma_wait3A_99 = arith.constant 0 : i32
      %dma_wait3A_100 = arith.constant 0 : i32
      %dma_wait3A_101 = tpu.memref_slice %arg7[%run_scoped3A, %dma_wait3A_99, %dma_wait3A_100] : memref<2x16x128xi32, #tpu.memory_space<vmem>> -> memref<1x16x128xi32, #tpu.memory_space<vmem>>
      %dma_wait3A_102 = tpu.memref_squeeze %dma_wait3A_101 : memref<1x16x128xi32, #tpu.memory_space<vmem>> -> memref<16x128xi32, #tpu.memory_space<vmem>>
      %dma_wait3A_103 = arith.constant 0 : i32
      %dma_wait3A_104 = tpu.memref_slice %arg3[%mul3A_0, %dma_wait3A_103] : memref<2560x128xi32, #tpu.memory_space<hbm>> -> memref<16x128xi32, #tpu.memory_space<hbm>>
      tpu.wait_dma2 semaphore(%run_scoped3A_80 : memref<!tpu.dma_semaphore, #tpu.memory_space<semaphore_mem>>) src(%dma_wait3A_104 : memref<16x128xi32, #tpu.memory_space<hbm>>) dst(%dma_wait3A_102 : memref<16x128xi32, #tpu.memory_space<vmem>>)
      tpu.yield
    }) : () -> ()
    %run_scoped3A_5 = arith.constant 0 : i32
    "tpu.region"() ({
      %run_scoped3A_80 = tpu.sem_alloc : memref<!tpu.dma_semaphore, #tpu.memory_space<semaphore_mem>>
      %dma_start3A_81 = arith.constant 0 : i32
      %dma_start3A_82 = arith.constant 0 : i32
      %dma_start3A_83 = tpu.memref_slice %arg8[%run_scoped3A_5, %dma_start3A_81, %dma_start3A_82] : memref<2x16x128xi32, #tpu.memory_space<vmem>> -> memref<1x16x128xi32, #tpu.memory_space<vmem>>
      %dma_start3A_84 = tpu.memref_squeeze %dma_start3A_83 : memref<1x16x128xi32, #tpu.memory_space<vmem>> -> memref<16x128xi32, #tpu.memory_space<vmem>>
      %dma_start3A_85 = arith.constant 0 : i32
      %dma_start3A_86 = tpu.memref_slice %arg4[%mul3A_0, %dma_start3A_85] : memref<2560x128xi32, #tpu.memory_space<hbm>> -> memref<16x128xi32, #tpu.memory_space<hbm>>
      %dma_start3A_87 = arith.constant 0 : i32
      %dma_start3A_88 = arith.constant 0 : i32
      %dma_start3A_89 = tpu.memref_slice %arg8[%run_scoped3A_5, %dma_start3A_87, %dma_start3A_88] : memref<2x16x128xi32, #tpu.memory_space<vmem>> -> memref<1x16x128xi32, #tpu.memory_space<vmem>>
      %dma_start3A_90 = tpu.memref_squeeze %dma_start3A_89 : memref<1x16x128xi32, #tpu.memory_space<vmem>> -> memref<16x128xi32, #tpu.memory_space<vmem>>
      %dma_start3A_91 = arith.constant 0 : i32
      %dma_start3A_92 = tpu.memref_slice %arg4[%mul3A_0, %dma_start3A_91] : memref<2560x128xi32, #tpu.memory_space<hbm>> -> memref<16x128xi32, #tpu.memory_space<hbm>>
      tpu.enqueue_dma source(%dma_start3A_92 : memref<16x128xi32, #tpu.memory_space<hbm>>) target(%dma_start3A_90 : memref<16x128xi32, #tpu.memory_space<vmem>>) target_semaphore(%run_scoped3A_80 : memref<!tpu.dma_semaphore, #tpu.memory_space<semaphore_mem>>)
      %dma_wait3A_93 = arith.constant 0 : i32
      %dma_wait3A_94 = arith.constant 0 : i32
      %dma_wait3A_95 = tpu.memref_slice %arg8[%run_scoped3A_5, %dma_wait3A_93, %dma_wait3A_94] : memref<2x16x128xi32, #tpu.memory_space<vmem>> -> memref<1x16x128xi32, #tpu.memory_space<vmem>>
      %dma_wait3A_96 = tpu.memref_squeeze %dma_wait3A_95 : memref<1x16x128xi32, #tpu.memory_space<vmem>> -> memref<16x128xi32, #tpu.memory_space<vmem>>
      %dma_wait3A_97 = arith.constant 0 : i32
      %dma_wait3A_98 = tpu.memref_slice %arg4[%mul3A_0, %dma_wait3A_97] : memref<2560x128xi32, #tpu.memory_space<hbm>> -> memref<16x128xi32, #tpu.memory_space<hbm>>
      %dma_wait3A_99 = arith.constant 0 : i32
      %dma_wait3A_100 = arith.constant 0 : i32
      %dma_wait3A_101 = tpu.memref_slice %arg8[%run_scoped3A_5, %dma_wait3A_99, %dma_wait3A_100] : memref<2x16x128xi32, #tpu.memory_space<vmem>> -> memref<1x16x128xi32, #tpu.memory_space<vmem>>
      %dma_wait3A_102 = tpu.memref_squeeze %dma_wait3A_101 : memref<1x16x128xi32, #tpu.memory_space<vmem>> -> memref<16x128xi32, #tpu.memory_space<vmem>>
      %dma_wait3A_103 = arith.constant 0 : i32
      %dma_wait3A_104 = tpu.memref_slice %arg4[%mul3A_0, %dma_wait3A_103] : memref<2560x128xi32, #tpu.memory_space<hbm>> -> memref<16x128xi32, #tpu.memory_space<hbm>>
      tpu.wait_dma2 semaphore(%run_scoped3A_80 : memref<!tpu.dma_semaphore, #tpu.memory_space<semaphore_mem>>) src(%dma_wait3A_104 : memref<16x128xi32, #tpu.memory_space<hbm>>) dst(%dma_wait3A_102 : memref<16x128xi32, #tpu.memory_space<vmem>>)
      tpu.yield
    }) : () -> ()
    %add3A = arith.constant 16 : i32
    %add3A_6 = arith.addi %mul3A_0, %add3A : i32
    %dma_start3A = arith.constant 1 : i32
    %dma_start3A_7 = arith.constant 0 : i32
    %dma_start3A_8 = arith.constant 0 : i32
    %dma_start3A_9 = tpu.memref_slice %arg7[%dma_start3A, %dma_start3A_7, %dma_start3A_8] : memref<2x16x128xi32, #tpu.memory_space<vmem>> -> memref<1x16x128xi32, #tpu.memory_space<vmem>>
    %dma_start3A_10 = tpu.memref_squeeze %dma_start3A_9 : memref<1x16x128xi32, #tpu.memory_space<vmem>> -> memref<16x128xi32, #tpu.memory_space<vmem>>
    %dma_start3A_11 = arith.constant 0 : i32
    %dma_start3A_12 = tpu.memref_slice %arg3[%add3A_6, %dma_start3A_11] : memref<2560x128xi32, #tpu.memory_space<hbm>> -> memref<16x128xi32, #tpu.memory_space<hbm>>
    %dma_start3A_13 = arith.constant 0 : i32
    %dma_start3A_14 = arith.constant 0 : i32
    %dma_start3A_15 = tpu.memref_slice %arg7[%dma_start3A, %dma_start3A_13, %dma_start3A_14] : memref<2x16x128xi32, #tpu.memory_space<vmem>> -> memref<1x16x128xi32, #tpu.memory_space<vmem>>
    %dma_start3A_16 = tpu.memref_squeeze %dma_start3A_15 : memref<1x16x128xi32, #tpu.memory_space<vmem>> -> memref<16x128xi32, #tpu.memory_space<vmem>>
    %dma_start3A_17 = arith.constant 0 : i32
    %dma_start3A_18 = tpu.memref_slice %arg3[%add3A_6, %dma_start3A_17] : memref<2560x128xi32, #tpu.memory_space<hbm>> -> memref<16x128xi32, #tpu.memory_space<hbm>>
    tpu.enqueue_dma source(%dma_start3A_18 : memref<16x128xi32, #tpu.memory_space<hbm>>) target(%dma_start3A_16 : memref<16x128xi32, #tpu.memory_space<vmem>>) target_semaphore(%arg15 : memref<!tpu.dma_semaphore, #tpu.memory_space<semaphore_mem>>)
    %dma_start3A_19 = arith.constant 1 : i32
    %dma_start3A_20 = arith.constant 0 : i32
    %dma_start3A_21 = arith.constant 0 : i32
    %dma_start3A_22 = tpu.memref_slice %arg8[%dma_start3A_19, %dma_start3A_20, %dma_start3A_21] : memref<2x16x128xi32, #tpu.memory_space<vmem>> -> memref<1x16x128xi32, #tpu.memory_space<vmem>>
    %dma_start3A_23 = tpu.memref_squeeze %dma_start3A_22 : memref<1x16x128xi32, #tpu.memory_space<vmem>> -> memref<16x128xi32, #tpu.memory_space<vmem>>
    %dma_start3A_24 = arith.constant 0 : i32
    %dma_start3A_25 = tpu.memref_slice %arg4[%add3A_6, %dma_start3A_24] : memref<2560x128xi32, #tpu.memory_space<hbm>> -> memref<16x128xi32, #tpu.memory_space<hbm>>
    %dma_start3A_26 = arith.constant 0 : i32
    %dma_start3A_27 = arith.constant 0 : i32
    %dma_start3A_28 = tpu.memref_slice %arg8[%dma_start3A_19, %dma_start3A_26, %dma_start3A_27] : memref<2x16x128xi32, #tpu.memory_space<vmem>> -> memref<1x16x128xi32, #tpu.memory_space<vmem>>
    %dma_start3A_29 = tpu.memref_squeeze %dma_start3A_28 : memref<1x16x128xi32, #tpu.memory_space<vmem>> -> memref<16x128xi32, #tpu.memory_space<vmem>>
    %dma_start3A_30 = arith.constant 0 : i32
    %dma_start3A_31 = tpu.memref_slice %arg4[%add3A_6, %dma_start3A_30] : memref<2560x128xi32, #tpu.memory_space<hbm>> -> memref<16x128xi32, #tpu.memory_space<hbm>>
    tpu.enqueue_dma source(%dma_start3A_31 : memref<16x128xi32, #tpu.memory_space<hbm>>) target(%dma_start3A_29 : memref<16x128xi32, #tpu.memory_space<vmem>>) target_semaphore(%arg15 : memref<!tpu.dma_semaphore, #tpu.memory_space<semaphore_mem>>)
    %dma_start3A_32 = arith.constant 0 : i32
    %dma_start3A_33 = arith.constant 0 : i32
    %dma_start3A_34 = arith.constant 0 : i32
    %dma_start3A_35 = tpu.memref_slice %arg7[%dma_start3A_32, %dma_start3A_33, %dma_start3A_34] : memref<2x16x128xi32, #tpu.memory_space<vmem>> -> memref<1x1x128xi32, #tpu.memory_space<vmem>>
    %dma_start3A_36 = tpu.memref_squeeze %dma_start3A_35 : memref<1x1x128xi32, #tpu.memory_space<vmem>> -> memref<128xi32, #tpu.memory_space<vmem>>
    %dma_start3A_37 = arith.constant 0 : i32
    %dma_start3A_38 = arith.constant 0 : i32
    %dma_start3A_39 = tpu.memref_slice %arg2[%arg0, %dma_start3A_37, %dma_start3A_38] : memref<2x10240x128xf32, #tpu.memory_space<hbm>> -> memref<1x10240x128xf32, #tpu.memory_space<hbm>>
    %dma_start3A_40 = tpu.memref_squeeze %dma_start3A_39 : memref<1x10240x128xf32, #tpu.memory_space<hbm>> -> memref<10240x128xf32, #tpu.memory_space<hbm>>
    %dma_start3A_41 = arith.constant 0 : i32
    %dma_start3A_42 = arith.constant 0 : i32
    %dma_start3A_43 = tpu.memref_slice %dma_start3A_40[%dma_start3A_41, %dma_start3A_42] : memref<10240x128xf32, #tpu.memory_space<hbm>> -> memref<10240x128xf32, #tpu.memory_space<hbm>>
    tpu.enqueue_indirect_dma source(%dma_start3A_43 : memref<10240x128xf32, #tpu.memory_space<hbm>>) target(%arg9 : memref<128x128xf32, #tpu.memory_space<vmem>>) offsets(%dma_start3A_36 : memref<128xi32, #tpu.memory_space<vmem>>) semaphore(%arg11 : memref<!tpu.dma_semaphore, #tpu.memory_space<semaphore_mem>>)
    %scan3A = arith.constant 0 : i32
    %scan3A_44 = arith.constant 80 : i32
    %scan3A_45 = arith.addi %scan3A, %scan3A_44 : i32
    %scan3A_46 = arith.constant 1 : i32
    scf.for %scan3A_80 = %scan3A to %scan3A_45 step %scan3A_46  : i32 {
      %mul3A_81 = arith.constant 2 : i32
      %mul3A_82 = arith.muli %scan3A_80, %mul3A_81 : i32
      %add3A_83 = arith.constant 0 : i32
      %add3A_84 = arith.addi %add3A_83, %mul3A_82 : i32
      %jit3A = arith.constant 16 : i32
      %eq3A = arith.constant 0 : i32
      %eq3A_85 = arith.cmpi eq, %jit3A, %eq3A : i32
      %jit3A_86 = arith.constant 1 : i32
      %select_n3A = arith.select %eq3A_85, %jit3A_86, %jit3A : i32
      %rem3A = arith.remsi %add3A_84, %select_n3A : i32
      %ne3A = arith.constant 0 : i32
      %ne3A_87 = arith.cmpi ne, %rem3A, %ne3A : i32
      %lt3A = arith.constant 0 : i32
      %lt3A_88 = arith.cmpi slt, %rem3A, %lt3A : i32
      %lt3A_89 = arith.constant 0 : i32
      %lt3A_90 = arith.cmpi slt, %select_n3A, %lt3A_89 : i32
      %ne3A_91 = arith.xori %lt3A_88, %lt3A_90 : i1
      %and3A = arith.andi %ne3A_91, %ne3A_87 : i1
      %add3A_92 = arith.addi %rem3A, %select_n3A : i32
      %select_n3A_93 = arith.select %and3A, %add3A_92, %rem3A : i32
      %eq3A_94 = arith.constant 2 : i32
      %eq3A_95 = arith.cmpi eq, %select_n3A_93, %eq3A_94 : i32
      %jit3A_96 = arith.constant 16 : i32
      %div3A = arith.divsi %add3A_84, %jit3A_96 : i32
      %sign3A = arith.constant 0 : i32
      %sign3A_97 = arith.cmpi sgt, %add3A_84, %sign3A : i32
      %sign3A_98 = arith.extui %sign3A_97 : i1 to i32
      %sign3A_99 = arith.constant 0 : i32
      %sign3A_100 = arith.cmpi slt, %add3A_84, %sign3A_99 : i32
      %sign3A_101 = arith.extui %sign3A_100 : i1 to i32
      %sign3A_102 = arith.subi %sign3A_98, %sign3A_101 : i32
      %sign3A_103 = arith.constant 0 : i32
      %sign3A_104 = arith.cmpi sgt, %jit3A_96, %sign3A_103 : i32
      %sign3A_105 = arith.extui %sign3A_104 : i1 to i32
      %sign3A_106 = arith.constant 0 : i32
      %sign3A_107 = arith.cmpi slt, %jit3A_96, %sign3A_106 : i32
      %sign3A_108 = arith.extui %sign3A_107 : i1 to i32
      %sign3A_109 = arith.subi %sign3A_105, %sign3A_108 : i32
      %ne3A_110 = arith.cmpi ne, %sign3A_102, %sign3A_109 : i32
      %rem3A_111 = arith.remsi %add3A_84, %jit3A_96 : i32
      %ne3A_112 = arith.constant 0 : i32
      %ne3A_113 = arith.cmpi ne, %rem3A_111, %ne3A_112 : i32
      %and3A_114 = arith.andi %ne3A_110, %ne3A_113 : i1
      %sub3A = arith.constant 1 : i32
      %sub3A_115 = arith.subi %div3A, %sub3A : i32
      %select_n3A_116 = arith.select %and3A_114, %sub3A_115, %div3A : i32
      %ge3A = arith.constant 1 : i32
      %ge3A_117 = arith.cmpi sge, %select_n3A_116, %ge3A : i32
      %jit3A_118 = arith.constant 16 : i32
      %div3A_119 = arith.divsi %add3A_84, %jit3A_118 : i32
      %sign3A_120 = arith.constant 0 : i32
      %sign3A_121 = arith.cmpi sgt, %add3A_84, %sign3A_120 : i32
      %sign3A_122 = arith.extui %sign3A_121 : i1 to i32
      %sign3A_123 = arith.constant 0 : i32
      %sign3A_124 = arith.cmpi slt, %add3A_84, %sign3A_123 : i32
      %sign3A_125 = arith.extui %sign3A_124 : i1 to i32
      %sign3A_126 = arith.subi %sign3A_122, %sign3A_125 : i32
      %sign3A_127 = arith.constant 0 : i32
      %sign3A_128 = arith.cmpi sgt, %jit3A_118, %sign3A_127 : i32
      %sign3A_129 = arith.extui %sign3A_128 : i1 to i32
      %sign3A_130 = arith.constant 0 : i32
      %sign3A_131 = arith.cmpi slt, %jit3A_118, %sign3A_130 : i32
      %sign3A_132 = arith.extui %sign3A_131 : i1 to i32
      %sign3A_133 = arith.subi %sign3A_129, %sign3A_132 : i32
      %ne3A_134 = arith.cmpi ne, %sign3A_126, %sign3A_133 : i32
      %rem3A_135 = arith.remsi %add3A_84, %jit3A_118 : i32
      %ne3A_136 = arith.constant 0 : i32
      %ne3A_137 = arith.cmpi ne, %rem3A_135, %ne3A_136 : i32
      %and3A_138 = arith.andi %ne3A_134, %ne3A_137 : i1
      %sub3A_139 = arith.constant 1 : i32
      %sub3A_140 = arith.subi %div3A_119, %sub3A_139 : i32
      %select_n3A_141 = arith.select %and3A_138, %sub3A_140, %div3A_119 : i32
      %add3A_142 = arith.constant 1 : i32
      %add3A_143 = arith.addi %select_n3A_141, %add3A_142 : i32
      %lt3A_144 = arith.constant 10 : i32
      %lt3A_145 = arith.cmpi slt, %add3A_143, %lt3A_144 : i32
      %and3A_146 = arith.andi %ge3A_117, %lt3A_145 : i1
      %and3A_147 = arith.andi %eq3A_95, %and3A_146 : i1
      %convert_element_type3A = arith.extui %and3A_147 : i1 to i32
      %cond3A = arith.constant 0 : i32
      %cond3A_148 = arith.cmpi ne, %convert_element_type3A, %cond3A : i32
      scf.if %cond3A_148 {
        %jit3A_382 = arith.constant 16 : i32
        %div3A_383 = arith.divsi %add3A_84, %jit3A_382 : i32
        %sign3A_384 = arith.constant 0 : i32
        %sign3A_385 = arith.cmpi sgt, %add3A_84, %sign3A_384 : i32
        %sign3A_386 = arith.extui %sign3A_385 : i1 to i32
        %sign3A_387 = arith.constant 0 : i32
        %sign3A_388 = arith.cmpi slt, %add3A_84, %sign3A_387 : i32
        %sign3A_389 = arith.extui %sign3A_388 : i1 to i32
        %sign3A_390 = arith.subi %sign3A_386, %sign3A_389 : i32
        %sign3A_391 = arith.constant 0 : i32
        %sign3A_392 = arith.cmpi sgt, %jit3A_382, %sign3A_391 : i32
        %sign3A_393 = arith.extui %sign3A_392 : i1 to i32
        %sign3A_394 = arith.constant 0 : i32
        %sign3A_395 = arith.cmpi slt, %jit3A_382, %sign3A_394 : i32
        %sign3A_396 = arith.extui %sign3A_395 : i1 to i32
        %sign3A_397 = arith.subi %sign3A_393, %sign3A_396 : i32
        %ne3A_398 = arith.cmpi ne, %sign3A_390, %sign3A_397 : i32
        %rem3A_399 = arith.remsi %add3A_84, %jit3A_382 : i32
        %ne3A_400 = arith.constant 0 : i32
        %ne3A_401 = arith.cmpi ne, %rem3A_399, %ne3A_400 : i32
        %and3A_402 = arith.andi %ne3A_398, %ne3A_401 : i1
        %sub3A_403 = arith.constant 1 : i32
        %sub3A_404 = arith.subi %div3A_383, %sub3A_403 : i32
        %select_n3A_405 = arith.select %and3A_402, %sub3A_404, %div3A_383 : i32
        %add3A_406 = arith.constant 1 : i32
        %add3A_407 = arith.addi %select_n3A_405, %add3A_406 : i32
        %mul3A_408 = arith.constant 16 : i32
        %mul3A_409 = arith.muli %add3A_407, %mul3A_408 : i32
        %add3A_410 = arith.addi %mul3A_0, %mul3A_409 : i32
        %jit3A_411 = arith.constant 2 : i32
        %eq3A_412 = arith.constant 0 : i32
        %eq3A_413 = arith.cmpi eq, %jit3A_411, %eq3A_412 : i32
        %jit3A_414 = arith.constant 1 : i32
        %select_n3A_415 = arith.select %eq3A_413, %jit3A_414, %jit3A_411 : i32
        %rem3A_416 = arith.remsi %add3A_407, %select_n3A_415 : i32
        %ne3A_417 = arith.constant 0 : i32
        %ne3A_418 = arith.cmpi ne, %rem3A_416, %ne3A_417 : i32
        %lt3A_419 = arith.constant 0 : i32
        %lt3A_420 = arith.cmpi slt, %rem3A_416, %lt3A_419 : i32
        %lt3A_421 = arith.constant 0 : i32
        %lt3A_422 = arith.cmpi slt, %select_n3A_415, %lt3A_421 : i32
        %ne3A_423 = arith.xori %lt3A_420, %lt3A_422 : i1
        %and3A_424 = arith.andi %ne3A_423, %ne3A_418 : i1
        %add3A_425 = arith.addi %rem3A_416, %select_n3A_415 : i32
        %select_n3A_426 = arith.select %and3A_424, %add3A_425, %rem3A_416 : i32
        %dma_start3A_427 = arith.constant 0 : i32
        %dma_start3A_428 = arith.constant 0 : i32
        %dma_start3A_429 = tpu.memref_slice %arg7[%select_n3A_426, %dma_start3A_427, %dma_start3A_428] : memref<2x16x128xi32, #tpu.memory_space<vmem>> -> memref<1x16x128xi32, #tpu.memory_space<vmem>>
        %dma_start3A_430 = tpu.memref_squeeze %dma_start3A_429 : memref<1x16x128xi32, #tpu.memory_space<vmem>> -> memref<16x128xi32, #tpu.memory_space<vmem>>
        %dma_start3A_431 = arith.constant 0 : i32
        %dma_start3A_432 = tpu.memref_slice %arg3[%add3A_410, %dma_start3A_431] : memref<2560x128xi32, #tpu.memory_space<hbm>> -> memref<16x128xi32, #tpu.memory_space<hbm>>
        %dma_start3A_433 = arith.constant 0 : i32
        %dma_start3A_434 = arith.constant 0 : i32
        %dma_start3A_435 = tpu.memref_slice %arg7[%select_n3A_426, %dma_start3A_433, %dma_start3A_434] : memref<2x16x128xi32, #tpu.memory_space<vmem>> -> memref<1x16x128xi32, #tpu.memory_space<vmem>>
        %dma_start3A_436 = tpu.memref_squeeze %dma_start3A_435 : memref<1x16x128xi32, #tpu.memory_space<vmem>> -> memref<16x128xi32, #tpu.memory_space<vmem>>
        %dma_start3A_437 = arith.constant 0 : i32
        %dma_start3A_438 = tpu.memref_slice %arg3[%add3A_410, %dma_start3A_437] : memref<2560x128xi32, #tpu.memory_space<hbm>> -> memref<16x128xi32, #tpu.memory_space<hbm>>
        tpu.enqueue_dma source(%dma_start3A_438 : memref<16x128xi32, #tpu.memory_space<hbm>>) target(%dma_start3A_436 : memref<16x128xi32, #tpu.memory_space<vmem>>) target_semaphore(%arg15 : memref<!tpu.dma_semaphore, #tpu.memory_space<semaphore_mem>>)
        %jit3A_439 = arith.constant 2 : i32
        %eq3A_440 = arith.constant 0 : i32
        %eq3A_441 = arith.cmpi eq, %jit3A_439, %eq3A_440 : i32
        %jit3A_442 = arith.constant 1 : i32
        %select_n3A_443 = arith.select %eq3A_441, %jit3A_442, %jit3A_439 : i32
        %rem3A_444 = arith.remsi %add3A_407, %select_n3A_443 : i32
        %ne3A_445 = arith.constant 0 : i32
        %ne3A_446 = arith.cmpi ne, %rem3A_444, %ne3A_445 : i32
        %lt3A_447 = arith.constant 0 : i32
        %lt3A_448 = arith.cmpi slt, %rem3A_444, %lt3A_447 : i32
        %lt3A_449 = arith.constant 0 : i32
        %lt3A_450 = arith.cmpi slt, %select_n3A_443, %lt3A_449 : i32
        %ne3A_451 = arith.xori %lt3A_448, %lt3A_450 : i1
        %and3A_452 = arith.andi %ne3A_451, %ne3A_446 : i1
        %add3A_453 = arith.addi %rem3A_444, %select_n3A_443 : i32
        %select_n3A_454 = arith.select %and3A_452, %add3A_453, %rem3A_444 : i32
        %dma_start3A_455 = arith.constant 0 : i32
        %dma_start3A_456 = arith.constant 0 : i32
        %dma_start3A_457 = tpu.memref_slice %arg8[%select_n3A_454, %dma_start3A_455, %dma_start3A_456] : memref<2x16x128xi32, #tpu.memory_space<vmem>> -> memref<1x16x128xi32, #tpu.memory_space<vmem>>
        %dma_start3A_458 = tpu.memref_squeeze %dma_start3A_457 : memref<1x16x128xi32, #tpu.memory_space<vmem>> -> memref<16x128xi32, #tpu.memory_space<vmem>>
        %dma_start3A_459 = arith.constant 0 : i32
        %dma_start3A_460 = tpu.memref_slice %arg4[%add3A_410, %dma_start3A_459] : memref<2560x128xi32, #tpu.memory_space<hbm>> -> memref<16x128xi32, #tpu.memory_space<hbm>>
        %dma_start3A_461 = arith.constant 0 : i32
        %dma_start3A_462 = arith.constant 0 : i32
        %dma_start3A_463 = tpu.memref_slice %arg8[%select_n3A_454, %dma_start3A_461, %dma_start3A_462] : memref<2x16x128xi32, #tpu.memory_space<vmem>> -> memref<1x16x128xi32, #tpu.memory_space<vmem>>
        %dma_start3A_464 = tpu.memref_squeeze %dma_start3A_463 : memref<1x16x128xi32, #tpu.memory_space<vmem>> -> memref<16x128xi32, #tpu.memory_space<vmem>>
        %dma_start3A_465 = arith.constant 0 : i32
        %dma_start3A_466 = tpu.memref_slice %arg4[%add3A_410, %dma_start3A_465] : memref<2560x128xi32, #tpu.memory_space<hbm>> -> memref<16x128xi32, #tpu.memory_space<hbm>>
        tpu.enqueue_dma source(%dma_start3A_466 : memref<16x128xi32, #tpu.memory_space<hbm>>) target(%dma_start3A_464 : memref<16x128xi32, #tpu.memory_space<vmem>>) target_semaphore(%arg15 : memref<!tpu.dma_semaphore, #tpu.memory_space<semaphore_mem>>)
      } else {
      }
      %gt3A = arith.constant 0 : i32
      %gt3A_149 = arith.cmpi sgt, %add3A_84, %gt3A : i32
      %convert_element_type3A_150 = arith.extui %gt3A_149 : i1 to i32
      %cond3A_151 = arith.constant 0 : i32
      %cond3A_152 = arith.cmpi ne, %convert_element_type3A_150, %cond3A_151 : i32
      scf.if %cond3A_152 {
        %dma_wait3A_382 = arith.constant 0 : i32
        %dma_wait3A_383 = arith.constant 0 : i32
        %dma_wait3A_384 = tpu.memref_slice %arg2[%arg0, %dma_wait3A_382, %dma_wait3A_383] : memref<2x10240x128xf32, #tpu.memory_space<hbm>> -> memref<1x10240x128xf32, #tpu.memory_space<hbm>>
        %dma_wait3A_385 = tpu.memref_squeeze %dma_wait3A_384 : memref<1x10240x128xf32, #tpu.memory_space<hbm>> -> memref<10240x128xf32, #tpu.memory_space<hbm>>
        %dma_wait3A_386 = arith.constant 0 : i32
        %dma_wait3A_387 = arith.constant 0 : i32
        %dma_wait3A_388 = tpu.memref_slice %dma_wait3A_385[%dma_wait3A_386, %dma_wait3A_387] : memref<10240x128xf32, #tpu.memory_space<hbm>> -> memref<128x128xf32, #tpu.memory_space<hbm>>
        %dma_wait3A_389 = arith.constant 0 : i32
        %dma_wait3A_390 = arith.constant 0 : i32
        %dma_wait3A_391 = tpu.memref_slice %arg2[%arg0, %dma_wait3A_389, %dma_wait3A_390] : memref<2x10240x128xf32, #tpu.memory_space<hbm>> -> memref<1x10240x128xf32, #tpu.memory_space<hbm>>
        %dma_wait3A_392 = tpu.memref_squeeze %dma_wait3A_391 : memref<1x10240x128xf32, #tpu.memory_space<hbm>> -> memref<10240x128xf32, #tpu.memory_space<hbm>>
        %dma_wait3A_393 = arith.constant 0 : i32
        %dma_wait3A_394 = arith.constant 0 : i32
        %dma_wait3A_395 = tpu.memref_slice %dma_wait3A_392[%dma_wait3A_393, %dma_wait3A_394] : memref<10240x128xf32, #tpu.memory_space<hbm>> -> memref<128x128xf32, #tpu.memory_space<hbm>>
        tpu.wait_dma2 semaphore(%arg14 : memref<!tpu.dma_semaphore, #tpu.memory_space<semaphore_mem>>) src(%dma_wait3A_395 : memref<128x128xf32, #tpu.memory_space<hbm>>) dst(%arg10 : memref<128x128xf32, #tpu.memory_space<vmem>>)
      } else {
      }
      %add3A_153 = arith.constant 1 : i32
      %add3A_154 = arith.addi %add3A_84, %add3A_153 : i32
      %jit3A_155 = arith.constant 16 : i32
      %div3A_156 = arith.divsi %add3A_154, %jit3A_155 : i32
      %sign3A_157 = arith.constant 0 : i32
      %sign3A_158 = arith.cmpi sgt, %add3A_154, %sign3A_157 : i32
      %sign3A_159 = arith.extui %sign3A_158 : i1 to i32
      %sign3A_160 = arith.constant 0 : i32
      %sign3A_161 = arith.cmpi slt, %add3A_154, %sign3A_160 : i32
      %sign3A_162 = arith.extui %sign3A_161 : i1 to i32
      %sign3A_163 = arith.subi %sign3A_159, %sign3A_162 : i32
      %sign3A_164 = arith.constant 0 : i32
      %sign3A_165 = arith.cmpi sgt, %jit3A_155, %sign3A_164 : i32
      %sign3A_166 = arith.extui %sign3A_165 : i1 to i32
      %sign3A_167 = arith.constant 0 : i32
      %sign3A_168 = arith.cmpi slt, %jit3A_155, %sign3A_167 : i32
      %sign3A_169 = arith.extui %sign3A_168 : i1 to i32
      %sign3A_170 = arith.subi %sign3A_166, %sign3A_169 : i32
      %ne3A_171 = arith.cmpi ne, %sign3A_163, %sign3A_170 : i32
      %rem3A_172 = arith.remsi %add3A_154, %jit3A_155 : i32
      %ne3A_173 = arith.constant 0 : i32
      %ne3A_174 = arith.cmpi ne, %rem3A_172, %ne3A_173 : i32
      %and3A_175 = arith.andi %ne3A_171, %ne3A_174 : i1
      %sub3A_176 = arith.constant 1 : i32
      %sub3A_177 = arith.subi %div3A_156, %sub3A_176 : i32
      %select_n3A_178 = arith.select %and3A_175, %sub3A_177, %div3A_156 : i32
      %jit3A_179 = arith.constant 2 : i32
      %eq3A_180 = arith.constant 0 : i32
      %eq3A_181 = arith.cmpi eq, %jit3A_179, %eq3A_180 : i32
      %jit3A_182 = arith.constant 1 : i32
      %select_n3A_183 = arith.select %eq3A_181, %jit3A_182, %jit3A_179 : i32
      %rem3A_184 = arith.remsi %select_n3A_178, %select_n3A_183 : i32
      %ne3A_185 = arith.constant 0 : i32
      %ne3A_186 = arith.cmpi ne, %rem3A_184, %ne3A_185 : i32
      %lt3A_187 = arith.constant 0 : i32
      %lt3A_188 = arith.cmpi slt, %rem3A_184, %lt3A_187 : i32
      %lt3A_189 = arith.constant 0 : i32
      %lt3A_190 = arith.cmpi slt, %select_n3A_183, %lt3A_189 : i32
      %ne3A_191 = arith.xori %lt3A_188, %lt3A_190 : i1
      %and3A_192 = arith.andi %ne3A_191, %ne3A_186 : i1
      %add3A_193 = arith.addi %rem3A_184, %select_n3A_183 : i32
      %select_n3A_194 = arith.select %and3A_192, %add3A_193, %rem3A_184 : i32
      %jit3A_195 = arith.constant 16 : i32
      %eq3A_196 = arith.constant 0 : i32
      %eq3A_197 = arith.cmpi eq, %jit3A_195, %eq3A_196 : i32
      %jit3A_198 = arith.constant 1 : i32
      %select_n3A_199 = arith.select %eq3A_197, %jit3A_198, %jit3A_195 : i32
      %rem3A_200 = arith.remsi %add3A_154, %select_n3A_199 : i32
      %ne3A_201 = arith.constant 0 : i32
      %ne3A_202 = arith.cmpi ne, %rem3A_200, %ne3A_201 : i32
      %lt3A_203 = arith.constant 0 : i32
      %lt3A_204 = arith.cmpi slt, %rem3A_200, %lt3A_203 : i32
      %lt3A_205 = arith.constant 0 : i32
      %lt3A_206 = arith.cmpi slt, %select_n3A_199, %lt3A_205 : i32
      %ne3A_207 = arith.xori %lt3A_204, %lt3A_206 : i1
      %and3A_208 = arith.andi %ne3A_207, %ne3A_202 : i1
      %add3A_209 = arith.addi %rem3A_200, %select_n3A_199 : i32
      %select_n3A_210 = arith.select %and3A_208, %add3A_209, %rem3A_200 : i32
      %dma_start3A_211 = arith.constant 0 : i32
      %dma_start3A_212 = tpu.memref_slice %arg7[%select_n3A_194, %select_n3A_210, %dma_start3A_211] : memref<2x16x128xi32, #tpu.memory_space<vmem>> -> memref<1x1x128xi32, #tpu.memory_space<vmem>>
      %dma_start3A_213 = tpu.memref_squeeze %dma_start3A_212 : memref<1x1x128xi32, #tpu.memory_space<vmem>> -> memref<128xi32, #tpu.memory_space<vmem>>
      %dma_start3A_214 = arith.constant 0 : i32
      %dma_start3A_215 = arith.constant 0 : i32
      %dma_start3A_216 = tpu.memref_slice %arg2[%arg0, %dma_start3A_214, %dma_start3A_215] : memref<2x10240x128xf32, #tpu.memory_space<hbm>> -> memref<1x10240x128xf32, #tpu.memory_space<hbm>>
      %dma_start3A_217 = tpu.memref_squeeze %dma_start3A_216 : memref<1x10240x128xf32, #tpu.memory_space<hbm>> -> memref<10240x128xf32, #tpu.memory_space<hbm>>
      %dma_start3A_218 = arith.constant 0 : i32
      %dma_start3A_219 = arith.constant 0 : i32
      %dma_start3A_220 = tpu.memref_slice %dma_start3A_217[%dma_start3A_218, %dma_start3A_219] : memref<10240x128xf32, #tpu.memory_space<hbm>> -> memref<10240x128xf32, #tpu.memory_space<hbm>>
      tpu.enqueue_indirect_dma source(%dma_start3A_220 : memref<10240x128xf32, #tpu.memory_space<hbm>>) target(%arg10 : memref<128x128xf32, #tpu.memory_space<vmem>>) offsets(%dma_start3A_213 : memref<128xi32, #tpu.memory_space<vmem>>) semaphore(%arg12 : memref<!tpu.dma_semaphore, #tpu.memory_space<semaphore_mem>>)
      %dma_wait3A_221 = arith.constant 0 : i32
      %dma_wait3A_222 = arith.constant 0 : i32
      %dma_wait3A_223 = tpu.memref_slice %arg2[%arg0, %dma_wait3A_221, %dma_wait3A_222] : memref<2x10240x128xf32, #tpu.memory_space<hbm>> -> memref<1x10240x128xf32, #tpu.memory_space<hbm>>
      %dma_wait3A_224 = tpu.memref_squeeze %dma_wait3A_223 : memref<1x10240x128xf32, #tpu.memory_space<hbm>> -> memref<10240x128xf32, #tpu.memory_space<hbm>>
      %dma_wait3A_225 = arith.constant 0 : i32
      %dma_wait3A_226 = arith.constant 0 : i32
      %dma_wait3A_227 = tpu.memref_slice %dma_wait3A_224[%dma_wait3A_225, %dma_wait3A_226] : memref<10240x128xf32, #tpu.memory_space<hbm>> -> memref<128x128xf32, #tpu.memory_space<hbm>>
      %dma_wait3A_228 = arith.constant 0 : i32
      %dma_wait3A_229 = arith.constant 0 : i32
      %dma_wait3A_230 = tpu.memref_slice %arg2[%arg0, %dma_wait3A_228, %dma_wait3A_229] : memref<2x10240x128xf32, #tpu.memory_space<hbm>> -> memref<1x10240x128xf32, #tpu.memory_space<hbm>>
      %dma_wait3A_231 = tpu.memref_squeeze %dma_wait3A_230 : memref<1x10240x128xf32, #tpu.memory_space<hbm>> -> memref<10240x128xf32, #tpu.memory_space<hbm>>
      %dma_wait3A_232 = arith.constant 0 : i32
      %dma_wait3A_233 = arith.constant 0 : i32
      %dma_wait3A_234 = tpu.memref_slice %dma_wait3A_231[%dma_wait3A_232, %dma_wait3A_233] : memref<10240x128xf32, #tpu.memory_space<hbm>> -> memref<128x128xf32, #tpu.memory_space<hbm>>
      tpu.wait_dma2 semaphore(%arg11 : memref<!tpu.dma_semaphore, #tpu.memory_space<semaphore_mem>>) src(%dma_wait3A_234 : memref<128x128xf32, #tpu.memory_space<hbm>>) dst(%arg9 : memref<128x128xf32, #tpu.memory_space<vmem>>)
      %jit3A_235 = arith.constant 16 : i32
      %div3A_236 = arith.divsi %add3A_84, %jit3A_235 : i32
      %sign3A_237 = arith.constant 0 : i32
      %sign3A_238 = arith.cmpi sgt, %add3A_84, %sign3A_237 : i32
      %sign3A_239 = arith.extui %sign3A_238 : i1 to i32
      %sign3A_240 = arith.constant 0 : i32
      %sign3A_241 = arith.cmpi slt, %add3A_84, %sign3A_240 : i32
      %sign3A_242 = arith.extui %sign3A_241 : i1 to i32
      %sign3A_243 = arith.subi %sign3A_239, %sign3A_242 : i32
      %sign3A_244 = arith.constant 0 : i32
      %sign3A_245 = arith.cmpi sgt, %jit3A_235, %sign3A_244 : i32
      %sign3A_246 = arith.extui %sign3A_245 : i1 to i32
      %sign3A_247 = arith.constant 0 : i32
      %sign3A_248 = arith.cmpi slt, %jit3A_235, %sign3A_247 : i32
      %sign3A_249 = arith.extui %sign3A_248 : i1 to i32
      %sign3A_250 = arith.subi %sign3A_246, %sign3A_249 : i32
      %ne3A_251 = arith.cmpi ne, %sign3A_243, %sign3A_250 : i32
      %rem3A_252 = arith.remsi %add3A_84, %jit3A_235 : i32
      %ne3A_253 = arith.constant 0 : i32
      %ne3A_254 = arith.cmpi ne, %rem3A_252, %ne3A_253 : i32
      %and3A_255 = arith.andi %ne3A_251, %ne3A_254 : i1
      %sub3A_256 = arith.constant 1 : i32
      %sub3A_257 = arith.subi %div3A_236, %sub3A_256 : i32
      %select_n3A_258 = arith.select %and3A_255, %sub3A_257, %div3A_236 : i32
      %jit3A_259 = arith.constant 2 : i32
      %eq3A_260 = arith.constant 0 : i32
      %eq3A_261 = arith.cmpi eq, %jit3A_259, %eq3A_260 : i32
      %jit3A_262 = arith.constant 1 : i32
      %select_n3A_263 = arith.select %eq3A_261, %jit3A_262, %jit3A_259 : i32
      %rem3A_264 = arith.remsi %select_n3A_258, %select_n3A_263 : i32
      %ne3A_265 = arith.constant 0 : i32
      %ne3A_266 = arith.cmpi ne, %rem3A_264, %ne3A_265 : i32
      %lt3A_267 = arith.constant 0 : i32
      %lt3A_268 = arith.cmpi slt, %rem3A_264, %lt3A_267 : i32
      %lt3A_269 = arith.constant 0 : i32
      %lt3A_270 = arith.cmpi slt, %select_n3A_263, %lt3A_269 : i32
      %ne3A_271 = arith.xori %lt3A_268, %lt3A_270 : i1
      %and3A_272 = arith.andi %ne3A_271, %ne3A_266 : i1
      %add3A_273 = arith.addi %rem3A_264, %select_n3A_263 : i32
      %select_n3A_274 = arith.select %and3A_272, %add3A_273, %rem3A_264 : i32
      %jit3A_275 = arith.constant 16 : i32
      %eq3A_276 = arith.constant 0 : i32
      %eq3A_277 = arith.cmpi eq, %jit3A_275, %eq3A_276 : i32
      %jit3A_278 = arith.constant 1 : i32
      %select_n3A_279 = arith.select %eq3A_277, %jit3A_278, %jit3A_275 : i32
      %rem3A_280 = arith.remsi %add3A_84, %select_n3A_279 : i32
      %ne3A_281 = arith.constant 0 : i32
      %ne3A_282 = arith.cmpi ne, %rem3A_280, %ne3A_281 : i32
      %lt3A_283 = arith.constant 0 : i32
      %lt3A_284 = arith.cmpi slt, %rem3A_280, %lt3A_283 : i32
      %lt3A_285 = arith.constant 0 : i32
      %lt3A_286 = arith.cmpi slt, %select_n3A_279, %lt3A_285 : i32
      %ne3A_287 = arith.xori %lt3A_284, %lt3A_286 : i1
      %and3A_288 = arith.andi %ne3A_287, %ne3A_282 : i1
      %add3A_289 = arith.addi %rem3A_280, %select_n3A_279 : i32
      %select_n3A_290 = arith.select %and3A_288, %add3A_289, %rem3A_280 : i32
      %dma_start3A_291 = arith.constant 0 : i32
      %dma_start3A_292 = tpu.memref_slice %arg8[%select_n3A_274, %select_n3A_290, %dma_start3A_291] : memref<2x16x128xi32, #tpu.memory_space<vmem>> -> memref<1x1x128xi32, #tpu.memory_space<vmem>>
      %dma_start3A_293 = tpu.memref_squeeze %dma_start3A_292 : memref<1x1x128xi32, #tpu.memory_space<vmem>> -> memref<128xi32, #tpu.memory_space<vmem>>
      %dma_start3A_294 = arith.constant 0 : i32
      %dma_start3A_295 = arith.constant 0 : i32
      %dma_start3A_296 = tpu.memref_slice %arg6[%dma_start3A_294, %dma_start3A_295] : memref<10240x128xf32, #tpu.memory_space<vmem_shared>> -> memref<10240x128xf32, #tpu.memory_space<vmem_shared>>
      tpu.enqueue_indirect_dma source(%arg9 : memref<128x128xf32, #tpu.memory_space<vmem>>) target(%dma_start3A_296 : memref<10240x128xf32, #tpu.memory_space<vmem_shared>>) offsets(%dma_start3A_293 : memref<128xi32, #tpu.memory_space<vmem>>) semaphore(%arg13 : memref<!tpu.dma_semaphore, #tpu.memory_space<semaphore_mem>>) {add = true}
      %add3A_297 = arith.constant 2 : i32
      %add3A_298 = arith.addi %add3A_84, %add3A_297 : i32
      %lt3A_299 = arith.constant 160 : i32
      %lt3A_300 = arith.cmpi slt, %add3A_298, %lt3A_299 : i32
      %convert_element_type3A_301 = arith.extui %lt3A_300 : i1 to i32
      %cond3A_302 = arith.constant 0 : i32
      %cond3A_303 = arith.cmpi ne, %convert_element_type3A_301, %cond3A_302 : i32
      scf.if %cond3A_303 {
        %dma_wait3A_382 = arith.constant 0 : i32
        %dma_wait3A_383 = arith.constant 0 : i32
        %dma_wait3A_384 = tpu.memref_slice %arg2[%arg0, %dma_wait3A_382, %dma_wait3A_383] : memref<2x10240x128xf32, #tpu.memory_space<hbm>> -> memref<1x10240x128xf32, #tpu.memory_space<hbm>>
        %dma_wait3A_385 = tpu.memref_squeeze %dma_wait3A_384 : memref<1x10240x128xf32, #tpu.memory_space<hbm>> -> memref<10240x128xf32, #tpu.memory_space<hbm>>
        %dma_wait3A_386 = arith.constant 0 : i32
        %dma_wait3A_387 = arith.constant 0 : i32
        %dma_wait3A_388 = tpu.memref_slice %dma_wait3A_385[%dma_wait3A_386, %dma_wait3A_387] : memref<10240x128xf32, #tpu.memory_space<hbm>> -> memref<128x128xf32, #tpu.memory_space<hbm>>
        %dma_wait3A_389 = arith.constant 0 : i32
        %dma_wait3A_390 = arith.constant 0 : i32
        %dma_wait3A_391 = tpu.memref_slice %arg2[%arg0, %dma_wait3A_389, %dma_wait3A_390] : memref<2x10240x128xf32, #tpu.memory_space<hbm>> -> memref<1x10240x128xf32, #tpu.memory_space<hbm>>
        %dma_wait3A_392 = tpu.memref_squeeze %dma_wait3A_391 : memref<1x10240x128xf32, #tpu.memory_space<hbm>> -> memref<10240x128xf32, #tpu.memory_space<hbm>>
        %dma_wait3A_393 = arith.constant 0 : i32
        %dma_wait3A_394 = arith.constant 0 : i32
        %dma_wait3A_395 = tpu.memref_slice %dma_wait3A_392[%dma_wait3A_393, %dma_wait3A_394] : memref<10240x128xf32, #tpu.memory_space<hbm>> -> memref<128x128xf32, #tpu.memory_space<hbm>>
        tpu.wait_dma2 semaphore(%arg13 : memref<!tpu.dma_semaphore, #tpu.memory_space<semaphore_mem>>) src(%dma_wait3A_395 : memref<128x128xf32, #tpu.memory_space<hbm>>) dst(%arg9 : memref<128x128xf32, #tpu.memory_space<vmem>>)
        %add3A_396 = arith.constant 2 : i32
        %add3A_397 = arith.addi %add3A_84, %add3A_396 : i32
        %jit3A_398 = arith.constant 16 : i32
        %eq3A_399 = arith.constant 0 : i32
        %eq3A_400 = arith.cmpi eq, %jit3A_398, %eq3A_399 : i32
        %jit3A_401 = arith.constant 1 : i32
        %select_n3A_402 = arith.select %eq3A_400, %jit3A_401, %jit3A_398 : i32
        %rem3A_403 = arith.remsi %add3A_397, %select_n3A_402 : i32
        %ne3A_404 = arith.constant 0 : i32
        %ne3A_405 = arith.cmpi ne, %rem3A_403, %ne3A_404 : i32
        %lt3A_406 = arith.constant 0 : i32
        %lt3A_407 = arith.cmpi slt, %rem3A_403, %lt3A_406 : i32
        %lt3A_408 = arith.constant 0 : i32
        %lt3A_409 = arith.cmpi slt, %select_n3A_402, %lt3A_408 : i32
        %ne3A_410 = arith.xori %lt3A_407, %lt3A_409 : i1
        %and3A_411 = arith.andi %ne3A_410, %ne3A_405 : i1
        %add3A_412 = arith.addi %rem3A_403, %select_n3A_402 : i32
        %select_n3A_413 = arith.select %and3A_411, %add3A_412, %rem3A_403 : i32
        %eq3A_414 = arith.constant 0 : i32
        %eq3A_415 = arith.cmpi eq, %select_n3A_413, %eq3A_414 : i32
        %convert_element_type3A_416 = arith.extui %eq3A_415 : i1 to i32
        %cond3A_417 = arith.constant 0 : i32
        %cond3A_418 = arith.cmpi ne, %convert_element_type3A_416, %cond3A_417 : i32
        scf.if %cond3A_418 {
          %jit3A_487 = arith.constant 16 : i32
          %div3A_488 = arith.divsi %add3A_84, %jit3A_487 : i32
          %sign3A_489 = arith.constant 0 : i32
          %sign3A_490 = arith.cmpi sgt, %add3A_84, %sign3A_489 : i32
          %sign3A_491 = arith.extui %sign3A_490 : i1 to i32
          %sign3A_492 = arith.constant 0 : i32
          %sign3A_493 = arith.cmpi slt, %add3A_84, %sign3A_492 : i32
          %sign3A_494 = arith.extui %sign3A_493 : i1 to i32
          %sign3A_495 = arith.subi %sign3A_491, %sign3A_494 : i32
          %sign3A_496 = arith.constant 0 : i32
          %sign3A_497 = arith.cmpi sgt, %jit3A_487, %sign3A_496 : i32
          %sign3A_498 = arith.extui %sign3A_497 : i1 to i32
          %sign3A_499 = arith.constant 0 : i32
          %sign3A_500 = arith.cmpi slt, %jit3A_487, %sign3A_499 : i32
          %sign3A_501 = arith.extui %sign3A_500 : i1 to i32
          %sign3A_502 = arith.subi %sign3A_498, %sign3A_501 : i32
          %ne3A_503 = arith.cmpi ne, %sign3A_495, %sign3A_502 : i32
          %rem3A_504 = arith.remsi %add3A_84, %jit3A_487 : i32
          %ne3A_505 = arith.constant 0 : i32
          %ne3A_506 = arith.cmpi ne, %rem3A_504, %ne3A_505 : i32
          %and3A_507 = arith.andi %ne3A_503, %ne3A_506 : i1
          %sub3A_508 = arith.constant 1 : i32
          %sub3A_509 = arith.subi %div3A_488, %sub3A_508 : i32
          %select_n3A_510 = arith.select %and3A_507, %sub3A_509, %div3A_488 : i32
          %add3A_511 = arith.constant 1 : i32
          %add3A_512 = arith.addi %select_n3A_510, %add3A_511 : i32
          %jit3A_513 = arith.constant 2 : i32
          %eq3A_514 = arith.constant 0 : i32
          %eq3A_515 = arith.cmpi eq, %jit3A_513, %eq3A_514 : i32
          %jit3A_516 = arith.constant 1 : i32
          %select_n3A_517 = arith.select %eq3A_515, %jit3A_516, %jit3A_513 : i32
          %rem3A_518 = arith.remsi %add3A_512, %select_n3A_517 : i32
          %ne3A_519 = arith.constant 0 : i32
          %ne3A_520 = arith.cmpi ne, %rem3A_518, %ne3A_519 : i32
          %lt3A_521 = arith.constant 0 : i32
          %lt3A_522 = arith.cmpi slt, %rem3A_518, %lt3A_521 : i32
          %lt3A_523 = arith.constant 0 : i32
          %lt3A_524 = arith.cmpi slt, %select_n3A_517, %lt3A_523 : i32
          %ne3A_525 = arith.xori %lt3A_522, %lt3A_524 : i1
          %and3A_526 = arith.andi %ne3A_525, %ne3A_520 : i1
          %add3A_527 = arith.addi %rem3A_518, %select_n3A_517 : i32
          %select_n3A_528 = arith.select %and3A_526, %add3A_527, %rem3A_518 : i32
          %dma_wait3A_529 = arith.constant 0 : i32
          %dma_wait3A_530 = arith.constant 0 : i32
          %dma_wait3A_531 = tpu.memref_slice %arg7[%select_n3A_528, %dma_wait3A_529, %dma_wait3A_530] : memref<2x16x128xi32, #tpu.memory_space<vmem>> -> memref<1x16x128xi32, #tpu.memory_space<vmem>>
          %dma_wait3A_532 = tpu.memref_squeeze %dma_wait3A_531 : memref<1x16x128xi32, #tpu.memory_space<vmem>> -> memref<16x128xi32, #tpu.memory_space<vmem>>
          %dma_wait3A_533 = arith.constant 0 : i32
          %dma_wait3A_534 = tpu.memref_slice %arg3[%mul3A_0, %dma_wait3A_533] : memref<2560x128xi32, #tpu.memory_space<hbm>> -> memref<16x128xi32, #tpu.memory_space<hbm>>
          %dma_wait3A_535 = arith.constant 0 : i32
          %dma_wait3A_536 = arith.constant 0 : i32
          %dma_wait3A_537 = tpu.memref_slice %arg7[%select_n3A_528, %dma_wait3A_535, %dma_wait3A_536] : memref<2x16x128xi32, #tpu.memory_space<vmem>> -> memref<1x16x128xi32, #tpu.memory_space<vmem>>
          %dma_wait3A_538 = tpu.memref_squeeze %dma_wait3A_537 : memref<1x16x128xi32, #tpu.memory_space<vmem>> -> memref<16x128xi32, #tpu.memory_space<vmem>>
          %dma_wait3A_539 = arith.constant 0 : i32
          %dma_wait3A_540 = tpu.memref_slice %arg3[%mul3A_0, %dma_wait3A_539] : memref<2560x128xi32, #tpu.memory_space<hbm>> -> memref<16x128xi32, #tpu.memory_space<hbm>>
          tpu.wait_dma2 semaphore(%arg15 : memref<!tpu.dma_semaphore, #tpu.memory_space<semaphore_mem>>) src(%dma_wait3A_540 : memref<16x128xi32, #tpu.memory_space<hbm>>) dst(%dma_wait3A_538 : memref<16x128xi32, #tpu.memory_space<vmem>>)
          %dma_wait3A_541 = arith.constant 0 : i32
          %dma_wait3A_542 = arith.constant 0 : i32
          %dma_wait3A_543 = tpu.memref_slice %arg8[%select_n3A_528, %dma_wait3A_541, %dma_wait3A_542] : memref<2x16x128xi32, #tpu.memory_space<vmem>> -> memref<1x16x128xi32, #tpu.memory_space<vmem>>
          %dma_wait3A_544 = tpu.memref_squeeze %dma_wait3A_543 : memref<1x16x128xi32, #tpu.memory_space<vmem>> -> memref<16x128xi32, #tpu.memory_space<vmem>>
          %dma_wait3A_545 = arith.constant 0 : i32
          %dma_wait3A_546 = tpu.memref_slice %arg4[%mul3A_0, %dma_wait3A_545] : memref<2560x128xi32, #tpu.memory_space<hbm>> -> memref<16x128xi32, #tpu.memory_space<hbm>>
          %dma_wait3A_547 = arith.constant 0 : i32
          %dma_wait3A_548 = arith.constant 0 : i32
          %dma_wait3A_549 = tpu.memref_slice %arg8[%select_n3A_528, %dma_wait3A_547, %dma_wait3A_548] : memref<2x16x128xi32, #tpu.memory_space<vmem>> -> memref<1x16x128xi32, #tpu.memory_space<vmem>>
          %dma_wait3A_550 = tpu.memref_squeeze %dma_wait3A_549 : memref<1x16x128xi32, #tpu.memory_space<vmem>> -> memref<16x128xi32, #tpu.memory_space<vmem>>
          %dma_wait3A_551 = arith.constant 0 : i32
          %dma_wait3A_552 = tpu.memref_slice %arg4[%mul3A_0, %dma_wait3A_551] : memref<2560x128xi32, #tpu.memory_space<hbm>> -> memref<16x128xi32, #tpu.memory_space<hbm>>
          tpu.wait_dma2 semaphore(%arg15 : memref<!tpu.dma_semaphore, #tpu.memory_space<semaphore_mem>>) src(%dma_wait3A_552 : memref<16x128xi32, #tpu.memory_space<hbm>>) dst(%dma_wait3A_550 : memref<16x128xi32, #tpu.memory_space<vmem>>)
        } else {
        }
        %add3A_419 = arith.constant 2 : i32
        %add3A_420 = arith.addi %add3A_84, %add3A_419 : i32
        %jit3A_421 = arith.constant 16 : i32
        %div3A_422 = arith.divsi %add3A_420, %jit3A_421 : i32
        %sign3A_423 = arith.constant 0 : i32
        %sign3A_424 = arith.cmpi sgt, %add3A_420, %sign3A_423 : i32
        %sign3A_425 = arith.extui %sign3A_424 : i1 to i32
        %sign3A_426 = arith.constant 0 : i32
        %sign3A_427 = arith.cmpi slt, %add3A_420, %sign3A_426 : i32
        %sign3A_428 = arith.extui %sign3A_427 : i1 to i32
        %sign3A_429 = arith.subi %sign3A_425, %sign3A_428 : i32
        %sign3A_430 = arith.constant 0 : i32
        %sign3A_431 = arith.cmpi sgt, %jit3A_421, %sign3A_430 : i32
        %sign3A_432 = arith.extui %sign3A_431 : i1 to i32
        %sign3A_433 = arith.constant 0 : i32
        %sign3A_434 = arith.cmpi slt, %jit3A_421, %sign3A_433 : i32
        %sign3A_435 = arith.extui %sign3A_434 : i1 to i32
        %sign3A_436 = arith.subi %sign3A_432, %sign3A_435 : i32
        %ne3A_437 = arith.cmpi ne, %sign3A_429, %sign3A_436 : i32
        %rem3A_438 = arith.remsi %add3A_420, %jit3A_421 : i32
        %ne3A_439 = arith.constant 0 : i32
        %ne3A_440 = arith.cmpi ne, %rem3A_438, %ne3A_439 : i32
        %and3A_441 = arith.andi %ne3A_437, %ne3A_440 : i1
        %sub3A_442 = arith.constant 1 : i32
        %sub3A_443 = arith.subi %div3A_422, %sub3A_442 : i32
        %select_n3A_444 = arith.select %and3A_441, %sub3A_443, %div3A_422 : i32
        %jit3A_445 = arith.constant 2 : i32
        %eq3A_446 = arith.constant 0 : i32
        %eq3A_447 = arith.cmpi eq, %jit3A_445, %eq3A_446 : i32
        %jit3A_448 = arith.constant 1 : i32
        %select_n3A_449 = arith.select %eq3A_447, %jit3A_448, %jit3A_445 : i32
        %rem3A_450 = arith.remsi %select_n3A_444, %select_n3A_449 : i32
        %ne3A_451 = arith.constant 0 : i32
        %ne3A_452 = arith.cmpi ne, %rem3A_450, %ne3A_451 : i32
        %lt3A_453 = arith.constant 0 : i32
        %lt3A_454 = arith.cmpi slt, %rem3A_450, %lt3A_453 : i32
        %lt3A_455 = arith.constant 0 : i32
        %lt3A_456 = arith.cmpi slt, %select_n3A_449, %lt3A_455 : i32
        %ne3A_457 = arith.xori %lt3A_454, %lt3A_456 : i1
        %and3A_458 = arith.andi %ne3A_457, %ne3A_452 : i1
        %add3A_459 = arith.addi %rem3A_450, %select_n3A_449 : i32
        %select_n3A_460 = arith.select %and3A_458, %add3A_459, %rem3A_450 : i32
        %jit3A_461 = arith.constant 16 : i32
        %eq3A_462 = arith.constant 0 : i32
        %eq3A_463 = arith.cmpi eq, %jit3A_461, %eq3A_462 : i32
        %jit3A_464 = arith.constant 1 : i32
        %select_n3A_465 = arith.select %eq3A_463, %jit3A_464, %jit3A_461 : i32
        %rem3A_466 = arith.remsi %add3A_420, %select_n3A_465 : i32
        %ne3A_467 = arith.constant 0 : i32
        %ne3A_468 = arith.cmpi ne, %rem3A_466, %ne3A_467 : i32
        %lt3A_469 = arith.constant 0 : i32
        %lt3A_470 = arith.cmpi slt, %rem3A_466, %lt3A_469 : i32
        %lt3A_471 = arith.constant 0 : i32
        %lt3A_472 = arith.cmpi slt, %select_n3A_465, %lt3A_471 : i32
        %ne3A_473 = arith.xori %lt3A_470, %lt3A_472 : i1
        %and3A_474 = arith.andi %ne3A_473, %ne3A_468 : i1
        %add3A_475 = arith.addi %rem3A_466, %select_n3A_465 : i32
        %select_n3A_476 = arith.select %and3A_474, %add3A_475, %rem3A_466 : i32
        %dma_start3A_477 = arith.constant 0 : i32
        %dma_start3A_478 = tpu.memref_slice %arg7[%select_n3A_460, %select_n3A_476, %dma_start3A_477] : memref<2x16x128xi32, #tpu.memory_space<vmem>> -> memref<1x1x128xi32, #tpu.memory_space<vmem>>
        %dma_start3A_479 = tpu.memref_squeeze %dma_start3A_478 : memref<1x1x128xi32, #tpu.memory_space<vmem>> -> memref<128xi32, #tpu.memory_space<vmem>>
        %dma_start3A_480 = arith.constant 0 : i32
        %dma_start3A_481 = arith.constant 0 : i32
        %dma_start3A_482 = tpu.memref_slice %arg2[%arg0, %dma_start3A_480, %dma_start3A_481] : memref<2x10240x128xf32, #tpu.memory_space<hbm>> -> memref<1x10240x128xf32, #tpu.memory_space<hbm>>
        %dma_start3A_483 = tpu.memref_squeeze %dma_start3A_482 : memref<1x10240x128xf32, #tpu.memory_space<hbm>> -> memref<10240x128xf32, #tpu.memory_space<hbm>>
        %dma_start3A_484 = arith.constant 0 : i32
        %dma_start3A_485 = arith.constant 0 : i32
        %dma_start3A_486 = tpu.memref_slice %dma_start3A_483[%dma_start3A_484, %dma_start3A_485] : memref<10240x128xf32, #tpu.memory_space<hbm>> -> memref<10240x128xf32, #tpu.memory_space<hbm>>
        tpu.enqueue_indirect_dma source(%dma_start3A_486 : memref<10240x128xf32, #tpu.memory_space<hbm>>) target(%arg9 : memref<128x128xf32, #tpu.memory_space<vmem>>) offsets(%dma_start3A_479 : memref<128xi32, #tpu.memory_space<vmem>>) semaphore(%arg11 : memref<!tpu.dma_semaphore, #tpu.memory_space<semaphore_mem>>)
      } else {
      }
      %dma_wait3A_304 = arith.constant 0 : i32
      %dma_wait3A_305 = arith.constant 0 : i32
      %dma_wait3A_306 = tpu.memref_slice %arg2[%arg0, %dma_wait3A_304, %dma_wait3A_305] : memref<2x10240x128xf32, #tpu.memory_space<hbm>> -> memref<1x10240x128xf32, #tpu.memory_space<hbm>>
      %dma_wait3A_307 = tpu.memref_squeeze %dma_wait3A_306 : memref<1x10240x128xf32, #tpu.memory_space<hbm>> -> memref<10240x128xf32, #tpu.memory_space<hbm>>
      %dma_wait3A_308 = arith.constant 0 : i32
      %dma_wait3A_309 = arith.constant 0 : i32
      %dma_wait3A_310 = tpu.memref_slice %dma_wait3A_307[%dma_wait3A_308, %dma_wait3A_309] : memref<10240x128xf32, #tpu.memory_space<hbm>> -> memref<128x128xf32, #tpu.memory_space<hbm>>
      %dma_wait3A_311 = arith.constant 0 : i32
      %dma_wait3A_312 = arith.constant 0 : i32
      %dma_wait3A_313 = tpu.memref_slice %arg2[%arg0, %dma_wait3A_311, %dma_wait3A_312] : memref<2x10240x128xf32, #tpu.memory_space<hbm>> -> memref<1x10240x128xf32, #tpu.memory_space<hbm>>
      %dma_wait3A_314 = tpu.memref_squeeze %dma_wait3A_313 : memref<1x10240x128xf32, #tpu.memory_space<hbm>> -> memref<10240x128xf32, #tpu.memory_space<hbm>>
      %dma_wait3A_315 = arith.constant 0 : i32
      %dma_wait3A_316 = arith.constant 0 : i32
      %dma_wait3A_317 = tpu.memref_slice %dma_wait3A_314[%dma_wait3A_315, %dma_wait3A_316] : memref<10240x128xf32, #tpu.memory_space<hbm>> -> memref<128x128xf32, #tpu.memory_space<hbm>>
      tpu.wait_dma2 semaphore(%arg12 : memref<!tpu.dma_semaphore, #tpu.memory_space<semaphore_mem>>) src(%dma_wait3A_317 : memref<128x128xf32, #tpu.memory_space<hbm>>) dst(%arg10 : memref<128x128xf32, #tpu.memory_space<vmem>>)
      %add3A_318 = arith.constant 1 : i32
      %add3A_319 = arith.addi %add3A_84, %add3A_318 : i32
      %jit3A_320 = arith.constant 16 : i32
      %div3A_321 = arith.divsi %add3A_319, %jit3A_320 : i32
      %sign3A_322 = arith.constant 0 : i32
      %sign3A_323 = arith.cmpi sgt, %add3A_319, %sign3A_322 : i32
      %sign3A_324 = arith.extui %sign3A_323 : i1 to i32
      %sign3A_325 = arith.constant 0 : i32
      %sign3A_326 = arith.cmpi slt, %add3A_319, %sign3A_325 : i32
      %sign3A_327 = arith.extui %sign3A_326 : i1 to i32
      %sign3A_328 = arith.subi %sign3A_324, %sign3A_327 : i32
      %sign3A_329 = arith.constant 0 : i32
      %sign3A_330 = arith.cmpi sgt, %jit3A_320, %sign3A_329 : i32
      %sign3A_331 = arith.extui %sign3A_330 : i1 to i32
      %sign3A_332 = arith.constant 0 : i32
      %sign3A_333 = arith.cmpi slt, %jit3A_320, %sign3A_332 : i32
      %sign3A_334 = arith.extui %sign3A_333 : i1 to i32
      %sign3A_335 = arith.subi %sign3A_331, %sign3A_334 : i32
      %ne3A_336 = arith.cmpi ne, %sign3A_328, %sign3A_335 : i32
      %rem3A_337 = arith.remsi %add3A_319, %jit3A_320 : i32
      %ne3A_338 = arith.constant 0 : i32
      %ne3A_339 = arith.cmpi ne, %rem3A_337, %ne3A_338 : i32
      %and3A_340 = arith.andi %ne3A_336, %ne3A_339 : i1
      %sub3A_341 = arith.constant 1 : i32
      %sub3A_342 = arith.subi %div3A_321, %sub3A_341 : i32
      %select_n3A_343 = arith.select %and3A_340, %sub3A_342, %div3A_321 : i32
      %jit3A_344 = arith.constant 2 : i32
      %eq3A_345 = arith.constant 0 : i32
      %eq3A_346 = arith.cmpi eq, %jit3A_344, %eq3A_345 : i32
      %jit3A_347 = arith.constant 1 : i32
      %select_n3A_348 = arith.select %eq3A_346, %jit3A_347, %jit3A_344 : i32
      %rem3A_349 = arith.remsi %select_n3A_343, %select_n3A_348 : i32
      %ne3A_350 = arith.constant 0 : i32
      %ne3A_351 = arith.cmpi ne, %rem3A_349, %ne3A_350 : i32
      %lt3A_352 = arith.constant 0 : i32
      %lt3A_353 = arith.cmpi slt, %rem3A_349, %lt3A_352 : i32
      %lt3A_354 = arith.constant 0 : i32
      %lt3A_355 = arith.cmpi slt, %select_n3A_348, %lt3A_354 : i32
      %ne3A_356 = arith.xori %lt3A_353, %lt3A_355 : i1
      %and3A_357 = arith.andi %ne3A_356, %ne3A_351 : i1
      %add3A_358 = arith.addi %rem3A_349, %select_n3A_348 : i32
      %select_n3A_359 = arith.select %and3A_357, %add3A_358, %rem3A_349 : i32
      %jit3A_360 = arith.constant 16 : i32
      %eq3A_361 = arith.constant 0 : i32
      %eq3A_362 = arith.cmpi eq, %jit3A_360, %eq3A_361 : i32
      %jit3A_363 = arith.constant 1 : i32
      %select_n3A_364 = arith.select %eq3A_362, %jit3A_363, %jit3A_360 : i32
      %rem3A_365 = arith.remsi %add3A_319, %select_n3A_364 : i32
      %ne3A_366 = arith.constant 0 : i32
      %ne3A_367 = arith.cmpi ne, %rem3A_365, %ne3A_366 : i32
      %lt3A_368 = arith.constant 0 : i32
      %lt3A_369 = arith.cmpi slt, %rem3A_365, %lt3A_368 : i32
      %lt3A_370 = arith.constant 0 : i32
      %lt3A_371 = arith.cmpi slt, %select_n3A_364, %lt3A_370 : i32
      %ne3A_372 = arith.xori %lt3A_369, %lt3A_371 : i1
      %and3A_373 = arith.andi %ne3A_372, %ne3A_367 : i1
      %add3A_374 = arith.addi %rem3A_365, %select_n3A_364 : i32
      %select_n3A_375 = arith.select %and3A_373, %add3A_374, %rem3A_365 : i32
      %dma_start3A_376 = arith.constant 0 : i32
      %dma_start3A_377 = tpu.memref_slice %arg8[%select_n3A_359, %select_n3A_375, %dma_start3A_376] : memref<2x16x128xi32, #tpu.memory_space<vmem>> -> memref<1x1x128xi32, #tpu.memory_space<vmem>>
      %dma_start3A_378 = tpu.memref_squeeze %dma_start3A_377 : memref<1x1x128xi32, #tpu.memory_space<vmem>> -> memref<128xi32, #tpu.memory_space<vmem>>
      %dma_start3A_379 = arith.constant 0 : i32
      %dma_start3A_380 = arith.constant 0 : i32
      %dma_start3A_381 = tpu.memref_slice %arg6[%dma_start3A_379, %dma_start3A_380] : memref<10240x128xf32, #tpu.memory_space<vmem_shared>> -> memref<10240x128xf32, #tpu.memory_space<vmem_shared>>
      tpu.enqueue_indirect_dma source(%arg10 : memref<128x128xf32, #tpu.memory_space<vmem>>) target(%dma_start3A_381 : memref<10240x128xf32, #tpu.memory_space<vmem_shared>>) offsets(%dma_start3A_378 : memref<128xi32, #tpu.memory_space<vmem>>) semaphore(%arg14 : memref<!tpu.dma_semaphore, #tpu.memory_space<semaphore_mem>>) {add = true}
    }
    %scan3A_47 = arith.constant 80 : i32
    %dma_wait3A = arith.constant 0 : i32
    %dma_wait3A_48 = arith.constant 0 : i32
    %dma_wait3A_49 = tpu.memref_slice %arg2[%arg0, %dma_wait3A, %dma_wait3A_48] : memref<2x10240x128xf32, #tpu.memory_space<hbm>> -> memref<1x10240x128xf32, #tpu.memory_space<hbm>>
    %dma_wait3A_50 = tpu.memref_squeeze %dma_wait3A_49 : memref<1x10240x128xf32, #tpu.memory_space<hbm>> -> memref<10240x128xf32, #tpu.memory_space<hbm>>
    %dma_wait3A_51 = arith.constant 0 : i32
    %dma_wait3A_52 = arith.constant 0 : i32
    %dma_wait3A_53 = tpu.memref_slice %dma_wait3A_50[%dma_wait3A_51, %dma_wait3A_52] : memref<10240x128xf32, #tpu.memory_space<hbm>> -> memref<128x128xf32, #tpu.memory_space<hbm>>
    %dma_wait3A_54 = arith.constant 0 : i32
    %dma_wait3A_55 = arith.constant 0 : i32
    %dma_wait3A_56 = tpu.memref_slice %arg2[%arg0, %dma_wait3A_54, %dma_wait3A_55] : memref<2x10240x128xf32, #tpu.memory_space<hbm>> -> memref<1x10240x128xf32, #tpu.memory_space<hbm>>
    %dma_wait3A_57 = tpu.memref_squeeze %dma_wait3A_56 : memref<1x10240x128xf32, #tpu.memory_space<hbm>> -> memref<10240x128xf32, #tpu.memory_space<hbm>>
    %dma_wait3A_58 = arith.constant 0 : i32
    %dma_wait3A_59 = arith.constant 0 : i32
    %dma_wait3A_60 = tpu.memref_slice %dma_wait3A_57[%dma_wait3A_58, %dma_wait3A_59] : memref<10240x128xf32, #tpu.memory_space<hbm>> -> memref<128x128xf32, #tpu.memory_space<hbm>>
    tpu.wait_dma2 semaphore(%arg13 : memref<!tpu.dma_semaphore, #tpu.memory_space<semaphore_mem>>) src(%dma_wait3A_60 : memref<128x128xf32, #tpu.memory_space<hbm>>) dst(%arg9 : memref<128x128xf32, #tpu.memory_space<vmem>>)
    %dma_wait3A_61 = arith.constant 0 : i32
    %dma_wait3A_62 = arith.constant 0 : i32
    %dma_wait3A_63 = tpu.memref_slice %arg2[%arg0, %dma_wait3A_61, %dma_wait3A_62] : memref<2x10240x128xf32, #tpu.memory_space<hbm>> -> memref<1x10240x128xf32, #tpu.memory_space<hbm>>
    %dma_wait3A_64 = tpu.memref_squeeze %dma_wait3A_63 : memref<1x10240x128xf32, #tpu.memory_space<hbm>> -> memref<10240x128xf32, #tpu.memory_space<hbm>>
    %dma_wait3A_65 = arith.constant 0 : i32
    %dma_wait3A_66 = arith.constant 0 : i32
    %dma_wait3A_67 = tpu.memref_slice %dma_wait3A_64[%dma_wait3A_65, %dma_wait3A_66] : memref<10240x128xf32, #tpu.memory_space<hbm>> -> memref<128x128xf32, #tpu.memory_space<hbm>>
    %dma_wait3A_68 = arith.constant 0 : i32
    %dma_wait3A_69 = arith.constant 0 : i32
    %dma_wait3A_70 = tpu.memref_slice %arg2[%arg0, %dma_wait3A_68, %dma_wait3A_69] : memref<2x10240x128xf32, #tpu.memory_space<hbm>> -> memref<1x10240x128xf32, #tpu.memory_space<hbm>>
    %dma_wait3A_71 = tpu.memref_squeeze %dma_wait3A_70 : memref<1x10240x128xf32, #tpu.memory_space<hbm>> -> memref<10240x128xf32, #tpu.memory_space<hbm>>
    %dma_wait3A_72 = arith.constant 0 : i32
    %dma_wait3A_73 = arith.constant 0 : i32
    %dma_wait3A_74 = tpu.memref_slice %dma_wait3A_71[%dma_wait3A_72, %dma_wait3A_73] : memref<10240x128xf32, #tpu.memory_space<hbm>> -> memref<128x128xf32, #tpu.memory_space<hbm>>
    tpu.wait_dma2 semaphore(%arg14 : memref<!tpu.dma_semaphore, #tpu.memory_space<semaphore_mem>>) src(%dma_wait3A_74 : memref<128x128xf32, #tpu.memory_space<hbm>>) dst(%arg10 : memref<128x128xf32, #tpu.memory_space<vmem>>)
    %barrier3A_75 = arith.constant 0 : index
    tpu.barrier barrier_id(%barrier3A_75)
    %mul3A_76 = arith.constant 640 : i32
    %mul3A_77 = arith.muli %arg1, %mul3A_76 : i32
    %mul3A_78 = arith.constant 640 : i32
    %mul3A_79 = arith.muli %arg1, %mul3A_78 : i32
    "tpu.region"() ({
      %run_scoped3A_80 = tpu.sem_alloc : memref<!tpu.dma_semaphore, #tpu.memory_space<semaphore_mem>>
      %dma_start3A_81 = arith.constant 0 : i32
      %dma_start3A_82 = tpu.memref_slice %arg5[%arg0, %mul3A_79, %dma_start3A_81] : memref<2x10240x128xf32, #tpu.memory_space<hbm>> -> memref<1x640x128xf32, #tpu.memory_space<hbm>>
      %dma_start3A_83 = tpu.memref_squeeze %dma_start3A_82 : memref<1x640x128xf32, #tpu.memory_space<hbm>> -> memref<640x128xf32, #tpu.memory_space<hbm>>
      %dma_start3A_84 = arith.constant 0 : i32
      %dma_start3A_85 = tpu.memref_slice %arg6[%mul3A_77, %dma_start3A_84] : memref<10240x128xf32, #tpu.memory_space<vmem_shared>> -> memref<640x128xf32, #tpu.memory_space<vmem_shared>>
      tpu.enqueue_dma source(%dma_start3A_85 : memref<640x128xf32, #tpu.memory_space<vmem_shared>>) target(%dma_start3A_83 : memref<640x128xf32, #tpu.memory_space<hbm>>) target_semaphore(%run_scoped3A_80 : memref<!tpu.dma_semaphore, #tpu.memory_space<semaphore_mem>>)
      %dma_wait3A_86 = arith.constant 0 : i32
      %dma_wait3A_87 = tpu.memref_slice %arg5[%arg0, %mul3A_79, %dma_wait3A_86] : memref<2x10240x128xf32, #tpu.memory_space<hbm>> -> memref<1x640x128xf32, #tpu.memory_space<hbm>>
      %dma_wait3A_88 = tpu.memref_squeeze %dma_wait3A_87 : memref<1x640x128xf32, #tpu.memory_space<hbm>> -> memref<640x128xf32, #tpu.memory_space<hbm>>
      %dma_wait3A_89 = arith.constant 0 : i32
      %dma_wait3A_90 = tpu.memref_slice %arg6[%mul3A_77, %dma_wait3A_89] : memref<10240x128xf32, #tpu.memory_space<vmem_shared>> -> memref<640x128xf32, #tpu.memory_space<vmem_shared>>
      tpu.wait_dma2 semaphore(%run_scoped3A_80 : memref<!tpu.dma_semaphore, #tpu.memory_space<semaphore_mem>>) src(%dma_wait3A_90 : memref<640x128xf32, #tpu.memory_space<vmem_shared>>) dst(%dma_wait3A_88 : memref<640x128xf32, #tpu.memory_space<hbm>>)
      tpu.yield
    }) : () -> ()
    return
  }
}

#map = affine_map<(d0, d1) -> (0, 0)>
#map1 = affine_map<(d0, d1) -> (0, 0, 0)>
module attributes {stable_mosaic.version = 14 : i64} {
  func.func @deg_kernel(%arg0: i32, %arg1: i32, %arg2: memref<2560x128xi32, #tpu.memory_space<hbm>>, %arg3: memref<10240x128xf32, #tpu.memory_space<hbm>>, %arg4: memref<128x128xf32, #tpu.memory_space<hbm>>, %arg5: memref<2x10240x128xf32, #tpu.memory_space<hbm>>, %arg6: memref<10240x128xf32, #tpu.memory_space<vmem_shared>>, %arg7: memref<80x128xi32, #tpu.memory_space<vmem>>, %arg8: memref<128x128xf32, #tpu.memory_space<vmem>>, %arg9: memref<!tpu.dma_semaphore, #tpu.memory_space<semaphore_mem>>) attributes {dimension_semantics = [#tpu.dimension_semantics<core_parallel>, #tpu.dimension_semantics<subcore_parallel>], iteration_bounds = array<i64: 2, 16>, scalar_prefetch = 0 : i64, scratch_operands = 4 : i64, tpu.core_type = #tpu.core_type<sc_vector_subcore>, window_params = [{transform_indices = #map}, {transform_indices = #map}, {transform_indices = #map}, {transform_indices = #map1}]} {
    %mul3A = arith.constant 640 : i32
    %mul3A_0 = arith.muli %arg1, %mul3A : i32
    %mul3A_1 = arith.constant 640 : i32
    %mul3A_2 = arith.muli %arg1, %mul3A_1 : i32
    "tpu.region"() ({
      %run_scoped3A = tpu.sem_alloc : memref<!tpu.dma_semaphore, #tpu.memory_space<semaphore_mem>>
      %dma_start3A = arith.constant 0 : i32
      %dma_start3A_21 = tpu.memref_slice %arg6[%mul3A_2, %dma_start3A] : memref<10240x128xf32, #tpu.memory_space<vmem_shared>> -> memref<640x128xf32, #tpu.memory_space<vmem_shared>>
      %dma_start3A_22 = arith.constant 0 : i32
      %dma_start3A_23 = tpu.memref_slice %arg3[%mul3A_0, %dma_start3A_22] : memref<10240x128xf32, #tpu.memory_space<hbm>> -> memref<640x128xf32, #tpu.memory_space<hbm>>
      tpu.enqueue_dma source(%dma_start3A_23 : memref<640x128xf32, #tpu.memory_space<hbm>>) target(%dma_start3A_21 : memref<640x128xf32, #tpu.memory_space<vmem_shared>>) target_semaphore(%run_scoped3A : memref<!tpu.dma_semaphore, #tpu.memory_space<semaphore_mem>>)
      %dma_wait3A = arith.constant 0 : i32
      %dma_wait3A_24 = tpu.memref_slice %arg6[%mul3A_2, %dma_wait3A] : memref<10240x128xf32, #tpu.memory_space<vmem_shared>> -> memref<640x128xf32, #tpu.memory_space<vmem_shared>>
      %dma_wait3A_25 = arith.constant 0 : i32
      %dma_wait3A_26 = tpu.memref_slice %arg3[%mul3A_0, %dma_wait3A_25] : memref<10240x128xf32, #tpu.memory_space<hbm>> -> memref<640x128xf32, #tpu.memory_space<hbm>>
      tpu.wait_dma2 semaphore(%run_scoped3A : memref<!tpu.dma_semaphore, #tpu.memory_space<semaphore_mem>>) src(%dma_wait3A_26 : memref<640x128xf32, #tpu.memory_space<hbm>>) dst(%dma_wait3A_24 : memref<640x128xf32, #tpu.memory_space<vmem_shared>>)
      tpu.yield
    }) : () -> ()
    %mul3A_3 = arith.constant 1280 : i32
    %mul3A_4 = arith.muli %arg0, %mul3A_3 : i32
    %mul3A_5 = arith.constant 80 : i32
    %mul3A_6 = arith.muli %arg1, %mul3A_5 : i32
    %add3A = arith.addi %mul3A_4, %mul3A_6 : i32
    "tpu.region"() ({
      %run_scoped3A = tpu.sem_alloc : memref<!tpu.dma_semaphore, #tpu.memory_space<semaphore_mem>>
      %dma_start3A = arith.constant 0 : i32
      %dma_start3A_21 = tpu.memref_slice %arg2[%add3A, %dma_start3A] : memref<2560x128xi32, #tpu.memory_space<hbm>> -> memref<80x128xi32, #tpu.memory_space<hbm>>
      %dma_start3A_22 = arith.constant 0 : i32
      %dma_start3A_23 = tpu.memref_slice %arg2[%add3A, %dma_start3A_22] : memref<2560x128xi32, #tpu.memory_space<hbm>> -> memref<80x128xi32, #tpu.memory_space<hbm>>
      tpu.enqueue_dma source(%dma_start3A_23 : memref<80x128xi32, #tpu.memory_space<hbm>>) target(%arg7 : memref<80x128xi32, #tpu.memory_space<vmem>>) target_semaphore(%run_scoped3A : memref<!tpu.dma_semaphore, #tpu.memory_space<semaphore_mem>>)
      %dma_wait3A = arith.constant 0 : i32
      %dma_wait3A_24 = tpu.memref_slice %arg2[%add3A, %dma_wait3A] : memref<2560x128xi32, #tpu.memory_space<hbm>> -> memref<80x128xi32, #tpu.memory_space<hbm>>
      %dma_wait3A_25 = arith.constant 0 : i32
      %dma_wait3A_26 = tpu.memref_slice %arg2[%add3A, %dma_wait3A_25] : memref<2560x128xi32, #tpu.memory_space<hbm>> -> memref<80x128xi32, #tpu.memory_space<hbm>>
      tpu.wait_dma2 semaphore(%run_scoped3A : memref<!tpu.dma_semaphore, #tpu.memory_space<semaphore_mem>>) src(%dma_wait3A_26 : memref<80x128xi32, #tpu.memory_space<hbm>>) dst(%arg7 : memref<80x128xi32, #tpu.memory_space<vmem>>)
      tpu.yield
    }) : () -> ()
    "tpu.region"() ({
      %run_scoped3A = tpu.sem_alloc : memref<!tpu.dma_semaphore, #tpu.memory_space<semaphore_mem>>
      tpu.enqueue_dma source(%arg4 : memref<128x128xf32, #tpu.memory_space<hbm>>) target(%arg8 : memref<128x128xf32, #tpu.memory_space<vmem>>) target_semaphore(%run_scoped3A : memref<!tpu.dma_semaphore, #tpu.memory_space<semaphore_mem>>)
      tpu.wait_dma2 semaphore(%run_scoped3A : memref<!tpu.dma_semaphore, #tpu.memory_space<semaphore_mem>>) src(%arg4 : memref<128x128xf32, #tpu.memory_space<hbm>>) dst(%arg8 : memref<128x128xf32, #tpu.memory_space<vmem>>)
      tpu.yield
    }) : () -> ()
    %barrier3A = arith.constant 0 : index
    tpu.barrier barrier_id(%barrier3A)
    %scan3A = arith.constant 0 : i32
    %scan3A_7 = arith.constant 80 : i32
    %scan3A_8 = arith.addi %scan3A, %scan3A_7 : i32
    %scan3A_9 = arith.constant 1 : i32
    scf.for %scan3A_21 = %scan3A to %scan3A_8 step %scan3A_9  : i32 {
      %mul3A_22 = arith.constant 1 : i32
      %mul3A_23 = arith.muli %scan3A_21, %mul3A_22 : i32
      %add3A_24 = arith.constant 0 : i32
      %add3A_25 = arith.addi %add3A_24, %mul3A_23 : i32
      %dma_start3A = arith.constant 0 : i32
      %dma_start3A_26 = tpu.memref_slice %arg7[%add3A_25, %dma_start3A] : memref<80x128xi32, #tpu.memory_space<vmem>> -> memref<1x128xi32, #tpu.memory_space<vmem>>
      %dma_start3A_27 = tpu.memref_squeeze %dma_start3A_26 : memref<1x128xi32, #tpu.memory_space<vmem>> -> memref<128xi32, #tpu.memory_space<vmem>>
      %dma_start3A_28 = arith.constant 0 : i32
      %dma_start3A_29 = arith.constant 0 : i32
      %dma_start3A_30 = tpu.memref_slice %arg6[%dma_start3A_28, %dma_start3A_29] : memref<10240x128xf32, #tpu.memory_space<vmem_shared>> -> memref<10240x128xf32, #tpu.memory_space<vmem_shared>>
      tpu.enqueue_indirect_dma source(%arg8 : memref<128x128xf32, #tpu.memory_space<vmem>>) target(%dma_start3A_30 : memref<10240x128xf32, #tpu.memory_space<vmem_shared>>) offsets(%dma_start3A_27 : memref<128xi32, #tpu.memory_space<vmem>>) semaphore(%arg9 : memref<!tpu.dma_semaphore, #tpu.memory_space<semaphore_mem>>) {add = true}
      %ge3A = arith.constant 4 : i32
      %ge3A_31 = arith.cmpi sge, %add3A_25, %ge3A : i32
      %convert_element_type3A = arith.extui %ge3A_31 : i1 to i32
      %cond3A = arith.constant 0 : i32
      %cond3A_32 = arith.cmpi ne, %convert_element_type3A, %cond3A : i32
      scf.if %cond3A_32 {
        %dma_wait3A = arith.constant 0 : i32
        %dma_wait3A_33 = arith.constant 0 : i32
        %dma_wait3A_34 = tpu.memref_slice %arg3[%dma_wait3A, %dma_wait3A_33] : memref<10240x128xf32, #tpu.memory_space<hbm>> -> memref<128x128xf32, #tpu.memory_space<hbm>>
        %dma_wait3A_35 = arith.constant 0 : i32
        %dma_wait3A_36 = arith.constant 0 : i32
        %dma_wait3A_37 = tpu.memref_slice %arg3[%dma_wait3A_35, %dma_wait3A_36] : memref<10240x128xf32, #tpu.memory_space<hbm>> -> memref<128x128xf32, #tpu.memory_space<hbm>>
        tpu.wait_dma2 semaphore(%arg9 : memref<!tpu.dma_semaphore, #tpu.memory_space<semaphore_mem>>) src(%dma_wait3A_37 : memref<128x128xf32, #tpu.memory_space<hbm>>) dst(%arg8 : memref<128x128xf32, #tpu.memory_space<vmem>>)
      } else {
      }
    }
    %scan3A_10 = arith.constant 80 : i32
    %scan3A_11 = arith.constant 0 : i32
    %scan3A_12 = arith.constant 4 : i32
    %scan3A_13 = arith.addi %scan3A_11, %scan3A_12 : i32
    %scan3A_14 = arith.constant 1 : i32
    scf.for %scan3A_21 = %scan3A_11 to %scan3A_13 step %scan3A_14  : i32 {
      %mul3A_22 = arith.constant 1 : i32
      %mul3A_23 = arith.muli %scan3A_21, %mul3A_22 : i32
      %add3A_24 = arith.constant 0 : i32
      %add3A_25 = arith.addi %add3A_24, %mul3A_23 : i32
      %dma_wait3A = arith.constant 0 : i32
      %dma_wait3A_26 = arith.constant 0 : i32
      %dma_wait3A_27 = tpu.memref_slice %arg3[%dma_wait3A, %dma_wait3A_26] : memref<10240x128xf32, #tpu.memory_space<hbm>> -> memref<128x128xf32, #tpu.memory_space<hbm>>
      %dma_wait3A_28 = arith.constant 0 : i32
      %dma_wait3A_29 = arith.constant 0 : i32
      %dma_wait3A_30 = tpu.memref_slice %arg3[%dma_wait3A_28, %dma_wait3A_29] : memref<10240x128xf32, #tpu.memory_space<hbm>> -> memref<128x128xf32, #tpu.memory_space<hbm>>
      tpu.wait_dma2 semaphore(%arg9 : memref<!tpu.dma_semaphore, #tpu.memory_space<semaphore_mem>>) src(%dma_wait3A_30 : memref<128x128xf32, #tpu.memory_space<hbm>>) dst(%arg8 : memref<128x128xf32, #tpu.memory_space<vmem>>)
    }
    %scan3A_15 = arith.constant 4 : i32
    %barrier3A_16 = arith.constant 0 : index
    tpu.barrier barrier_id(%barrier3A_16)
    %mul3A_17 = arith.constant 640 : i32
    %mul3A_18 = arith.muli %arg1, %mul3A_17 : i32
    %mul3A_19 = arith.constant 640 : i32
    %mul3A_20 = arith.muli %arg1, %mul3A_19 : i32
    "tpu.region"() ({
      %run_scoped3A = tpu.sem_alloc : memref<!tpu.dma_semaphore, #tpu.memory_space<semaphore_mem>>
      %dma_start3A = arith.constant 0 : i32
      %dma_start3A_21 = tpu.memref_slice %arg5[%arg0, %mul3A_20, %dma_start3A] : memref<2x10240x128xf32, #tpu.memory_space<hbm>> -> memref<1x640x128xf32, #tpu.memory_space<hbm>>
      %dma_start3A_22 = tpu.memref_squeeze %dma_start3A_21 : memref<1x640x128xf32, #tpu.memory_space<hbm>> -> memref<640x128xf32, #tpu.memory_space<hbm>>
      %dma_start3A_23 = arith.constant 0 : i32
      %dma_start3A_24 = tpu.memref_slice %arg6[%mul3A_18, %dma_start3A_23] : memref<10240x128xf32, #tpu.memory_space<vmem_shared>> -> memref<640x128xf32, #tpu.memory_space<vmem_shared>>
      tpu.enqueue_dma source(%dma_start3A_24 : memref<640x128xf32, #tpu.memory_space<vmem_shared>>) target(%dma_start3A_22 : memref<640x128xf32, #tpu.memory_space<hbm>>) target_semaphore(%run_scoped3A : memref<!tpu.dma_semaphore, #tpu.memory_space<semaphore_mem>>)
      %dma_wait3A = arith.constant 0 : i32
      %dma_wait3A_25 = tpu.memref_slice %arg5[%arg0, %mul3A_20, %dma_wait3A] : memref<2x10240x128xf32, #tpu.memory_space<hbm>> -> memref<1x640x128xf32, #tpu.memory_space<hbm>>
      %dma_wait3A_26 = tpu.memref_squeeze %dma_wait3A_25 : memref<1x640x128xf32, #tpu.memory_space<hbm>> -> memref<640x128xf32, #tpu.memory_space<hbm>>
      %dma_wait3A_27 = arith.constant 0 : i32
      %dma_wait3A_28 = tpu.memref_slice %arg6[%mul3A_18, %dma_wait3A_27] : memref<10240x128xf32, #tpu.memory_space<vmem_shared>> -> memref<640x128xf32, #tpu.memory_space<vmem_shared>>
      tpu.wait_dma2 semaphore(%run_scoped3A : memref<!tpu.dma_semaphore, #tpu.memory_space<semaphore_mem>>) src(%dma_wait3A_28 : memref<640x128xf32, #tpu.memory_space<vmem_shared>>) dst(%dma_wait3A_26 : memref<640x128xf32, #tpu.memory_space<hbm>>)
      tpu.yield
    }) : () -> ()
    return
  }
}

module attributes {stable_mosaic.version = 14 : i64} {
  func.func @_tc1_body(%arg0: i32, %arg1: memref<1024x128xf32, #tpu.memory_space<vmem>>, %arg2: memref<128x256xf32, #tpu.memory_space<vmem>>, %arg3: memref<2x1024x128xf32, #tpu.memory_space<vmem>>, %arg4: memref<2x1024x128xf32, #tpu.memory_space<vmem>>) attributes {dimension_semantics = [#tpu.dimension_semantics<arbitrary>], iteration_bounds = array<i64: 10>, scalar_prefetch = 0 : i64, scratch_operands = 0 : i64, tpu.core_type = #tpu.core_type<tc>, window_params = [{transform_indices = @transform_0, window_bounds = array<i64: 1024, 128>}, {pipeline_mode = #tpu.pipeline_mode<synchronous>, transform_indices = @transform_1, window_bounds = array<i64: 128, 256>}, {transform_indices = @transform_2, window_bounds = array<i64: 2, 1024, 128>}, {transform_indices = @transform_3, window_bounds = array<i64: 2, 1024, 128>}]} {
    %get3A = arith.constant 0 : index
    %get3A_0 = arith.constant 0 : index
    %get3A_1 = arith.constant 0 : index
    %get3A_2 = vector.load %arg3[%get3A, %get3A_0, %get3A_1] : memref<2x1024x128xf32, #tpu.memory_space<vmem>>, vector<1x1024x1xf32>
    %get3A_3 = vector.shape_cast %get3A_2 : vector<1x1024x1xf32> to vector<1024x1xf32>
    %get3A_4 = arith.constant 1 : index
    %get3A_5 = arith.constant 0 : index
    %get3A_6 = arith.constant 0 : index
    %get3A_7 = vector.load %arg3[%get3A_4, %get3A_5, %get3A_6] : memref<2x1024x128xf32, #tpu.memory_space<vmem>>, vector<1x1024x1xf32>
    %get3A_8 = vector.shape_cast %get3A_7 : vector<1x1024x1xf32> to vector<1024x1xf32>
    %add3A = arith.addf %get3A_3, %get3A_8 : vector<1024x1xf32>
    %add3A_9 = arith.constant 1.000000e+00 : f32
    %add3A_10 = vector.broadcast %add3A_9 : f32 to vector<1024x1xf32>
    %add3A_11 = arith.addf %add3A, %add3A_10 : vector<1024x1xf32>
    %rsqrt3A = math.rsqrt %add3A_11 : vector<1024x1xf32>
    %get3A_12 = arith.constant 0 : index
    %get3A_13 = arith.constant 0 : index
    %get3A_14 = vector.load %arg1[%get3A_12, %get3A_13] : memref<1024x128xf32, #tpu.memory_space<vmem>>, vector<1024x128xf32>
    %mul3A = vector.broadcast %rsqrt3A : vector<1024x1xf32> to vector<1024x128xf32>
    %mul3A_15 = arith.mulf %get3A_14, %mul3A : vector<1024x128xf32>
    %get3A_16 = arith.constant 0 : index
    %get3A_17 = arith.constant 0 : index
    %get3A_18 = vector.load %arg2[%get3A_16, %get3A_17] : memref<128x256xf32, #tpu.memory_space<vmem>>, vector<128x256xf32>
    %dot_general3A = arith.constant dense<0.000000e+00> : vector<1024x256xf32>
    %dot_general3A_19 = tpu.matmul %mul3A_15, %get3A_18, %dot_general3A {dimension_numbers = #tpu.dot_dimension_numbers<[1], [0], [0], [1], [0, 0, 1, 1], [], []>, precision = #tpu.contract_precision<fp32>, transpose_lhs_hint = false} : vector<1024x128xf32>, vector<128x256xf32>, vector<1024x256xf32> -> vector<1024x256xf32>
    %slice3A = vector.extract_strided_slice %dot_general3A_19 {offsets = [0, 0], sizes = [1024, 128], strides = [1, 1]} : vector<1024x256xf32> to vector<1024x128xf32>
    %swap3A = arith.constant 0 : index
    %swap3A_20 = arith.constant 0 : index
    %swap3A_21 = arith.constant 0 : index
    %swap3A_22 = vector.load %arg4[%swap3A, %swap3A_20, %swap3A_21] : memref<2x1024x128xf32, #tpu.memory_space<vmem>>, vector<1x1024x128xf32>
    %swap3A_23 = vector.shape_cast %swap3A_22 : vector<1x1024x128xf32> to vector<1024x128xf32>
    %swap3A_24 = vector.shape_cast %slice3A : vector<1024x128xf32> to vector<1x1024x128xf32>
    tpu.vector_store %arg4[%swap3A, %swap3A_20, %swap3A_21], %swap3A_24 {strides = array<i32>} : memref<2x1024x128xf32, #tpu.memory_space<vmem>>, vector<1x1024x128xf32>,
    %slice3A_25 = vector.extract_strided_slice %dot_general3A_19 {offsets = [0, 128], sizes = [1024, 128], strides = [1, 1]} : vector<1024x256xf32> to vector<1024x128xf32>
    %swap3A_26 = arith.constant 1 : index
    %swap3A_27 = arith.constant 0 : index
    %swap3A_28 = arith.constant 0 : index
    %swap3A_29 = vector.load %arg4[%swap3A_26, %swap3A_27, %swap3A_28] : memref<2x1024x128xf32, #tpu.memory_space<vmem>>, vector<1x1024x128xf32>
    %swap3A_30 = vector.shape_cast %swap3A_29 : vector<1x1024x128xf32> to vector<1024x128xf32>
    %swap3A_31 = vector.shape_cast %slice3A_25 : vector<1024x128xf32> to vector<1x1024x128xf32>
    tpu.vector_store %arg4[%swap3A_26, %swap3A_27, %swap3A_28], %swap3A_31 {strides = array<i32>} : memref<2x1024x128xf32, #tpu.memory_space<vmem>>, vector<1x1024x128xf32>,
    return
  }
  func.func @transform_0(%arg0: i32) -> (i32, i32) {
    %c0_i32 = arith.constant 0 : i32
    %c0_i32_0 = arith.constant 0 : i32
    return %arg0, %c0_i32 : i32, i32
  }
  func.func @transform_1(%arg0: i32) -> (i32, i32) {
    %c0_i32 = arith.constant 0 : i32
    %c0_i32_0 = arith.constant 0 : i32
    %c0_i32_1 = arith.constant 0 : i32
    return %c0_i32, %c0_i32_0 : i32, i32
  }
  func.func @transform_2(%arg0: i32) -> (i32, i32, i32) {
    %c0_i32 = arith.constant 0 : i32
    %c0_i32_0 = arith.constant 0 : i32
    %c0_i32_1 = arith.constant 0 : i32
    return %c0_i32, %arg0, %c0_i32_0 : i32, i32, i32
  }
  func.func @transform_3(%arg0: i32) -> (i32, i32, i32) {
    %c0_i32 = arith.constant 0 : i32
    %c0_i32_0 = arith.constant 0 : i32
    %c0_i32_1 = arith.constant 0 : i32
    return %c0_i32, %arg0, %c0_i32_0 : i32, i32, i32
  }
}

module attributes {stable_mosaic.version = 14 : i64} {
  func.func @_tc2_body(%arg0: i32, %arg1: memref<2x1024x128xf32, #tpu.memory_space<vmem>>, %arg2: memref<2x1024x128xf32, #tpu.memory_space<vmem>>, %arg3: memref<1x256xf32, #tpu.memory_space<vmem>>, %arg4: memref<256x256xf32, #tpu.memory_space<vmem>>, %arg5: memref<2x1024x128xf32, #tpu.memory_space<vmem>>) attributes {dimension_semantics = [#tpu.dimension_semantics<arbitrary>], iteration_bounds = array<i64: 10>, scalar_prefetch = 0 : i64, scratch_operands = 0 : i64, tpu.core_type = #tpu.core_type<tc>, window_params = [{transform_indices = @transform_0, window_bounds = array<i64: 2, 1024, 128>}, {transform_indices = @transform_1, window_bounds = array<i64: 2, 1024, 128>}, {pipeline_mode = #tpu.pipeline_mode<synchronous>, transform_indices = @transform_2, window_bounds = array<i64: 1, 256>}, {pipeline_mode = #tpu.pipeline_mode<synchronous>, transform_indices = @transform_3, window_bounds = array<i64: 256, 256>}, {transform_indices = @transform_4, window_bounds = array<i64: 2, 1024, 128>}]} {
    %get3A = arith.constant 0 : index
    %get3A_0 = arith.constant 0 : index
    %get3A_1 = arith.constant 0 : index
    %get3A_2 = vector.load %arg2[%get3A, %get3A_0, %get3A_1] : memref<2x1024x128xf32, #tpu.memory_space<vmem>>, vector<1x1024x1xf32>
    %get3A_3 = vector.shape_cast %get3A_2 : vector<1x1024x1xf32> to vector<1024x1xf32>
    %get3A_4 = arith.constant 1 : index
    %get3A_5 = arith.constant 0 : index
    %get3A_6 = arith.constant 0 : index
    %get3A_7 = vector.load %arg2[%get3A_4, %get3A_5, %get3A_6] : memref<2x1024x128xf32, #tpu.memory_space<vmem>>, vector<1x1024x1xf32>
    %get3A_8 = vector.shape_cast %get3A_7 : vector<1x1024x1xf32> to vector<1024x1xf32>
    %add3A = arith.addf %get3A_3, %get3A_8 : vector<1024x1xf32>
    %add3A_9 = arith.constant 1.000000e+00 : f32
    %add3A_10 = vector.broadcast %add3A_9 : f32 to vector<1024x1xf32>
    %add3A_11 = arith.addf %add3A, %add3A_10 : vector<1024x1xf32>
    %rsqrt3A = math.rsqrt %add3A_11 : vector<1024x1xf32>
    %get3A_12 = arith.constant 0 : index
    %get3A_13 = arith.constant 0 : index
    %get3A_14 = vector.load %arg3[%get3A_12, %get3A_13] : memref<1x256xf32, #tpu.memory_space<vmem>>, vector<1x256xf32>
    %get3A_15 = arith.constant 0 : index
    %get3A_16 = arith.constant 0 : index
    %get3A_17 = arith.constant 0 : index
    %get3A_18 = vector.load %arg1[%get3A_15, %get3A_16, %get3A_17] : memref<2x1024x128xf32, #tpu.memory_space<vmem>>, vector<1x1024x128xf32>
    %get3A_19 = vector.shape_cast %get3A_18 : vector<1x1024x128xf32> to vector<1024x128xf32>
    %mul3A = vector.broadcast %rsqrt3A : vector<1024x1xf32> to vector<1024x128xf32>
    %mul3A_20 = arith.mulf %get3A_19, %mul3A : vector<1024x128xf32>
    %slice3A = vector.extract_strided_slice %get3A_14 {offsets = [0, 0], sizes = [1, 128], strides = [1, 1]} : vector<1x256xf32> to vector<1x128xf32>
    %add3A_21 = vector.broadcast %slice3A : vector<1x128xf32> to vector<1024x128xf32>
    %add3A_22 = arith.addf %mul3A_20, %add3A_21 : vector<1024x128xf32>
    %max3A = arith.constant 0.000000e+00 : f32
    %max3A_23 = vector.broadcast %max3A : f32 to vector<1024x128xf32>
    %max3A_24 = arith.maximumf %add3A_22, %max3A_23 : vector<1024x128xf32>
    %mul3A_25 = vector.broadcast %rsqrt3A : vector<1024x1xf32> to vector<1024x128xf32>
    %mul3A_26 = arith.mulf %max3A_24, %mul3A_25 : vector<1024x128xf32>
    %get3A_27 = arith.constant 1 : index
    %get3A_28 = arith.constant 0 : index
    %get3A_29 = arith.constant 0 : index
    %get3A_30 = vector.load %arg1[%get3A_27, %get3A_28, %get3A_29] : memref<2x1024x128xf32, #tpu.memory_space<vmem>>, vector<1x1024x128xf32>
    %get3A_31 = vector.shape_cast %get3A_30 : vector<1x1024x128xf32> to vector<1024x128xf32>
    %mul3A_32 = vector.broadcast %rsqrt3A : vector<1024x1xf32> to vector<1024x128xf32>
    %mul3A_33 = arith.mulf %get3A_31, %mul3A_32 : vector<1024x128xf32>
    %slice3A_34 = vector.extract_strided_slice %get3A_14 {offsets = [0, 128], sizes = [1, 128], strides = [1, 1]} : vector<1x256xf32> to vector<1x128xf32>
    %add3A_35 = vector.broadcast %slice3A_34 : vector<1x128xf32> to vector<1024x128xf32>
    %add3A_36 = arith.addf %mul3A_33, %add3A_35 : vector<1024x128xf32>
    %max3A_37 = arith.constant 0.000000e+00 : f32
    %max3A_38 = vector.broadcast %max3A_37 : f32 to vector<1024x128xf32>
    %max3A_39 = arith.maximumf %add3A_36, %max3A_38 : vector<1024x128xf32>
    %mul3A_40 = vector.broadcast %rsqrt3A : vector<1024x1xf32> to vector<1024x128xf32>
    %mul3A_41 = arith.mulf %max3A_39, %mul3A_40 : vector<1024x128xf32>
    %get3A_42 = arith.constant 0 : index
    %get3A_43 = arith.constant 0 : index
    %get3A_44 = vector.load %arg4[%get3A_42, %get3A_43] : memref<256x256xf32, #tpu.memory_space<vmem>>, vector<128x256xf32>
    %dot_general3A = arith.constant dense<0.000000e+00> : vector<1024x256xf32>
    %dot_general3A_45 = tpu.matmul %mul3A_26, %get3A_44, %dot_general3A {dimension_numbers = #tpu.dot_dimension_numbers<[1], [0], [0], [1], [0, 0, 1, 1], [], []>, precision = #tpu.contract_precision<fp32>, transpose_lhs_hint = false} : vector<1024x128xf32>, vector<128x256xf32>, vector<1024x256xf32> -> vector<1024x256xf32>
    %get3A_46 = arith.constant 128 : index
    %get3A_47 = arith.constant 0 : index
    %get3A_48 = vector.load %arg4[%get3A_46, %get3A_47] : memref<256x256xf32, #tpu.memory_space<vmem>>, vector<128x256xf32>
    %dot_general3A_49 = arith.constant dense<0.000000e+00> : vector<1024x256xf32>
    %dot_general3A_50 = tpu.matmul %mul3A_41, %get3A_48, %dot_general3A_49 {dimension_numbers = #tpu.dot_dimension_numbers<[1], [0], [0], [1], [0, 0, 1, 1], [], []>, precision = #tpu.contract_precision<fp32>, transpose_lhs_hint = false} : vector<1024x128xf32>, vector<128x256xf32>, vector<1024x256xf32> -> vector<1024x256xf32>
    %add3A_51 = arith.addf %dot_general3A_45, %dot_general3A_50 : vector<1024x256xf32>
    %slice3A_52 = vector.extract_strided_slice %add3A_51 {offsets = [0, 0], sizes = [1024, 128], strides = [1, 1]} : vector<1024x256xf32> to vector<1024x128xf32>
    %swap3A = arith.constant 0 : index
    %swap3A_53 = arith.constant 0 : index
    %swap3A_54 = arith.constant 0 : index
    %swap3A_55 = vector.load %arg5[%swap3A, %swap3A_53, %swap3A_54] : memref<2x1024x128xf32, #tpu.memory_space<vmem>>, vector<1x1024x128xf32>
    %swap3A_56 = vector.shape_cast %swap3A_55 : vector<1x1024x128xf32> to vector<1024x128xf32>
    %swap3A_57 = vector.shape_cast %slice3A_52 : vector<1024x128xf32> to vector<1x1024x128xf32>
    tpu.vector_store %arg5[%swap3A, %swap3A_53, %swap3A_54], %swap3A_57 {strides = array<i32>} : memref<2x1024x128xf32, #tpu.memory_space<vmem>>, vector<1x1024x128xf32>,
    %slice3A_58 = vector.extract_strided_slice %add3A_51 {offsets = [0, 128], sizes = [1024, 128], strides = [1, 1]} : vector<1024x256xf32> to vector<1024x128xf32>
    %swap3A_59 = arith.constant 1 : index
    %swap3A_60 = arith.constant 0 : index
    %swap3A_61 = arith.constant 0 : index
    %swap3A_62 = vector.load %arg5[%swap3A_59, %swap3A_60, %swap3A_61] : memref<2x1024x128xf32, #tpu.memory_space<vmem>>, vector<1x1024x128xf32>
    %swap3A_63 = vector.shape_cast %swap3A_62 : vector<1x1024x128xf32> to vector<1024x128xf32>
    %swap3A_64 = vector.shape_cast %slice3A_58 : vector<1024x128xf32> to vector<1x1024x128xf32>
    tpu.vector_store %arg5[%swap3A_59, %swap3A_60, %swap3A_61], %swap3A_64 {strides = array<i32>} : memref<2x1024x128xf32, #tpu.memory_space<vmem>>, vector<1x1024x128xf32>,
    return
  }
  func.func @transform_0(%arg0: i32) -> (i32, i32, i32) {
    %c0_i32 = arith.constant 0 : i32
    %c0_i32_0 = arith.constant 0 : i32
    %c0_i32_1 = arith.constant 0 : i32
    return %c0_i32, %arg0, %c0_i32_0 : i32, i32, i32
  }
  func.func @transform_1(%arg0: i32) -> (i32, i32, i32) {
    %c0_i32 = arith.constant 0 : i32
    %c0_i32_0 = arith.constant 0 : i32
    %c0_i32_1 = arith.constant 0 : i32
    return %c0_i32, %arg0, %c0_i32_0 : i32, i32, i32
  }
  func.func @transform_2(%arg0: i32) -> (i32, i32) {
    %c0_i32 = arith.constant 0 : i32
    %c0_i32_0 = arith.constant 0 : i32
    %c0_i32_1 = arith.constant 0 : i32
    return %c0_i32, %c0_i32_0 : i32, i32
  }
  func.func @transform_3(%arg0: i32) -> (i32, i32) {
    %c0_i32 = arith.constant 0 : i32
    %c0_i32_0 = arith.constant 0 : i32
    %c0_i32_1 = arith.constant 0 : i32
    return %c0_i32, %c0_i32_0 : i32, i32
  }
  func.func @transform_4(%arg0: i32) -> (i32, i32, i32) {
    %c0_i32 = arith.constant 0 : i32
    %c0_i32_0 = arith.constant 0 : i32
    %c0_i32_1 = arith.constant 0 : i32
    return %c0_i32, %arg0, %c0_i32_0 : i32, i32, i32
  }
}

module attributes {stable_mosaic.version = 14 : i64} {
  func.func @_tc3_body(%arg0: i32, %arg1: memref<2x1000x128xf32, #tpu.memory_space<vmem>>, %arg2: memref<2x1000x128xf32, #tpu.memory_space<vmem>>, %arg3: memref<1x256xf32, #tpu.memory_space<vmem>>, %arg4: memref<1000x256xf32, #tpu.memory_space<vmem>>) attributes {dimension_semantics = [#tpu.dimension_semantics<arbitrary>], iteration_bounds = array<i64: 10>, scalar_prefetch = 0 : i64, scratch_operands = 0 : i64, tpu.core_type = #tpu.core_type<tc>, window_params = [{transform_indices = @transform_0, window_bounds = array<i64: 2, 1000, 128>}, {transform_indices = @transform_1, window_bounds = array<i64: 2, 1000, 128>}, {pipeline_mode = #tpu.pipeline_mode<synchronous>, transform_indices = @transform_2, window_bounds = array<i64: 1, 256>}, {transform_indices = @transform_3, window_bounds = array<i64: 1000, 256>}]} {
    %get3A = arith.constant 0 : index
    %get3A_0 = arith.constant 0 : index
    %get3A_1 = arith.constant 0 : index
    %get3A_2 = vector.load %arg2[%get3A, %get3A_0, %get3A_1] : memref<2x1000x128xf32, #tpu.memory_space<vmem>>, vector<1x1000x1xf32>
    %get3A_3 = vector.shape_cast %get3A_2 : vector<1x1000x1xf32> to vector<1000x1xf32>
    %get3A_4 = arith.constant 1 : index
    %get3A_5 = arith.constant 0 : index
    %get3A_6 = arith.constant 0 : index
    %get3A_7 = vector.load %arg2[%get3A_4, %get3A_5, %get3A_6] : memref<2x1000x128xf32, #tpu.memory_space<vmem>>, vector<1x1000x1xf32>
    %get3A_8 = vector.shape_cast %get3A_7 : vector<1x1000x1xf32> to vector<1000x1xf32>
    %add3A = arith.addf %get3A_3, %get3A_8 : vector<1000x1xf32>
    %add3A_9 = arith.constant 1.000000e+00 : f32
    %add3A_10 = vector.broadcast %add3A_9 : f32 to vector<1000x1xf32>
    %add3A_11 = arith.addf %add3A, %add3A_10 : vector<1000x1xf32>
    %rsqrt3A = math.rsqrt %add3A_11 : vector<1000x1xf32>
    %get3A_12 = arith.constant 0 : index
    %get3A_13 = arith.constant 0 : index
    %get3A_14 = vector.load %arg3[%get3A_12, %get3A_13] : memref<1x256xf32, #tpu.memory_space<vmem>>, vector<1x256xf32>
    %get3A_15 = arith.constant 0 : index
    %get3A_16 = arith.constant 0 : index
    %get3A_17 = arith.constant 0 : index
    %get3A_18 = vector.load %arg1[%get3A_15, %get3A_16, %get3A_17] : memref<2x1000x128xf32, #tpu.memory_space<vmem>>, vector<1x1000x128xf32>
    %get3A_19 = vector.shape_cast %get3A_18 : vector<1x1000x128xf32> to vector<1000x128xf32>
    %mul3A = vector.broadcast %rsqrt3A : vector<1000x1xf32> to vector<1000x128xf32>
    %mul3A_20 = arith.mulf %get3A_19, %mul3A : vector<1000x128xf32>
    %slice3A = vector.extract_strided_slice %get3A_14 {offsets = [0, 0], sizes = [1, 128], strides = [1, 1]} : vector<1x256xf32> to vector<1x128xf32>
    %add3A_21 = vector.broadcast %slice3A : vector<1x128xf32> to vector<1000x128xf32>
    %add3A_22 = arith.addf %mul3A_20, %add3A_21 : vector<1000x128xf32>
    %swap3A = arith.constant 0 : index
    %swap3A_23 = arith.constant 0 : index
    %swap3A_24 = vector.load %arg4[%swap3A, %swap3A_23] : memref<1000x256xf32, #tpu.memory_space<vmem>>, vector<1000x128xf32>
    tpu.vector_store %arg4[%swap3A, %swap3A_23], %add3A_22 {strides = array<i32>} : memref<1000x256xf32, #tpu.memory_space<vmem>>, vector<1000x128xf32>,
    %get3A_25 = arith.constant 1 : index
    %get3A_26 = arith.constant 0 : index
    %get3A_27 = arith.constant 0 : index
    %get3A_28 = vector.load %arg1[%get3A_25, %get3A_26, %get3A_27] : memref<2x1000x128xf32, #tpu.memory_space<vmem>>, vector<1x1000x128xf32>
    %get3A_29 = vector.shape_cast %get3A_28 : vector<1x1000x128xf32> to vector<1000x128xf32>
    %mul3A_30 = vector.broadcast %rsqrt3A : vector<1000x1xf32> to vector<1000x128xf32>
    %mul3A_31 = arith.mulf %get3A_29, %mul3A_30 : vector<1000x128xf32>
    %slice3A_32 = vector.extract_strided_slice %get3A_14 {offsets = [0, 128], sizes = [1, 128], strides = [1, 1]} : vector<1x256xf32> to vector<1x128xf32>
    %add3A_33 = vector.broadcast %slice3A_32 : vector<1x128xf32> to vector<1000x128xf32>
    %add3A_34 = arith.addf %mul3A_31, %add3A_33 : vector<1000x128xf32>
    %swap3A_35 = arith.constant 0 : index
    %swap3A_36 = arith.constant 128 : index
    %swap3A_37 = vector.load %arg4[%swap3A_35, %swap3A_36] : memref<1000x256xf32, #tpu.memory_space<vmem>>, vector<1000x128xf32>
    tpu.vector_store %arg4[%swap3A_35, %swap3A_36], %add3A_34 {strides = array<i32>} : memref<1000x256xf32, #tpu.memory_space<vmem>>, vector<1000x128xf32>,
    return
  }
  func.func @transform_0(%arg0: i32) -> (i32, i32, i32) {
    %c0_i32 = arith.constant 0 : i32
    %c0_i32_0 = arith.constant 0 : i32
    %c0_i32_1 = arith.constant 0 : i32
    return %c0_i32, %arg0, %c0_i32_0 : i32, i32, i32
  }
  func.func @transform_1(%arg0: i32) -> (i32, i32, i32) {
    %c0_i32 = arith.constant 0 : i32
    %c0_i32_0 = arith.constant 0 : i32
    %c0_i32_1 = arith.constant 0 : i32
    return %c0_i32, %arg0, %c0_i32_0 : i32, i32, i32
  }
  func.func @transform_2(%arg0: i32) -> (i32, i32) {
    %c0_i32 = arith.constant 0 : i32
    %c0_i32_0 = arith.constant 0 : i32
    %c0_i32_1 = arith.constant 0 : i32
    return %c0_i32, %c0_i32_0 : i32, i32
  }
  func.func @transform_3(%arg0: i32) -> (i32, i32) {
    %c0_i32 = arith.constant 0 : i32
    %c0_i32_0 = arith.constant 0 : i32
    return %arg0, %c0_i32 : i32, i32
  }
}

</mosaic_0001>

<sc_bundles>
// kernel: kernel.11.cloned.1.call-start
scs
__scs_entry_jumppad:
0x0: {  	(pc) =	sbr.rel $0x88, $3  }
0x1: {  	(tag) =	ssettag $0x0;
	lr =	simm.s32 $0x1  }
0x2: {  	[smem:$0x3F9B] =	sst lr;
	_ =	strace $0xD0000000  }
0x3: {  	_ = 	snop  }
0x4: {  	_ = 	snop  }
0x5: {  	_ = 	snop  }
0x6: {  	_ = 	snop  }
0x7: {  	_ = 	snop  }
__scs_overlays_trampoline_lowered:
0x8: {  	[smem:$0x3FAA] =	sst s0  }
0x9: {  	[smem:$0x3FAB] =	sst s1  }
0xa: {  	[smem:$0x3FAC] =	sst s2  }
0xb: {  	[smem:$0x3FAD] =	sst s3  }
0xc: {  	[smem:$0x3FAE] =	sst s4  }
0xd: {  	[smem:$0x3FAF] =	sst s5  }
0xe: {  	[smem:$0x3FB0] =	sst s6  }
0xf: {  	[smem:$0x3FB1] =	sst s7  }
0x10: {  	[smem:$0x3FB2] =	sst s8  }
0x11: {  	[smem:$0x3FB3] =	sst s9;
	s0 =	simm.s32 @!p0 $0x0  }
0x12: {  	s1 =	sld [smem:$0x3F99];
	s0 =	simm.s32 @p0 $0x1  }
0x13: {  	[smem:$0x3FB4] =	sst s0;
	s0 =	simm.s32 @!p1 $0x0  }
0x14: {  	s2 =	sld [smem:$0x3F98];
	s0 =	simm.s32 @p1 $0x1  }
0x15: {  	[smem:$0x3FB5] =	sst s0;
	s0 =	simm.s32 @!p2 $0x0  }
0x16: {  	s3 =	sld [smem:$0x3FDB];
	s0 =	simm.s32 @p2 $0x1  }
0x17: {  	s4 =	simm.s32 $0x1BF5;
	[smem:$0x3FB7] =	sst s0  }
0x18: {  	s0 =	sld [smem:$0x3F9A];
	_ =	swait.ge [sflag:s4], $0x0  }
0x19: {  	s7 =	sld [smem:$0x3F9B]  }
0x1a: {  	s8 =	sadd.s32 $0xFFFFE003, lr  }
0x1b: {  	s9 =	sadd.s32 $0xFFFFFEF7, lr;
	s5 =	simm.s32 $0xFFFFFFFF;
	p2 =	slt.u32 s8, $0xFFFFF086  }
0x1c: {  	p1 =	slt.u32 s9, $0xF7A;
	s5 =	simm.s32 @!p2 $0x0  }
0x1d: {  	s5 =	simm.s32 @p1 $0x1;
	p0 =	seq.s32 s7, s2  }
0x1e: {  	s7 =	smul.u32 @!p0 $0xF7A, s2;
	p2 =	seq.s32 @!p0 s5, $0x0  }
0x1f: {  	s9 =	smul.u32 $0xF7A, s1;
	s8 =	simm.s32 @!p0 $0x1BF5;
	p2 =	por !p2, p0  }
0x20: {  	[sflag:s8] =	ssyncset.s32 @!p0 $0xFFFFF086;
	s6 =	sadd.s32 @!p0 s3, s7;
	s7 =	simm.s32 @!p0 $0x108  }
0x21: {  	s3 =	sadd.s32 s3, s9;
	s6 =	sadd.s32 @!p0 $0x88, s6;
	s7 =	simm.s32 @p2 $0x1082  }
0x22: {  	[simem:s7], [sflag:s8] =	dma.local @!p0 [hbm:s6], $0xF7A  }
0x23: {  	s9 =	sor.u32 $0xD0000000, s2;
	s6 =	simm.s32 $0x108;
	_ =	swait.ge @!p0 [sflag:s8], $0x0  }
0x24: {  	s3 =	sadd.s32 $0x88, s3;
	s6 =	simm.s32 @!p1 $0x1082;
	[sflag:s4] =	ssyncset.s32 $0xFFFFF086  }
0x25: {  	[simem:s6], [sflag:s4] =	dma.local [hbm:s3], $0xF7A  }
0x26: {  	[smem:$0x3F9B] =	sst s1;
	(tag) =	ssettag s2;
	_ =	strace s9  }
0x27: {  	s1 =	sld [smem:$0x3FAB]  }
0x28: {  	s2 =	sld [smem:$0x3FAC]  }
0x29: {  	s4 =	sld [smem:$0x3FAE]  }
0x2a: {  	p0 =	seq.s32 s5, $0x0;
	s5 =	sld [smem:$0x3FAF]  }
0x2b: {  	s6 =	sld [smem:$0x3FB0]  }
0x2c: {  	s7 =	sld [smem:$0x3FB1]  }
0x2d: {  	s3 =	simm.s32 $0x108;
	s8 =	sld [smem:$0x3FB2]  }
0x2e: {  	s3 =	simm.s32 @!p0 $0x1082;
	s9 =	sld [smem:$0x3FB3]  }
0x2f: {  	lr =	sadd.s32 s0, s3;
	s0 =	sld [smem:$0x3FAA]  }
0x30: {  	s3 =	sld [smem:$0x3FAD]  }
0x31: {  	[smem:$0x3FB6] =	sst s10  }
0x32: {  	s10 =	sld [smem:$0x3FB4];
	_ =	sdelay $0x3  }
0x33: {  	p0 =	seq.s32 s10, $0x1;
	s10 =	sld [smem:$0x3FB6];
	_ =	sdelay $0x3  }
0x34: {  	[smem:$0x3FB6] =	sst s10  }
0x35: {  	s10 =	sld [smem:$0x3FB5];
	_ =	sdelay $0x3  }
0x36: {  	p1 =	seq.s32 s10, $0x1;
	s10 =	sld [smem:$0x3FB6];
	_ =	sdelay $0x3  }
0x37: {  	[smem:$0x3FB6] =	sst s10  }
0x38: {  	s10 =	sld [smem:$0x3FB7]  }
0x39: {  	_ = 	snop;
	(pc) =	sbr.ind lr, $3  }
0x3a: {  	_ = 	snop  }
0x3b: {  	_ = 	snop  }
0x3c: {  	p2 =	seq.s32 s10, $0x1;
	s10 =	sld [smem:$0x3FB6]  }
0x3d: {  	_ =	shalt  }
0x3e: {  	_ =	shalt  }
0x3f: {  	_ =	shalt  }
0x40: {  	_ =	shalt  }
0x41: {  	_ =	shalt  }
0x42: {  	_ =	shalt  }
0x43: {  	_ =	shalt  }
0x44: {  	_ =	shalt  }
0x45: {  	_ =	shalt  }
0x46: {  	_ =	shalt  }
0x47: {  	_ =	shalt  }
0x48: {  	_ =	shalt  }
0x49: {  	_ =	shalt  }
0x4a: {  	_ =	shalt  }
0x4b: {  	_ =	shalt  }
0x4c: {  	_ =	shalt  }
0x4d: {  	_ =	shalt  }
0x4e: {  	_ =	shalt  }
0x4f: {  	_ =	shalt  }
0x50: {  	_ =	shalt  }
0x51: {  	_ =	shalt  }
0x52: {  	_ =	shalt  }
0x53: {  	_ =	shalt  }
0x54: {  	_ =	shalt  }
0x55: {  	_ =	shalt  }
0x56: {  	_ =	shalt  }
0x57: {  	_ =	shalt  }
0x58: {  	_ =	shalt  }
0x59: {  	_ =	shalt  }
0x5a: {  	_ =	shalt  }
0x5b: {  	_ =	shalt  }
0x5c: {  	_ =	shalt  }
0x5d: {  	_ =	shalt  }
0x5e: {  	_ =	shalt  }
0x5f: {  	_ =	shalt  }
0x60: {  	_ =	shalt  }
0x61: {  	_ =	shalt  }
0x62: {  	_ =	shalt  }
0x63: {  	_ =	shalt  }
0x64: {  	_ =	shalt  }
0x65: {  	_ =	shalt  }
0x66: {  	_ =	shalt  }
0x67: {  	_ =	shalt  }
0x68: {  	_ =	shalt  }
0x69: {  	_ =	shalt  }
0x6a: {  	_ =	shalt  }
0x6b: {  	_ =	shalt  }
0x6c: {  	_ =	shalt  }
0x6d: {  	_ =	shalt  }
0x6e: {  	_ =	shalt  }
0x6f: {  	_ =	shalt  }
0x70: {  	_ =	shalt  }
0x71: {  	_ =	shalt  }
0x72: {  	_ =	shalt  }
0x73: {  	_ =	shalt  }
0x74: {  	_ =	shalt  }
0x75: {  	_ =	shalt  }
0x76: {  	_ =	shalt  }
0x77: {  	_ =	shalt  }
0x78: {  	_ =	shalt  }
0x79: {  	_ =	shalt  }
0x7a: {  	_ =	shalt  }
0x7b: {  	_ =	shalt  }
0x7c: {  	_ =	shalt  }
0x7d: {  	_ =	shalt  }
0x7e: {  	_ =	shalt  }
0x7f: {  	_ =	shalt  }
0x80: {  	_ =	shalt  }
0x81: {  	_ =	shalt  }
0x82: {  	_ =	shalt  }
0x83: {  	_ =	shalt  }
0x84: {  	_ =	shalt  }
0x85: {  	_ =	shalt  }
0x86: {  	_ =	shalt  }
0x87: {  	_ =	shalt  }
.Lfunc_end0:
.L_simem_size_0:
called_computation.1_lowered:
.L_overlay_start_0:
0x88: {  	s2 =	sld [smem:$0x3FD9]  }
0x89: {  	s3 =	sld [smem:$0x3FFE];
	_ =	sdelay $0x1  }
0x8a: {  	s1 =	srdreg.scid  }
0x8b: {  	s0 =	sand.u32 $0x1, s1  }
0x8c: {  	s16 =	sshll.u32 s0, $0xA;
	s2 =	sadd.s32 s3, s2  }
0x8d: {  	s2 =	sadd.s32 s2, s16  }
0x8e: {  	[smem:$0x3FC2] =	sst s2  }
0x8f: {  	_ = 	snop  }
0x90: {  	(tm) =	ssettm $0x1  }
0x91: {  	s17 =	sld [smem:$0x3FFB];
	_ =	sdelay $0x3  }
0x92: {  	_ =	strace s17  }
0x93: {  	s2 =	sld [smem:$0x3FFC];
	_ =	sdelay $0x3  }
0x94: {  	_ =	strace s2  }
0x95: {  	s2 =	sld [smem:$0x3FFD];
	_ =	sdelay $0x3  }
0x96: {  	_ =	strace s2  }
0x97: {  	_ =	strace $0x8FFFFFFF  }
0x98: {  	s18 =	sld [smem:$0x3FDB];
	_ =	sdelay $0x1  }
0x99: {  	s19 =	simm.s32 $_scs_section_size  }
0x9a: {  	s4 =	simm.s32 $_size__tile_overlayer_lowered;
	s5 =	simm.s32 $_tile_overlayer_lowered  }
0x9b: {  	s22 =	simm.s32 $0x1BFF;
	s21 =	sshll.u32 s5, $0x1;
	s2 =	sadd.s32 s19, s18  }
0x9c: {  	s6 =	simm.s32 $0x0;
	s20 =	sshll.u32 s4, $0x1;
	s4 =	sadd.s32 s21, s2  }
0x9d: {  	[timem:s6], [sflag:s22] =	dma.local [hbm:s4], s20  }
0x9e: {  	_ =	swait.ge [sflag:s22], s20  }
0x9f: {  	s3 =	ssub.s32 $0x0, s20;
	[sflag:s22] =	ssyncset.done $0x0  }
0xa0: {  	[sflag:s22] =	ssyncadd.s32 s3;
	_ =	sdelay $0x1  }
0xa1: {  	s23 =	simm.s32 $0x1B8B  }
0xa2: {  	_ =	swait.ge [sflag:s23], $0x1  }
0xa3: {  	[sflag:s23] =	ssyncset.done $0x0  }
0xa4: {  	s25 =	simm.s32 $0x1B8E;
	s24 =	sld [smem:$0x3FFE];
	[sflag:s23] =	ssyncadd.s32 $0xFFFFFFFF  }
0xa5: {  	s26 =	simm.s32 $execute0_lowered;
	[smem:$0x3FD2] =	sst s25  }
0xa6: {  	s4 =	sshll.u32 s26, $0x1;
	_ =	strace $0x80000049;
	[dreg:$0x1] =	wrdreg $0xFFFFFFFF  }
0xa7: {  	s28 =	simm.s32 $_size_execute0_lowered;
	s2 =	sadd.s32 s2, s4;
	[dreg:$0x0] =	wrdreg $0x0  }
0xa8: {  	s4 =	sshll.u32 s28, $0x1;
	[dreg:$0x2] =	wrdreg s2  }
0xa9: {  	[dreg:$0x3] =	wrdreg s4  }
0xaa: {  	[dreg:$0x4] =	wrdreg $0xC0  }
0xab: {  	_ =	task [dreg:s6], $0x5FFFF  }
0xac: {  	[dreg:$0x1] =	wrdreg $0xFFFFFFFF  }
0xad: {  	[dreg:$0x0] =	wrdreg $0x60  }
0xae: {  	[dreg:$0x2] =	wrdreg s24  }
0xaf: {  	[dreg:$0x3] =	wrdreg $0x0  }
0xb0: {  	[dreg:$0x4] =	wrdreg $0x9  }
0xb1: {  	_ =	task.clear_ibuf [dreg:s6], $0x5FFFF;
	_ =	strace $0x90000049  }
0xb2: {  	s29 =	simm.s32 $0x9;
	_ =	strace $0x8000004B  }
0xb3: {  	_ =	swait.ge [sflag:s29], $0x1  }
0xb4: {  	[sflag:s29] =	ssyncadd.s32 $0xFFFFFFFF  }
0xb5: {  	_ =	strace $0x9000004B  }
0xb6: {  	_ =	sfence  }
0xb7: {  	s30 =	sld [smem:$0x0];
	_ =	sdelay $0x2  }
0xb8: {  	s31 =	sshll.u32 s1, $0xD;
	s1 =	sshrl.u32 s1, $0x2  }
0xb9: {  	s3 =	sand.u32 $0x4000, s31;
	s1 =	sadd.s32 s1, s30  }
0xba: {  	s0 =	sor.u32 s3, s0;
	s1 =	sshll.u32 s1, $0x11  }
0xbb: {  	s0 =	sor.u32 s1, s0  }
0xbc: {  	s0 =	sadd.s32 $0x8F2B, s0  }
0xbd: {  	[sflag:s0] =	ssyncadd.remote.s32 $0x1  }
0xbe: {  	_ =	sfence.sel $0xFFFF  }
0xbf: {  	[dreg:$0x0] =	wrdreg $0xFFFFFFFF;
	(pc) =	sbr.abs _section_cstart, $3  }
0xc0: {  	[dreg:$0x1] =	wrdreg $0xFFFFFFFF  }
0xc1: {  	_ =	task.clear_ibuf [dreg:s6], $0x2FFFF;
	_ =	strace $0x9FFFFFFF  }
0xc2: {  	(tm) =	ssettm $0x7FFFFFFF  }
0xc3: {  	_ =	shalt  }
tec
execute0_lowered:
.L_overlay_start_1:
0x0: {  	(tag) =	ssettag $0x1  }
0x1: {  	s0 =	srdreg.scid;
	s1 =	rddreg [dreg:$0x0]  }
0x2: {  	s2 =	rddreg [dreg:$0x1];
	s11 =	stileid.u32  }
0x3: {  	s3 =	simm.s32 $0x0;
	s16 =	simm.s32 $0x6;
	s7 =	smul.u32 $0x14000, s11  }
0x4: {  	s21 =	simm.s32 $0x80;
	s28 =	simm.s32 $0x2;
	s9 =	smul.u32 $0x50000, s11  }
0x5: {  	s30 =	simm.s32 $0x4;
	s31 =	simm.s32 $0x1;
	s23 =	smul.u32 $0xA00, s11  }
0x6: {  	s0 =	sand.u32 $0x1, s0;
	s25 =	sshll.u32 s11, $0x6;
	s11 =	smul.u32 $0x5000, s11  }
0x7: {  	[smem:$0x7FF] =	sst s3;
	s5 =	smul.u32 $0x140000, s0;
	s0 =	ssub.s32 $0x2, s0  }
0x8: {  	s20 =	simm.s32 $0x0;
	_ =	strace $0x8000004A;
	s10 =	sshrl.u32 s0, $0x1  }
0x9: {  	s22 =	sshrl.u32 s9, $0x2;
	s26 =	sor.u32 $0x100, s23;
	[dreg:$0x3] =	wrdreg s11  }
0xa: {  	s4 =	sshrl.u32 s5, $0x3;
	s8 =	sadd.s32 s7, s5;
	s5 =	sadd.s32 $0xCA00, s1  }
0xb: {  	s0 =	ssub.s32 s0, s10;
	s7 =	sshrl.u32 s7, $0x3;
	s24 =	sadd.s32 s22, s2  }
0xc: {  	s22 =	simm.s32 $0x16000;
	s6 =	sadd.s32 s4, s1;
	s9 =	sadd.s32 s5, s23  }
0xd: {  	s4 =	sadd.s32 $0x2A00, s1;
	s0 =	smax.u32 s0, $0x1;
	[dreg:$0x6] =	wrdreg s9  }
0xe: {  	s8 =	sshrl.u32 s8, $0x3;
	s12 =	sadd.s32 s4, s23;
	[dreg:$0xa] =	wrdreg s0  }
0xf: {  	s6 =	sadd.s32 $0x67200, s6;
	s29 =	sadd.s32 s4, s26;
	[dreg:$0x5] =	wrdreg s12  }
0x10: {  	s1 =	sadd.s32 s8, s1;
	s7 =	sadd.s32 s7, s6;
	[dreg:$0x7] =	wrdreg s29  }
0x11: {  	s15 =	sshrl.u32 s24, $0x3;
	s1 =	sadd.s32 $0xB7200, s1;
	[dreg:$0x4] =	wrdreg s7  }
0x12: {  	s24 =	simm.s32 $0x1A000;
	s7 =	sadd.s32 s5, s26;
	[dreg:$0x9] =	wrdreg s1  }
0x13: {  	s8 =	sor.u32 $0x1C06, s25;
	s25 =	simm.s32 $0x3;
	[dreg:$0x8] =	wrdreg s7  }
.LBB2_1:
0x14: {  	s0 =	rddreg [dreg:$0x4]  }
0x15: {  	[spmem:s15], [sflag:s8] =	dma.local [hbm:s0], $0x2800  }
0x16: {  	_ =	swait.ge [sflag:s16], $0x2800  }
0x17: {  	[sflag:s16] =	ssyncset.done $0x0  }
0x18: {  	[sflag:s16] =	ssyncadd.s32 $0xFFFFD800  }
0x19: {  	[bflag:$0x0] =	sbarrier.arrive $0xFFFF  }
0x1a: {  	s1 =	simm.s32 $0x14000;
	s17 =	rddreg [dreg:$0x5]  }
0x1b: {  	[tilespmem:s1], [sflag:$0x6] =	stream.linear.gather [hbm4b:s17+s3], $0x800, $0x38;
	[tilespmem:$0x1E000] =	vst v63  }
0x1c: {  	_ =	swait.ge [sflag:s16], $0x800  }
0x1d: {  	[sflag:s16] =	ssyncset.done $0x0  }
0x1e: {  	s7 =	simm.s32 $0x15000;
	s18 =	rddreg [dreg:$0x6];
	[sflag:s16] =	ssyncadd.s32 $0xFFFFF800  }
0x1f: {  	[tilespmem:s7], [sflag:$0x6] =	stream.linear.gather [hbm4b:s18+s3], $0x800, $0x38;
	[tilespmem:$0x1E000] =	vst v63  }
0x20: {  	_ =	swait.ge [sflag:s16], $0x800  }
0x21: {  	[sflag:s16] =	ssyncset.done $0x0  }
0x22: {  	s9 =	simm.s32 $0x14800;
	s19 =	rddreg [dreg:$0x7];
	[sflag:s16] =	ssyncadd.s32 $0xFFFFF800  }
0x23: {  	[tilespmem:s9], [sflag:$0x5] =	stream.linear.gather [hbm4b:s19+s3], $0x800, $0x38;
	[tilespmem:$0x1E000] =	vst v63  }
0x24: {  	s26 =	simm.s32 $0x15800;
	s23 =	rddreg [dreg:$0x8]  }
0x25: {  	[tilespmem:s26], [sflag:$0x5] =	stream.linear.gather [hbm4b:s23+s3], $0x800, $0x38;
	[tilespmem:$0x1E000] =	vst v63  }
0x26: {  	_ = 	snop  }
0x27: {  	[tilespmem:s22], [sflag:$0x1] =	stream.indirect.gather [hbm4b:s6+s21], $0x80, s1, s21, $0xb8;
	[tilespmem:$0x1E000] =	vst v63  }
0x28: {  	s9 =	simm.s32 $0x14080  }
0x29: {  	[tilespmem:s24], [sflag:$0x2] =	stream.indirect.gather [hbm4b:s6+s21], $0x80, s9, s21, $0xb8;
	[tilespmem:$0x1E000] =	vst v63  }
0x2a: {  	s10 =	simm.s32 $0x14100;
	_ =	swait.ge [sflag:s31], $0x4000  }
0x2b: {  	s11 =	simm.s32 $0x15080;
	s12 =	simm.s32 $0x2;
	[sflag:s31] =	ssyncset.done $0x0  }
0x2c: {  	s13 =	simm.s32 $0x200;
	s0 =	sand.u32 $0xE, s12;
	[sflag:s31] =	ssyncadd.s32 $0xFFFFC000  }
0x2d: {  	[spmem:s2] =	stream.indirect.scatter.add.f32 [tilespmem:s22], [sflag:$0x3], $0x80, s7, s21, $0xb8;
	[tilespmem:$0x1E000] =	vst v63  }
0x2e: {  	s14 =	sand.u32 $0xE, s30;
	p0 =	sne.s32 s0, $0x2;
	_ =	swait.ge [sflag:s25], $0x4000  }
0x2f: {  	s0 =	sshll.u32 s0, $0x7;
	p1 =	por @!p0 $0x1, $0x1;
	[sflag:s25] =	ssyncset.done $0x0  }
0x30: {  	p0 =	por p1, p0;
	p1 =	sne.s32 s14, $0x0;
	[sflag:s25] =	ssyncadd.s32 $0xFFFFC000  }
0x31: {  	[tilespmem:s22], [sflag:$0x1] =	stream.indirect.gather [hbm4b:s6+s21], $0x80, s10, s21, $0xb8;
	[tilespmem:$0x1E000] =	vst v63  }
0x32: {  	s18 =	sshll.u32 s14, $0x7;
	s26 =	simm.s32 $0x300;
	_ =	swait.ge [sflag:s28], $0x4000  }
0x33: {  	s19 =	simm.s32 $0x100;
	s23 =	sand.u32 $0x800, s26;
	[sflag:s28] =	ssyncset.done $0x0  }
0x34: {  	s10 =	simm.s32 $0x0;
	s7 =	rddreg [dreg:$0x3];
	[sflag:s28] =	ssyncadd.s32 $0xFFFFC000  }
0x35: {  	[spmem:s2] =	stream.indirect.scatter.add.f32 [tilespmem:s24], [sflag:$0x4], $0x80, s11, s21, $0xb8;
	[tilespmem:$0x1E000] =	vst v63  }
0x36: {  	s10 =	sand.u32 $0x800, s10;
	s7 =	sadd.s32 @!p0 $0x800, s7;
	s11 =	simm.s32 @!p0 $0x800  }
0x37: {  	s12 =	sor.u32 s0, s10;
	s7 =	sshrl.u32 @!p0 s7, $0x3;
	s0 =	sand.u32 @!p0 $0x800, s11  }
0x38: {  	s11 =	simm.s32 @!p0 $0x0;
	s17 =	sadd.s32 @!p0 s4, s7;
	s10 =	sor.u32 @!p0 $0x14000, s0  }
0x39: {  	[tilespmem:s10], [sflag:$0x5] =	stream.linear.gather @!p0 [hbm4b:s17+s11], $0x800, $0x38;
	[tilespmem:$0x1E000] =	vst v63  }
0x3a: {  	s1 =	sand.u32 $0x800, s13;
	s7 =	sadd.s32 @!p0 s5, s7;
	s0 =	sor.u32 @!p0 $0x15000, s0  }
0x3b: {  	[tilespmem:s0], [sflag:$0x5] =	stream.linear.gather @!p0 [hbm4b:s7+s11], $0x800, $0x38;
	[tilespmem:$0x1E000] =	vst v63  }
0x3c: {  	s13 =	simm.s32 $0x4;
	s1 =	sor.u32 s18, s1;
	_ =	swait.ge [sflag:s30], $0x4000  }
0x3d: {  	s18 =	sand.u32 $0xE, s13;
	s10 =	sand.u32 $0xF00, s19;
	[sflag:s30] =	ssyncset.done $0x0  }
0x3e: {  	s9 =	simm.s32 $0x6;
	s11 =	sor.u32 $0x14080, s10;
	[sflag:s30] =	ssyncadd.s32 $0xFFFFC000  }
0x3f: {  	[tilespmem:s24], [sflag:$0x2] =	stream.indirect.gather [hbm4b:s6+s21], $0x80, s11, s21, $0xb8;
	[tilespmem:$0x1E000] =	vst v63  }
0x40: {  	p2 =	sne.s32 s18, $0x2;
	s29 =	sand.u32 $0xE, s9;
	_ =	swait.ge [sflag:s31], $0x4000  }
0x41: {  	p3 =	por @!p2 $0x1, $0x1;
	s14 =	sor.u32 $0x15000, s12;
	[sflag:s31] =	ssyncset.done $0x0  }
0x42: {  	s12 =	sshll.u32 s18, $0x7;
	s19 =	simm.s32 $0x0;
	[sflag:s31] =	ssyncadd.s32 $0xFFFFC000  }
0x43: {  	[spmem:s2] =	stream.indirect.scatter.add.f32 [tilespmem:s22], [sflag:$0x3], $0x80, s14, s21, $0xb8;
	[tilespmem:$0x1E000] =	vst v63  }
0x44: {  	s17 =	sand.u32 $0x800, s19;
	s0 =	simm.s32 $0x3;
	_ =	swait.ge [sflag:s25], $0x4000  }
0x45: {  	s7 =	simm.s32 $0x400;
	s19 =	sor.u32 s12, s17;
	[sflag:s25] =	ssyncset.done $0x0  }
0x46: {  	s17 =	simm.s32 @!p1 $0x5;
	s11 =	simm.s32 $0x0;
	[sflag:s25] =	ssyncadd.s32 $0xFFFFC000  }
.LBB2_2:
0x47: {  	_ =	swait.ge @!p1 [sflag:s17], $0x800  }
0x48: {  	[sflag:s17] =	ssyncset.done @!p1 $0x0  }
0x49: {  	s13 =	sand.u32 $0x800, s7;
	s18 =	sshll.u32 s29, $0x7;
	[sflag:s17] =	ssyncadd.s32 @!p1 $0xFFFFF800  }
0x4a: {  	s12 =	smov.u32 s0;
	s0 =	sadd.s32 $0x1, s0;
	_ =	swait.ge @!p1 [sflag:s17], $0x800  }
0x4b: {  	s10 =	sor.u32 $0x80, s10;
	s14 =	sor.u32 $0x14000, s1;
	[sflag:s17] =	ssyncset.done @!p1 $0x0  }
0x4c: {  	p2 =	por p3, p2;
	s9 =	sadd.s32 $0x2, s9;
	[sflag:s17] =	ssyncadd.s32 @!p1 $0xFFFFF800  }
0x4d: {  	[tilespmem:s22], [sflag:$0x1] =	stream.indirect.gather [hbm4b:s6+s21], $0x80, s14, s21, $0xb8;
	[tilespmem:$0x1E000] =	vst v63  }
0x4e: {  	s18 =	sor.u32 s18, s23;
	s23 =	smov.u32 s13;
	_ =	swait.ge [sflag:s28], $0x4000  }
0x4f: {  	s11 =	sshll.u32 @!p2 s11, $0xB;
	s10 =	sor.u32 $0x15000, s10;
	[sflag:s28] =	ssyncset.done $0x0  }
0x50: {  	s11 =	sadd.s32 @!p2 $0x800, s11;
	s13 =	rddreg [dreg:$0x3];
	[sflag:s28] =	ssyncadd.s32 $0xFFFFC000  }
0x51: {  	[spmem:s2] =	stream.indirect.scatter.add.f32 [tilespmem:s24], [sflag:$0x4], $0x80, s10, s21, $0xb8;
	[tilespmem:$0x1E000] =	vst v63  }
0x52: {  	p0 =	sne.s32 s0, $0x4F;
	s17 =	sand.u32 @!p2 $0x800, s11;
	s10 =	sadd.s32 @!p2 s13, s11  }
0x53: {  	s1 =	smov.u32 s18;
	s11 =	sor.u32 @!p2 $0x14000, s17;
	s10 =	sshrl.u32 @!p2 s10, $0x3  }
0x54: {  	s13 =	sor.u32 @!p2 $0x15000, s17;
	s17 =	simm.s32 @!p2 $0x0;
	s18 =	sadd.s32 @!p2 s4, s10  }
0x55: {  	[tilespmem:s11], [sflag:$0x5] =	stream.linear.gather @!p2 [hbm4b:s18+s17], $0x800, $0x38;
	[tilespmem:$0x1E000] =	vst v63  }
0x56: {  	p1 =	sne.s32 s29, $0x0;
	s29 =	sand.u32 $0xE, s9;
	s11 =	sadd.s32 @!p2 s5, s10  }
0x57: {  	[tilespmem:s13], [sflag:$0x5] =	stream.linear.gather @!p2 [hbm4b:s11+s17], $0x800, $0x38;
	[tilespmem:$0x1E000] =	vst v63  }
0x58: {  	s14 =	sadd.s32 $0xFFFFFF00, s26;
	s26 =	smov.u32 s7;
	_ =	swait.ge [sflag:s30], $0x4000  }
0x59: {  	s7 =	sadd.s32 $0x100, s7;
	s10 =	sand.u32 $0xF00, s14;
	[sflag:s30] =	ssyncset.done $0x0  }
0x5a: {  	s14 =	sadd.s32 $0xFFFFFFFE, s9;
	s13 =	sor.u32 $0x14080, s10;
	[sflag:s30] =	ssyncadd.s32 $0xFFFFC000  }
0x5b: {  	[tilespmem:s24], [sflag:$0x2] =	stream.indirect.gather [hbm4b:s6+s21], $0x80, s13, s21, $0xb8;
	[tilespmem:$0x1E000] =	vst v63  }
0x5c: {  	s18 =	sand.u32 $0xE, s14;
	s11 =	sshrl.u32 s12, $0x3;
	_ =	swait.ge [sflag:s31], $0x4000  }
0x5d: {  	s17 =	sor.u32 $0x15000, s19;
	p2 =	sne.s32 s18, $0x2;
	[sflag:s31] =	ssyncset.done $0x0  }
.Ltmp0:
0x5e: {  	s12 =	sshll.u32 s18, $0x7;
	[sflag:s31] =	ssyncadd.s32 $0xFFFFC000;
	(pc) =	sbr.rel @p0 .LBB2_2-.Ltmp0, $4  }
0x5f: {  	[spmem:s2] =	stream.indirect.scatter.add.f32 [tilespmem:s22], [sflag:$0x3], $0x80, s17, s21, $0xb8;
	[tilespmem:$0x1E000] =	vst v63  }
0x60: {  	s19 =	sshll.u32 s11, $0xB;
	s14 =	sadd.s32 $0xFFFFFFFF, s11;
	_ =	swait.ge [sflag:s25], $0x4000  }
0x61: {  	p3 =	sgt.u32 @!p2 s14, $0x7;
	s13 =	sand.u32 $0x800, s19;
	[sflag:s25] =	ssyncset.done $0x0  }
0x62: {  	s19 =	sor.u32 s12, s13;
	s17 =	simm.s32 @!p1 $0x5;
	[sflag:s25] =	ssyncadd.s32 $0xFFFFC000  }
0x63: {  	_ =	swait.ge @!p1 [sflag:s17], $0x800  }
0x64: {  	[sflag:s17] =	ssyncset.done @!p1 $0x0  }
0x65: {  	[sflag:s17] =	ssyncadd.s32 @!p1 $0xFFFFF800  }
0x66: {  	_ =	swait.ge @!p1 [sflag:s17], $0x800  }
0x67: {  	[sflag:s17] =	ssyncset.done @!p1 $0x0  }
0x68: {  	s0 =	sor.u32 $0x14000, s1;
	p0 =	por p3, p2;
	[sflag:s17] =	ssyncadd.s32 @!p1 $0xFFFFF800  }
0x69: {  	[tilespmem:s22], [sflag:$0x1] =	stream.indirect.gather [hbm4b:s6+s21], $0x80, s0, s21, $0xb8;
	[tilespmem:$0x1E000] =	vst v63  }
0x6a: {  	s1 =	sshll.u32 @!p0 s11, $0xB;
	_ =	swait.ge [sflag:s28], $0x4000  }
0x6b: {  	s10 =	sor.u32 $0x80, s10;
	s1 =	sadd.s32 @!p0 $0x800, s1;
	[sflag:s28] =	ssyncset.done $0x0  }
0x6c: {  	s0 =	sor.u32 $0x15000, s10;
	s7 =	rddreg [dreg:$0x3];
	[sflag:s28] =	ssyncadd.s32 $0xFFFFC000  }
0x6d: {  	[spmem:s2] =	stream.indirect.scatter.add.f32 [tilespmem:s24], [sflag:$0x4], $0x80, s0, s21, $0xb8;
	[tilespmem:$0x1E000] =	vst v63  }
0x6e: {  	s0 =	sadd.s32 @!p0 s7, s1  }
0x6f: {  	s1 =	sand.u32 @!p0 $0x800, s1;
	s0 =	sshrl.u32 @!p0 s0, $0x3  }
0x70: {  	s9 =	simm.s32 @!p0 $0x0;
	s7 =	sor.u32 @!p0 $0x14000, s1;
	s10 =	sadd.s32 @!p0 s4, s0  }
0x71: {  	[tilespmem:s7], [sflag:$0x5] =	stream.linear.gather @!p0 [hbm4b:s10+s9], $0x800, $0x38;
	[tilespmem:$0x1E000] =	vst v63  }
0x72: {  	s1 =	sor.u32 @!p0 $0x15000, s1;
	s0 =	sadd.s32 @!p0 s5, s0  }
0x73: {  	[tilespmem:s1], [sflag:$0x5] =	stream.linear.gather @!p0 [hbm4b:s0+s9], $0x800, $0x38;
	[tilespmem:$0x1E000] =	vst v63  }
0x74: {  	s11 =	sadd.s32 $0xFFFFFF00, s26;
	_ =	swait.ge [sflag:s30], $0x4000  }
0x75: {  	s0 =	sand.u32 $0xF00, s11;
	[sflag:s30] =	ssyncset.done $0x0  }
0x76: {  	s12 =	sor.u32 $0x14080, s0;
	[sflag:s30] =	ssyncadd.s32 $0xFFFFC000  }
0x77: {  	[tilespmem:s24], [sflag:$0x2] =	stream.indirect.gather [hbm4b:s6+s21], $0x80, s12, s21, $0xb8;
	[tilespmem:$0x1E000] =	vst v63  }
0x78: {  	_ =	swait.ge [sflag:s31], $0x4000  }
0x79: {  	[sflag:s31] =	ssyncset.done $0x0  }
0x7a: {  	s13 =	sor.u32 $0x15000, s19;
	[sflag:s31] =	ssyncadd.s32 $0xFFFFC000  }
0x7b: {  	[spmem:s2] =	stream.indirect.scatter.add.f32 [tilespmem:s22], [sflag:$0x3], $0x80, s13, s21, $0xb8;
	[tilespmem:$0x1E000] =	vst v63  }
0x7c: {  	_ =	swait.ge [sflag:s25], $0x4000  }
0x7d: {  	p0 =	sne.s32 s29, $0x0;
	[sflag:s25] =	ssyncset.done $0x0  }
0x7e: {  	s1 =	simm.s32 @!p0 $0x5;
	[sflag:s25] =	ssyncadd.s32 $0xFFFFC000  }
0x7f: {  	_ =	swait.ge @!p0 [sflag:s1], $0x800  }
0x80: {  	[sflag:s1] =	ssyncset.done @!p0 $0x0  }
0x81: {  	[sflag:s1] =	ssyncadd.s32 @!p0 $0xFFFFF800  }
0x82: {  	s14 =	sshll.u32 s29, $0x7;
	_ =	swait.ge @!p0 [sflag:s1], $0x800  }
0x83: {  	s7 =	sor.u32 s14, s23;
	[sflag:s1] =	ssyncset.done @!p0 $0x0  }
0x84: {  	s17 =	sor.u32 $0x14000, s7;
	[sflag:s1] =	ssyncadd.s32 @!p0 $0xFFFFF800  }
0x85: {  	[tilespmem:s22], [sflag:$0x1] =	stream.indirect.gather [hbm4b:s6+s21], $0x80, s17, s21, $0xb8;
	[tilespmem:$0x1E000] =	vst v63  }
0x86: {  	_ =	swait.ge [sflag:s28], $0x4000  }
0x87: {  	s0 =	sor.u32 $0x80, s0;
	[sflag:s28] =	ssyncset.done $0x0  }
0x88: {  	s0 =	sor.u32 $0x15000, s0;
	[sflag:s28] =	ssyncadd.s32 $0xFFFFC000  }
0x89: {  	[spmem:s2] =	stream.indirect.scatter.add.f32 [tilespmem:s24], [sflag:$0x4], $0x80, s0, s21, $0xb8;
	[tilespmem:$0x1E000] =	vst v63  }
0x8a: {  	_ =	swait.ge [sflag:s30], $0x4000  }
0x8b: {  	[sflag:s30] =	ssyncset.done $0x0  }
0x8c: {  	s18 =	simm.s32 $0x14F80;
	[sflag:s30] =	ssyncadd.s32 $0xFFFFC000  }
0x8d: {  	[tilespmem:s24], [sflag:$0x2] =	stream.indirect.gather [hbm4b:s6+s21], $0x80, s18, s21, $0xb8;
	[tilespmem:$0x1E000] =	vst v63  }
0x8e: {  	_ =	swait.ge [sflag:s31], $0x4000  }
0x8f: {  	[sflag:s31] =	ssyncset.done $0x0  }
0x90: {  	s19 =	simm.s32 $0x15F00;
	[sflag:s31] =	ssyncadd.s32 $0xFFFFC000  }
0x91: {  	[spmem:s2] =	stream.indirect.scatter.add.f32 [tilespmem:s22], [sflag:$0x3], $0x80, s19, s21, $0xb8;
	[tilespmem:$0x1E000] =	vst v63  }
0x92: {  	_ =	swait.ge [sflag:s28], $0x4000  }
0x93: {  	[sflag:s28] =	ssyncset.done $0x0  }
0x94: {  	s23 =	simm.s32 $0x15F80;
	[sflag:s28] =	ssyncadd.s32 $0xFFFFC000  }
0x95: {  	[spmem:s2] =	stream.indirect.scatter.add.f32 [tilespmem:s24], [sflag:$0x4], $0x80, s23, s21, $0xb8;
	[tilespmem:$0x1E000] =	vst v63  }
0x96: {  	_ =	swait.ge [sflag:s25], $0x4000  }
0x97: {  	[sflag:s25] =	ssyncset.done $0x0  }
0x98: {  	[sflag:s25] =	ssyncadd.s32 $0xFFFFC000  }
0x99: {  	_ =	swait.ge [sflag:s30], $0x4000  }
0x9a: {  	[sflag:s30] =	ssyncset.done $0x0  }
0x9b: {  	[sflag:s30] =	ssyncadd.s32 $0xFFFFC000  }
0x9c: {  	[bflag:$0x0] =	sbarrier.arrive $0xFFFF  }
0x9d: {  	s26 =	rddreg [dreg:$0x9]  }
0x9e: {  	[hbm:s26], [sflag:s8] =	dma.local [spmem:s15], $0x2800  }
0x9f: {  	_ =	swait.ge [sflag:s16], $0x2800  }
0xa0: {  	s20 =	sadd.s32 $0x1, s20;
	s29 =	rddreg [dreg:$0xa]  }
0xa1: {  	p0 =	sne.s32 s20, s29  }
.Ltmp1:
0xa2: {  	_ = 	snop;
	(pc) =	sbr.rel @p0 .LBB2_1-.Ltmp1, $3  }
0xa3: {  	_ =	sdelay $0x1  }
0xa4: {  	[sflag:s16] =	ssyncset.done $0x0  }
0xa5: {  	[sflag:s16] =	ssyncadd.s32 $0xFFFFD800  }
0xa6: {  	_ =	sfence.sel $0x180000  }
0xa7: {  	[bflag:$0x0] =	sbarrier.arrive $0xFFFF  }
0xa8: {  	_ =	strace $0x9000004A  }
0xa9: {  	s0 =	stileid.u32;
	[bflag:$0x2] =	sbarrier.arrive $0xFFFF  }
0xaa: {  	p0 =	sne.s32 s0, $0x0;
	s0 =	rddreg [dreg:$0x2]  }
0xab: {  	s0 =	sadd.s32 @!p0 $0x100000, s0  }
0xac: {  	[sflag:s0] =	ssyncadd.tile.s32 @!p0 $0x1;
	_ =	shalt  }
.Lfunc_end2:
_tile_overlayer_lowered:
.L_overlay_start_2:
0xad: {  	(tag) =	ssettag $0x2  }
0xae: {  	s0 =	rddreg [dreg:$0x0];
	s2 =	stileid.u32  }
0xaf: {  	s1 =	rddreg [dreg:$0x1];
	p0 =	sne.s32 s2, $0x0  }
0xb0: {  	s3 =	rddreg [dreg:$0x2];
	[bflag:$0x3] =	sbarrier.arrive $0xFFFF;
	s2 =	simm.s32 @!p0 $0x1C06  }
0xb1: {  	[timem:s3], [sflag:s2] =	dma.local @!p0 [hbm:s0], s1  }
0xb2: {  	s0 =	simm.s32 @!p0 $0x6  }
0xb3: {  	_ =	swait.ge @!p0 [sflag:s0], s1  }
0xb4: {  	s1 =	ssub.s32 @!p0 $0x0, s1;
	[sflag:s0] =	ssyncset.done @!p0 $0x0  }
0xb5: {  	[sflag:s0] =	ssyncadd.s32 @!p0 s1  }
0xb6: {  	[bflag:$0x3] =	sbarrier.arrive $0xFFFF  }
0xb7: {  	_ =	shalt  }

// kernel: kernel.14.cloned.1.call-start
scs
__scs_entry_jumppad:
0x0: {  	(pc) =	sbr.rel $0x88, $3  }
0x1: {  	(tag) =	ssettag $0x0;
	lr =	simm.s32 $0x1  }
0x2: {  	[smem:$0x3F9B] =	sst lr;
	_ =	strace $0xD0000000  }
0x3: {  	_ = 	snop  }
0x4: {  	_ = 	snop  }
0x5: {  	_ = 	snop  }
0x6: {  	_ = 	snop  }
0x7: {  	_ = 	snop  }
__scs_overlays_trampoline_lowered:
0x8: {  	[smem:$0x3FAA] =	sst s0  }
0x9: {  	[smem:$0x3FAB] =	sst s1  }
0xa: {  	[smem:$0x3FAC] =	sst s2  }
0xb: {  	[smem:$0x3FAD] =	sst s3  }
0xc: {  	[smem:$0x3FAE] =	sst s4  }
0xd: {  	[smem:$0x3FAF] =	sst s5  }
0xe: {  	[smem:$0x3FB0] =	sst s6  }
0xf: {  	[smem:$0x3FB1] =	sst s7  }
0x10: {  	[smem:$0x3FB2] =	sst s8  }
0x11: {  	[smem:$0x3FB3] =	sst s9;
	s0 =	simm.s32 @!p0 $0x0  }
0x12: {  	s1 =	sld [smem:$0x3F99];
	s0 =	simm.s32 @p0 $0x1  }
0x13: {  	[smem:$0x3FB4] =	sst s0;
	s0 =	simm.s32 @!p1 $0x0  }
0x14: {  	s2 =	sld [smem:$0x3F98];
	s0 =	simm.s32 @p1 $0x1  }
0x15: {  	[smem:$0x3FB5] =	sst s0;
	s0 =	simm.s32 @!p2 $0x0  }
0x16: {  	s3 =	sld [smem:$0x3FDB];
	s0 =	simm.s32 @p2 $0x1  }
0x17: {  	s4 =	simm.s32 $0x1BF5;
	[smem:$0x3FB7] =	sst s0  }
0x18: {  	s0 =	sld [smem:$0x3F9A];
	_ =	swait.ge [sflag:s4], $0x0  }
0x19: {  	s7 =	sld [smem:$0x3F9B]  }
0x1a: {  	s8 =	sadd.s32 $0xFFFFE003, lr  }
0x1b: {  	s9 =	sadd.s32 $0xFFFFFEF7, lr;
	s5 =	simm.s32 $0xFFFFFFFF;
	p2 =	slt.u32 s8, $0xFFFFF086  }
0x1c: {  	p1 =	slt.u32 s9, $0xF7A;
	s5 =	simm.s32 @!p2 $0x0  }
0x1d: {  	s5 =	simm.s32 @p1 $0x1;
	p0 =	seq.s32 s7, s2  }
0x1e: {  	s7 =	smul.u32 @!p0 $0xF7A, s2;
	p2 =	seq.s32 @!p0 s5, $0x0  }
0x1f: {  	s9 =	smul.u32 $0xF7A, s1;
	s8 =	simm.s32 @!p0 $0x1BF5;
	p2 =	por !p2, p0  }
0x20: {  	[sflag:s8] =	ssyncset.s32 @!p0 $0xFFFFF086;
	s6 =	sadd.s32 @!p0 s3, s7;
	s7 =	simm.s32 @!p0 $0x108  }
0x21: {  	s3 =	sadd.s32 s3, s9;
	s6 =	sadd.s32 @!p0 $0x88, s6;
	s7 =	simm.s32 @p2 $0x1082  }
0x22: {  	[simem:s7], [sflag:s8] =	dma.local @!p0 [hbm:s6], $0xF7A  }
0x23: {  	s9 =	sor.u32 $0xD0000000, s2;
	s6 =	simm.s32 $0x108;
	_ =	swait.ge @!p0 [sflag:s8], $0x0  }
0x24: {  	s3 =	sadd.s32 $0x88, s3;
	s6 =	simm.s32 @!p1 $0x1082;
	[sflag:s4] =	ssyncset.s32 $0xFFFFF086  }
0x25: {  	[simem:s6], [sflag:s4] =	dma.local [hbm:s3], $0xF7A  }
0x26: {  	[smem:$0x3F9B] =	sst s1;
	(tag) =	ssettag s2;
	_ =	strace s9  }
0x27: {  	s1 =	sld [smem:$0x3FAB]  }
0x28: {  	s2 =	sld [smem:$0x3FAC]  }
0x29: {  	s4 =	sld [smem:$0x3FAE]  }
0x2a: {  	p0 =	seq.s32 s5, $0x0;
	s5 =	sld [smem:$0x3FAF]  }
0x2b: {  	s6 =	sld [smem:$0x3FB0]  }
0x2c: {  	s7 =	sld [smem:$0x3FB1]  }
0x2d: {  	s3 =	simm.s32 $0x108;
	s8 =	sld [smem:$0x3FB2]  }
0x2e: {  	s3 =	simm.s32 @!p0 $0x1082;
	s9 =	sld [smem:$0x3FB3]  }
0x2f: {  	lr =	sadd.s32 s0, s3;
	s0 =	sld [smem:$0x3FAA]  }
0x30: {  	s3 =	sld [smem:$0x3FAD]  }
0x31: {  	[smem:$0x3FB6] =	sst s10  }
0x32: {  	s10 =	sld [smem:$0x3FB4];
	_ =	sdelay $0x3  }
0x33: {  	p0 =	seq.s32 s10, $0x1;
	s10 =	sld [smem:$0x3FB6];
	_ =	sdelay $0x3  }
0x34: {  	[smem:$0x3FB6] =	sst s10  }
0x35: {  	s10 =	sld [smem:$0x3FB5];
	_ =	sdelay $0x3  }
0x36: {  	p1 =	seq.s32 s10, $0x1;
	s10 =	sld [smem:$0x3FB6];
	_ =	sdelay $0x3  }
0x37: {  	[smem:$0x3FB6] =	sst s10  }
0x38: {  	s10 =	sld [smem:$0x3FB7]  }
0x39: {  	_ = 	snop;
	(pc) =	sbr.ind lr, $3  }
0x3a: {  	_ = 	snop  }
0x3b: {  	_ = 	snop  }
0x3c: {  	p2 =	seq.s32 s10, $0x1;
	s10 =	sld [smem:$0x3FB6]  }
0x3d: {  	_ =	shalt  }
0x3e: {  	_ =	shalt  }
0x3f: {  	_ =	shalt  }
0x40: {  	_ =	shalt  }
0x41: {  	_ =	shalt  }
0x42: {  	_ =	shalt  }
0x43: {  	_ =	shalt  }
0x44: {  	_ =	shalt  }
0x45: {  	_ =	shalt  }
0x46: {  	_ =	shalt  }
0x47: {  	_ =	shalt  }
0x48: {  	_ =	shalt  }
0x49: {  	_ =	shalt  }
0x4a: {  	_ =	shalt  }
0x4b: {  	_ =	shalt  }
0x4c: {  	_ =	shalt  }
0x4d: {  	_ =	shalt  }
0x4e: {  	_ =	shalt  }
0x4f: {  	_ =	shalt  }
0x50: {  	_ =	shalt  }
0x51: {  	_ =	shalt  }
0x52: {  	_ =	shalt  }
0x53: {  	_ =	shalt  }
0x54: {  	_ =	shalt  }
0x55: {  	_ =	shalt  }
0x56: {  	_ =	shalt  }
0x57: {  	_ =	shalt  }
0x58: {  	_ =	shalt  }
0x59: {  	_ =	shalt  }
0x5a: {  	_ =	shalt  }
0x5b: {  	_ =	shalt  }
0x5c: {  	_ =	shalt  }
0x5d: {  	_ =	shalt  }
0x5e: {  	_ =	shalt  }
0x5f: {  	_ =	shalt  }
0x60: {  	_ =	shalt  }
0x61: {  	_ =	shalt  }
0x62: {  	_ =	shalt  }
0x63: {  	_ =	shalt  }
0x64: {  	_ =	shalt  }
0x65: {  	_ =	shalt  }
0x66: {  	_ =	shalt  }
0x67: {  	_ =	shalt  }
0x68: {  	_ =	shalt  }
0x69: {  	_ =	shalt  }
0x6a: {  	_ =	shalt  }
0x6b: {  	_ =	shalt  }
0x6c: {  	_ =	shalt  }
0x6d: {  	_ =	shalt  }
0x6e: {  	_ =	shalt  }
0x6f: {  	_ =	shalt  }
0x70: {  	_ =	shalt  }
0x71: {  	_ =	shalt  }
0x72: {  	_ =	shalt  }
0x73: {  	_ =	shalt  }
0x74: {  	_ =	shalt  }
0x75: {  	_ =	shalt  }
0x76: {  	_ =	shalt  }
0x77: {  	_ =	shalt  }
0x78: {  	_ =	shalt  }
0x79: {  	_ =	shalt  }
0x7a: {  	_ =	shalt  }
0x7b: {  	_ =	shalt  }
0x7c: {  	_ =	shalt  }
0x7d: {  	_ =	shalt  }
0x7e: {  	_ =	shalt  }
0x7f: {  	_ =	shalt  }
0x80: {  	_ =	shalt  }
0x81: {  	_ =	shalt  }
0x82: {  	_ =	shalt  }
0x83: {  	_ =	shalt  }
0x84: {  	_ =	shalt  }
0x85: {  	_ =	shalt  }
0x86: {  	_ =	shalt  }
0x87: {  	_ =	shalt  }
.Lfunc_end0:
.L_simem_size_0:
called_computation.2_lowered:
.L_overlay_start_0:
0x88: {  	s2 =	sld [smem:$0x3FD9]  }
0x89: {  	s3 =	sld [smem:$0x3FFE];
	_ =	sdelay $0x1  }
0x8a: {  	s1 =	srdreg.scid  }
0x8b: {  	s0 =	sand.u32 $0x1, s1  }
0x8c: {  	s16 =	sshll.u32 s0, $0xA;
	s2 =	sadd.s32 s3, s2  }
0x8d: {  	s2 =	sadd.s32 s2, s16  }
0x8e: {  	[smem:$0x3FC2] =	sst s2  }
0x8f: {  	_ = 	snop  }
0x90: {  	(tm) =	ssettm $0x1  }
0x91: {  	s17 =	sld [smem:$0x3FFB];
	_ =	sdelay $0x3  }
0x92: {  	_ =	strace s17  }
0x93: {  	s2 =	sld [smem:$0x3FFC];
	_ =	sdelay $0x3  }
0x94: {  	_ =	strace s2  }
0x95: {  	s2 =	sld [smem:$0x3FFD];
	_ =	sdelay $0x3  }
0x96: {  	_ =	strace s2  }
0x97: {  	_ =	strace $0x8FFFFFFF  }
0x98: {  	s18 =	sld [smem:$0x3FDB];
	_ =	sdelay $0x1  }
0x99: {  	s19 =	simm.s32 $_scs_section_size  }
0x9a: {  	s4 =	simm.s32 $_size__tile_overlayer_lowered;
	s5 =	simm.s32 $_tile_overlayer_lowered  }
0x9b: {  	s22 =	simm.s32 $0x1BFF;
	s21 =	sshll.u32 s5, $0x1;
	s2 =	sadd.s32 s19, s18  }
0x9c: {  	s6 =	simm.s32 $0x0;
	s20 =	sshll.u32 s4, $0x1;
	s4 =	sadd.s32 s21, s2  }
0x9d: {  	[timem:s6], [sflag:s22] =	dma.local [hbm:s4], s20  }
0x9e: {  	_ =	swait.ge [sflag:s22], s20  }
0x9f: {  	s3 =	ssub.s32 $0x0, s20;
	[sflag:s22] =	ssyncset.done $0x0  }
0xa0: {  	[sflag:s22] =	ssyncadd.s32 s3;
	_ =	sdelay $0x1  }
0xa1: {  	s23 =	simm.s32 $0x1B8B  }
0xa2: {  	_ =	swait.ge [sflag:s23], $0x1  }
0xa3: {  	[sflag:s23] =	ssyncset.done $0x0  }
0xa4: {  	s25 =	simm.s32 $0x1B8E;
	s24 =	sld [smem:$0x3FFE];
	[sflag:s23] =	ssyncadd.s32 $0xFFFFFFFF  }
0xa5: {  	s26 =	simm.s32 $execute0_lowered;
	[smem:$0x3FD2] =	sst s25  }
0xa6: {  	s4 =	sshll.u32 s26, $0x1;
	_ =	strace $0x8000004C;
	[dreg:$0x1] =	wrdreg $0xFFFFFFFF  }
0xa7: {  	s28 =	simm.s32 $_size_execute0_lowered;
	s2 =	sadd.s32 s2, s4;
	[dreg:$0x0] =	wrdreg $0x0  }
0xa8: {  	s4 =	sshll.u32 s28, $0x1;
	[dreg:$0x2] =	wrdreg s2  }
0xa9: {  	[dreg:$0x3] =	wrdreg s4  }
0xaa: {  	[dreg:$0x4] =	wrdreg $0xC0  }
0xab: {  	_ =	task [dreg:s6], $0x5FFFF  }
0xac: {  	[dreg:$0x1] =	wrdreg $0xFFFFFFFF  }
0xad: {  	[dreg:$0x0] =	wrdreg $0x60  }
0xae: {  	[dreg:$0x2] =	wrdreg s24  }
0xaf: {  	[dreg:$0x3] =	wrdreg $0x0  }
0xb0: {  	[dreg:$0x4] =	wrdreg $0x9  }
0xb1: {  	_ =	task.clear_ibuf [dreg:s6], $0x5FFFF;
	_ =	strace $0x9000004C  }
0xb2: {  	s29 =	simm.s32 $0x9;
	_ =	strace $0x8000004E  }
0xb3: {  	_ =	swait.ge [sflag:s29], $0x1  }
0xb4: {  	[sflag:s29] =	ssyncadd.s32 $0xFFFFFFFF  }
0xb5: {  	_ =	strace $0x9000004E  }
0xb6: {  	_ =	sfence  }
0xb7: {  	s30 =	sld [smem:$0x0];
	_ =	sdelay $0x2  }
0xb8: {  	s31 =	sshll.u32 s1, $0xD;
	s1 =	sshrl.u32 s1, $0x2  }
0xb9: {  	s3 =	sand.u32 $0x4000, s31;
	s1 =	sadd.s32 s1, s30  }
0xba: {  	s0 =	sor.u32 s3, s0;
	s1 =	sshll.u32 s1, $0x11  }
0xbb: {  	s0 =	sor.u32 s1, s0  }
0xbc: {  	s0 =	sadd.s32 $0x8F2B, s0  }
0xbd: {  	[sflag:s0] =	ssyncadd.remote.s32 $0x1  }
0xbe: {  	_ =	sfence.sel $0xFFFF  }
0xbf: {  	[dreg:$0x0] =	wrdreg $0xFFFFFFFF;
	(pc) =	sbr.abs _section_cstart, $3  }
0xc0: {  	[dreg:$0x1] =	wrdreg $0xFFFFFFFF  }
0xc1: {  	_ =	task.clear_ibuf [dreg:s6], $0x2FFFF;
	_ =	strace $0x9FFFFFFF  }
0xc2: {  	(tm) =	ssettm $0x7FFFFFFF  }
0xc3: {  	_ =	shalt  }
tec
execute0_lowered:
.L_overlay_start_1:
0x0: {  	(tag) =	ssettag $0x1  }
0x1: {  	s0 =	srdreg.scid;
	s1 =	rddreg [dreg:$0x0]  }
0x2: {  	s2 =	rddreg [dreg:$0x1];
	s11 =	stileid.u32  }
0x3: {  	s3 =	simm.s32 $0x0;
	s16 =	simm.s32 $0x6;
	s7 =	smul.u32 $0x14000, s11  }
0x4: {  	s21 =	simm.s32 $0x80;
	s28 =	simm.s32 $0x2;
	s9 =	smul.u32 $0x50000, s11  }
0x5: {  	s30 =	simm.s32 $0x4;
	s31 =	simm.s32 $0x1;
	s23 =	smul.u32 $0xA00, s11  }
0x6: {  	s0 =	sand.u32 $0x1, s0;
	s25 =	sshll.u32 s11, $0x6;
	s11 =	smul.u32 $0x5000, s11  }
0x7: {  	[smem:$0x7FF] =	sst s3;
	s5 =	smul.u32 $0x140000, s0;
	s0 =	ssub.s32 $0x2, s0  }
0x8: {  	s20 =	simm.s32 $0x0;
	_ =	strace $0x8000004D;
	s10 =	sshrl.u32 s0, $0x1  }
0x9: {  	s22 =	sshrl.u32 s9, $0x2;
	s26 =	sor.u32 $0x100, s23;
	[dreg:$0x3] =	wrdreg s11  }
0xa: {  	s4 =	sshrl.u32 s5, $0x3;
	s8 =	sadd.s32 s7, s5;
	s5 =	sadd.s32 $0xCA00, s1  }
0xb: {  	s0 =	ssub.s32 s0, s10;
	s7 =	sshrl.u32 s7, $0x3;
	s24 =	sadd.s32 s22, s2  }
0xc: {  	s22 =	simm.s32 $0x16000;
	s6 =	sadd.s32 s4, s1;
	s9 =	sadd.s32 s5, s23  }
0xd: {  	s4 =	sadd.s32 $0x2A00, s1;
	s0 =	smax.u32 s0, $0x1;
	[dreg:$0x6] =	wrdreg s9  }
0xe: {  	s8 =	sshrl.u32 s8, $0x3;
	s12 =	sadd.s32 s4, s23;
	[dreg:$0xa] =	wrdreg s0  }
0xf: {  	s6 =	sadd.s32 $0x67200, s6;
	s29 =	sadd.s32 s4, s26;
	[dreg:$0x5] =	wrdreg s12  }
0x10: {  	s1 =	sadd.s32 s8, s1;
	s7 =	sadd.s32 s7, s6;
	[dreg:$0x7] =	wrdreg s29  }
0x11: {  	s15 =	sshrl.u32 s24, $0x3;
	s1 =	sadd.s32 $0xB7200, s1;
	[dreg:$0x4] =	wrdreg s7  }
0x12: {  	s24 =	simm.s32 $0x1A000;
	s7 =	sadd.s32 s5, s26;
	[dreg:$0x9] =	wrdreg s1  }
0x13: {  	s8 =	sor.u32 $0x1C06, s25;
	s25 =	simm.s32 $0x3;
	[dreg:$0x8] =	wrdreg s7  }
.LBB2_1:
0x14: {  	s0 =	rddreg [dreg:$0x4]  }
0x15: {  	[spmem:s15], [sflag:s8] =	dma.local [hbm:s0], $0x2800  }
0x16: {  	_ =	swait.ge [sflag:s16], $0x2800  }
0x17: {  	[sflag:s16] =	ssyncset.done $0x0  }
0x18: {  	[sflag:s16] =	ssyncadd.s32 $0xFFFFD800  }
0x19: {  	[bflag:$0x0] =	sbarrier.arrive $0xFFFF  }
0x1a: {  	s1 =	simm.s32 $0x14000;
	s17 =	rddreg [dreg:$0x5]  }
0x1b: {  	[tilespmem:s1], [sflag:$0x6] =	stream.linear.gather [hbm4b:s17+s3], $0x800, $0x38;
	[tilespmem:$0x1E000] =	vst v63  }
0x1c: {  	_ =	swait.ge [sflag:s16], $0x800  }
0x1d: {  	[sflag:s16] =	ssyncset.done $0x0  }
0x1e: {  	s7 =	simm.s32 $0x15000;
	s18 =	rddreg [dreg:$0x6];
	[sflag:s16] =	ssyncadd.s32 $0xFFFFF800  }
0x1f: {  	[tilespmem:s7], [sflag:$0x6] =	stream.linear.gather [hbm4b:s18+s3], $0x800, $0x38;
	[tilespmem:$0x1E000] =	vst v63  }
0x20: {  	_ =	swait.ge [sflag:s16], $0x800  }
0x21: {  	[sflag:s16] =	ssyncset.done $0x0  }
0x22: {  	s9 =	simm.s32 $0x14800;
	s19 =	rddreg [dreg:$0x7];
	[sflag:s16] =	ssyncadd.s32 $0xFFFFF800  }
0x23: {  	[tilespmem:s9], [sflag:$0x5] =	stream.linear.gather [hbm4b:s19+s3], $0x800, $0x38;
	[tilespmem:$0x1E000] =	vst v63  }
0x24: {  	s26 =	simm.s32 $0x15800;
	s23 =	rddreg [dreg:$0x8]  }
0x25: {  	[tilespmem:s26], [sflag:$0x5] =	stream.linear.gather [hbm4b:s23+s3], $0x800, $0x38;
	[tilespmem:$0x1E000] =	vst v63  }
0x26: {  	_ = 	snop  }
0x27: {  	[tilespmem:s22], [sflag:$0x1] =	stream.indirect.gather [hbm4b:s6+s21], $0x80, s1, s21, $0xb8;
	[tilespmem:$0x1E000] =	vst v63  }
0x28: {  	s9 =	simm.s32 $0x14080  }
0x29: {  	[tilespmem:s24], [sflag:$0x2] =	stream.indirect.gather [hbm4b:s6+s21], $0x80, s9, s21, $0xb8;
	[tilespmem:$0x1E000] =	vst v63  }
0x2a: {  	s10 =	simm.s32 $0x14100;
	_ =	swait.ge [sflag:s31], $0x4000  }
0x2b: {  	s11 =	simm.s32 $0x15080;
	s12 =	simm.s32 $0x2;
	[sflag:s31] =	ssyncset.done $0x0  }
0x2c: {  	s13 =	simm.s32 $0x200;
	s0 =	sand.u32 $0xE, s12;
	[sflag:s31] =	ssyncadd.s32 $0xFFFFC000  }
0x2d: {  	[spmem:s2] =	stream.indirect.scatter.add.f32 [tilespmem:s22], [sflag:$0x3], $0x80, s7, s21, $0xb8;
	[tilespmem:$0x1E000] =	vst v63  }
0x2e: {  	s14 =	sand.u32 $0xE, s30;
	p0 =	sne.s32 s0, $0x2;
	_ =	swait.ge [sflag:s25], $0x4000  }
0x2f: {  	s0 =	sshll.u32 s0, $0x7;
	p1 =	por @!p0 $0x1, $0x1;
	[sflag:s25] =	ssyncset.done $0x0  }
0x30: {  	p0 =	por p1, p0;
	p1 =	sne.s32 s14, $0x0;
	[sflag:s25] =	ssyncadd.s32 $0xFFFFC000  }
0x31: {  	[tilespmem:s22], [sflag:$0x1] =	stream.indirect.gather [hbm4b:s6+s21], $0x80, s10, s21, $0xb8;
	[tilespmem:$0x1E000] =	vst v63  }
0x32: {  	s18 =	sshll.u32 s14, $0x7;
	s26 =	simm.s32 $0x300;
	_ =	swait.ge [sflag:s28], $0x4000  }
0x33: {  	s19 =	simm.s32 $0x100;
	s23 =	sand.u32 $0x800, s26;
	[sflag:s28] =	ssyncset.done $0x0  }
0x34: {  	s10 =	simm.s32 $0x0;
	s7 =	rddreg [dreg:$0x3];
	[sflag:s28] =	ssyncadd.s32 $0xFFFFC000  }
0x35: {  	[spmem:s2] =	stream.indirect.scatter.add.f32 [tilespmem:s24], [sflag:$0x4], $0x80, s11, s21, $0xb8;
	[tilespmem:$0x1E000] =	vst v63  }
0x36: {  	s10 =	sand.u32 $0x800, s10;
	s7 =	sadd.s32 @!p0 $0x800, s7;
	s11 =	simm.s32 @!p0 $0x800  }
0x37: {  	s12 =	sor.u32 s0, s10;
	s7 =	sshrl.u32 @!p0 s7, $0x3;
	s0 =	sand.u32 @!p0 $0x800, s11  }
0x38: {  	s11 =	simm.s32 @!p0 $0x0;
	s17 =	sadd.s32 @!p0 s4, s7;
	s10 =	sor.u32 @!p0 $0x14000, s0  }
0x39: {  	[tilespmem:s10], [sflag:$0x5] =	stream.linear.gather @!p0 [hbm4b:s17+s11], $0x800, $0x38;
	[tilespmem:$0x1E000] =	vst v63  }
0x3a: {  	s1 =	sand.u32 $0x800, s13;
	s7 =	sadd.s32 @!p0 s5, s7;
	s0 =	sor.u32 @!p0 $0x15000, s0  }
0x3b: {  	[tilespmem:s0], [sflag:$0x5] =	stream.linear.gather @!p0 [hbm4b:s7+s11], $0x800, $0x38;
	[tilespmem:$0x1E000] =	vst v63  }
0x3c: {  	s13 =	simm.s32 $0x4;
	s1 =	sor.u32 s18, s1;
	_ =	swait.ge [sflag:s30], $0x4000  }
0x3d: {  	s18 =	sand.u32 $0xE, s13;
	s10 =	sand.u32 $0xF00, s19;
	[sflag:s30] =	ssyncset.done $0x0  }
0x3e: {  	s9 =	simm.s32 $0x6;
	s11 =	sor.u32 $0x14080, s10;
	[sflag:s30] =	ssyncadd.s32 $0xFFFFC000  }
0x3f: {  	[tilespmem:s24], [sflag:$0x2] =	stream.indirect.gather [hbm4b:s6+s21], $0x80, s11, s21, $0xb8;
	[tilespmem:$0x1E000] =	vst v63  }
0x40: {  	p2 =	sne.s32 s18, $0x2;
	s29 =	sand.u32 $0xE, s9;
	_ =	swait.ge [sflag:s31], $0x4000  }
0x41: {  	p3 =	por @!p2 $0x1, $0x1;
	s14 =	sor.u32 $0x15000, s12;
	[sflag:s31] =	ssyncset.done $0x0  }
0x42: {  	s12 =	sshll.u32 s18, $0x7;
	s19 =	simm.s32 $0x0;
	[sflag:s31] =	ssyncadd.s32 $0xFFFFC000  }
0x43: {  	[spmem:s2] =	stream.indirect.scatter.add.f32 [tilespmem:s22], [sflag:$0x3], $0x80, s14, s21, $0xb8;
	[tilespmem:$0x1E000] =	vst v63  }
0x44: {  	s17 =	sand.u32 $0x800, s19;
	s0 =	simm.s32 $0x3;
	_ =	swait.ge [sflag:s25], $0x4000  }
0x45: {  	s7 =	simm.s32 $0x400;
	s19 =	sor.u32 s12, s17;
	[sflag:s25] =	ssyncset.done $0x0  }
0x46: {  	s17 =	simm.s32 @!p1 $0x5;
	s11 =	simm.s32 $0x0;
	[sflag:s25] =	ssyncadd.s32 $0xFFFFC000  }
.LBB2_2:
0x47: {  	_ =	swait.ge @!p1 [sflag:s17], $0x800  }
0x48: {  	[sflag:s17] =	ssyncset.done @!p1 $0x0  }
0x49: {  	s13 =	sand.u32 $0x800, s7;
	s18 =	sshll.u32 s29, $0x7;
	[sflag:s17] =	ssyncadd.s32 @!p1 $0xFFFFF800  }
0x4a: {  	s12 =	smov.u32 s0;
	s0 =	sadd.s32 $0x1, s0;
	_ =	swait.ge @!p1 [sflag:s17], $0x800  }
0x4b: {  	s10 =	sor.u32 $0x80, s10;
	s14 =	sor.u32 $0x14000, s1;
	[sflag:s17] =	ssyncset.done @!p1 $0x0  }
0x4c: {  	p2 =	por p3, p2;
	s9 =	sadd.s32 $0x2, s9;
	[sflag:s17] =	ssyncadd.s32 @!p1 $0xFFFFF800  }
0x4d: {  	[tilespmem:s22], [sflag:$0x1] =	stream.indirect.gather [hbm4b:s6+s21], $0x80, s14, s21, $0xb8;
	[tilespmem:$0x1E000] =	vst v63  }
0x4e: {  	s18 =	sor.u32 s18, s23;
	s23 =	smov.u32 s13;
	_ =	swait.ge [sflag:s28], $0x4000  }
0x4f: {  	s11 =	sshll.u32 @!p2 s11, $0xB;
	s10 =	sor.u32 $0x15000, s10;
	[sflag:s28] =	ssyncset.done $0x0  }
0x50: {  	s11 =	sadd.s32 @!p2 $0x800, s11;
	s13 =	rddreg [dreg:$0x3];
	[sflag:s28] =	ssyncadd.s32 $0xFFFFC000  }
0x51: {  	[spmem:s2] =	stream.indirect.scatter.add.f32 [tilespmem:s24], [sflag:$0x4], $0x80, s10, s21, $0xb8;
	[tilespmem:$0x1E000] =	vst v63  }
0x52: {  	p0 =	sne.s32 s0, $0x4F;
	s17 =	sand.u32 @!p2 $0x800, s11;
	s10 =	sadd.s32 @!p2 s13, s11  }
0x53: {  	s1 =	smov.u32 s18;
	s11 =	sor.u32 @!p2 $0x14000, s17;
	s10 =	sshrl.u32 @!p2 s10, $0x3  }
0x54: {  	s13 =	sor.u32 @!p2 $0x15000, s17;
	s17 =	simm.s32 @!p2 $0x0;
	s18 =	sadd.s32 @!p2 s4, s10  }
0x55: {  	[tilespmem:s11], [sflag:$0x5] =	stream.linear.gather @!p2 [hbm4b:s18+s17], $0x800, $0x38;
	[tilespmem:$0x1E000] =	vst v63  }
0x56: {  	p1 =	sne.s32 s29, $0x0;
	s29 =	sand.u32 $0xE, s9;
	s11 =	sadd.s32 @!p2 s5, s10  }
0x57: {  	[tilespmem:s13], [sflag:$0x5] =	stream.linear.gather @!p2 [hbm4b:s11+s17], $0x800, $0x38;
	[tilespmem:$0x1E000] =	vst v63  }
0x58: {  	s14 =	sadd.s32 $0xFFFFFF00, s26;
	s26 =	smov.u32 s7;
	_ =	swait.ge [sflag:s30], $0x4000  }
0x59: {  	s7 =	sadd.s32 $0x100, s7;
	s10 =	sand.u32 $0xF00, s14;
	[sflag:s30] =	ssyncset.done $0x0  }
0x5a: {  	s14 =	sadd.s32 $0xFFFFFFFE, s9;
	s13 =	sor.u32 $0x14080, s10;
	[sflag:s30] =	ssyncadd.s32 $0xFFFFC000  }
0x5b: {  	[tilespmem:s24], [sflag:$0x2] =	stream.indirect.gather [hbm4b:s6+s21], $0x80, s13, s21, $0xb8;
	[tilespmem:$0x1E000] =	vst v63  }
0x5c: {  	s18 =	sand.u32 $0xE, s14;
	s11 =	sshrl.u32 s12, $0x3;
	_ =	swait.ge [sflag:s31], $0x4000  }
0x5d: {  	s17 =	sor.u32 $0x15000, s19;
	p2 =	sne.s32 s18, $0x2;
	[sflag:s31] =	ssyncset.done $0x0  }
.Ltmp0:
0x5e: {  	s12 =	sshll.u32 s18, $0x7;
	[sflag:s31] =	ssyncadd.s32 $0xFFFFC000;
	(pc) =	sbr.rel @p0 .LBB2_2-.Ltmp0, $4  }
0x5f: {  	[spmem:s2] =	stream.indirect.scatter.add.f32 [tilespmem:s22], [sflag:$0x3], $0x80, s17, s21, $0xb8;
	[tilespmem:$0x1E000] =	vst v63  }
0x60: {  	s19 =	sshll.u32 s11, $0xB;
	s14 =	sadd.s32 $0xFFFFFFFF, s11;
	_ =	swait.ge [sflag:s25], $0x4000  }
0x61: {  	p3 =	sgt.u32 @!p2 s14, $0x7;
	s13 =	sand.u32 $0x800, s19;
	[sflag:s25] =	ssyncset.done $0x0  }
0x62: {  	s19 =	sor.u32 s12, s13;
	s17 =	simm.s32 @!p1 $0x5;
	[sflag:s25] =	ssyncadd.s32 $0xFFFFC000  }
0x63: {  	_ =	swait.ge @!p1 [sflag:s17], $0x800  }
0x64: {  	[sflag:s17] =	ssyncset.done @!p1 $0x0  }
0x65: {  	[sflag:s17] =	ssyncadd.s32 @!p1 $0xFFFFF800  }
0x66: {  	_ =	swait.ge @!p1 [sflag:s17], $0x800  }
0x67: {  	[sflag:s17] =	ssyncset.done @!p1 $0x0  }
0x68: {  	s0 =	sor.u32 $0x14000, s1;
	p0 =	por p3, p2;
	[sflag:s17] =	ssyncadd.s32 @!p1 $0xFFFFF800  }
0x69: {  	[tilespmem:s22], [sflag:$0x1] =	stream.indirect.gather [hbm4b:s6+s21], $0x80, s0, s21, $0xb8;
	[tilespmem:$0x1E000] =	vst v63  }
0x6a: {  	s1 =	sshll.u32 @!p0 s11, $0xB;
	_ =	swait.ge [sflag:s28], $0x4000  }
0x6b: {  	s10 =	sor.u32 $0x80, s10;
	s1 =	sadd.s32 @!p0 $0x800, s1;
	[sflag:s28] =	ssyncset.done $0x0  }
0x6c: {  	s0 =	sor.u32 $0x15000, s10;
	s7 =	rddreg [dreg:$0x3];
	[sflag:s28] =	ssyncadd.s32 $0xFFFFC000  }
0x6d: {  	[spmem:s2] =	stream.indirect.scatter.add.f32 [tilespmem:s24], [sflag:$0x4], $0x80, s0, s21, $0xb8;
	[tilespmem:$0x1E000] =	vst v63  }
0x6e: {  	s0 =	sadd.s32 @!p0 s7, s1  }
0x6f: {  	s1 =	sand.u32 @!p0 $0x800, s1;
	s0 =	sshrl.u32 @!p0 s0, $0x3  }
0x70: {  	s9 =	simm.s32 @!p0 $0x0;
	s7 =	sor.u32 @!p0 $0x14000, s1;
	s10 =	sadd.s32 @!p0 s4, s0  }
0x71: {  	[tilespmem:s7], [sflag:$0x5] =	stream.linear.gather @!p0 [hbm4b:s10+s9], $0x800, $0x38;
	[tilespmem:$0x1E000] =	vst v63  }
0x72: {  	s1 =	sor.u32 @!p0 $0x15000, s1;
	s0 =	sadd.s32 @!p0 s5, s0  }
0x73: {  	[tilespmem:s1], [sflag:$0x5] =	stream.linear.gather @!p0 [hbm4b:s0+s9], $0x800, $0x38;
	[tilespmem:$0x1E000] =	vst v63  }
0x74: {  	s11 =	sadd.s32 $0xFFFFFF00, s26;
	_ =	swait.ge [sflag:s30], $0x4000  }
0x75: {  	s0 =	sand.u32 $0xF00, s11;
	[sflag:s30] =	ssyncset.done $0x0  }
0x76: {  	s12 =	sor.u32 $0x14080, s0;
	[sflag:s30] =	ssyncadd.s32 $0xFFFFC000  }
0x77: {  	[tilespmem:s24], [sflag:$0x2] =	stream.indirect.gather [hbm4b:s6+s21], $0x80, s12, s21, $0xb8;
	[tilespmem:$0x1E000] =	vst v63  }
0x78: {  	_ =	swait.ge [sflag:s31], $0x4000  }
0x79: {  	[sflag:s31] =	ssyncset.done $0x0  }
0x7a: {  	s13 =	sor.u32 $0x15000, s19;
	[sflag:s31] =	ssyncadd.s32 $0xFFFFC000  }
0x7b: {  	[spmem:s2] =	stream.indirect.scatter.add.f32 [tilespmem:s22], [sflag:$0x3], $0x80, s13, s21, $0xb8;
	[tilespmem:$0x1E000] =	vst v63  }
0x7c: {  	_ =	swait.ge [sflag:s25], $0x4000  }
0x7d: {  	p0 =	sne.s32 s29, $0x0;
	[sflag:s25] =	ssyncset.done $0x0  }
0x7e: {  	s1 =	simm.s32 @!p0 $0x5;
	[sflag:s25] =	ssyncadd.s32 $0xFFFFC000  }
0x7f: {  	_ =	swait.ge @!p0 [sflag:s1], $0x800  }
0x80: {  	[sflag:s1] =	ssyncset.done @!p0 $0x0  }
0x81: {  	[sflag:s1] =	ssyncadd.s32 @!p0 $0xFFFFF800  }
0x82: {  	s14 =	sshll.u32 s29, $0x7;
	_ =	swait.ge @!p0 [sflag:s1], $0x800  }
0x83: {  	s7 =	sor.u32 s14, s23;
	[sflag:s1] =	ssyncset.done @!p0 $0x0  }
0x84: {  	s17 =	sor.u32 $0x14000, s7;
	[sflag:s1] =	ssyncadd.s32 @!p0 $0xFFFFF800  }
0x85: {  	[tilespmem:s22], [sflag:$0x1] =	stream.indirect.gather [hbm4b:s6+s21], $0x80, s17, s21, $0xb8;
	[tilespmem:$0x1E000] =	vst v63  }
0x86: {  	_ =	swait.ge [sflag:s28], $0x4000  }
0x87: {  	s0 =	sor.u32 $0x80, s0;
	[sflag:s28] =	ssyncset.done $0x0  }
0x88: {  	s0 =	sor.u32 $0x15000, s0;
	[sflag:s28] =	ssyncadd.s32 $0xFFFFC000  }
0x89: {  	[spmem:s2] =	stream.indirect.scatter.add.f32 [tilespmem:s24], [sflag:$0x4], $0x80, s0, s21, $0xb8;
	[tilespmem:$0x1E000] =	vst v63  }
0x8a: {  	_ =	swait.ge [sflag:s30], $0x4000  }
0x8b: {  	[sflag:s30] =	ssyncset.done $0x0  }
0x8c: {  	s18 =	simm.s32 $0x14F80;
	[sflag:s30] =	ssyncadd.s32 $0xFFFFC000  }
0x8d: {  	[tilespmem:s24], [sflag:$0x2] =	stream.indirect.gather [hbm4b:s6+s21], $0x80, s18, s21, $0xb8;
	[tilespmem:$0x1E000] =	vst v63  }
0x8e: {  	_ =	swait.ge [sflag:s31], $0x4000  }
0x8f: {  	[sflag:s31] =	ssyncset.done $0x0  }
0x90: {  	s19 =	simm.s32 $0x15F00;
	[sflag:s31] =	ssyncadd.s32 $0xFFFFC000  }
0x91: {  	[spmem:s2] =	stream.indirect.scatter.add.f32 [tilespmem:s22], [sflag:$0x3], $0x80, s19, s21, $0xb8;
	[tilespmem:$0x1E000] =	vst v63  }
0x92: {  	_ =	swait.ge [sflag:s28], $0x4000  }
0x93: {  	[sflag:s28] =	ssyncset.done $0x0  }
0x94: {  	s23 =	simm.s32 $0x15F80;
	[sflag:s28] =	ssyncadd.s32 $0xFFFFC000  }
0x95: {  	[spmem:s2] =	stream.indirect.scatter.add.f32 [tilespmem:s24], [sflag:$0x4], $0x80, s23, s21, $0xb8;
	[tilespmem:$0x1E000] =	vst v63  }
0x96: {  	_ =	swait.ge [sflag:s25], $0x4000  }
0x97: {  	[sflag:s25] =	ssyncset.done $0x0  }
0x98: {  	[sflag:s25] =	ssyncadd.s32 $0xFFFFC000  }
0x99: {  	_ =	swait.ge [sflag:s30], $0x4000  }
0x9a: {  	[sflag:s30] =	ssyncset.done $0x0  }
0x9b: {  	[sflag:s30] =	ssyncadd.s32 $0xFFFFC000  }
0x9c: {  	[bflag:$0x0] =	sbarrier.arrive $0xFFFF  }
0x9d: {  	s26 =	rddreg [dreg:$0x9]  }
0x9e: {  	[hbm:s26], [sflag:s8] =	dma.local [spmem:s15], $0x2800  }
0x9f: {  	_ =	swait.ge [sflag:s16], $0x2800  }
0xa0: {  	s20 =	sadd.s32 $0x1, s20;
	s29 =	rddreg [dreg:$0xa]  }
0xa1: {  	p0 =	sne.s32 s20, s29  }
.Ltmp1:
0xa2: {  	_ = 	snop;
	(pc) =	sbr.rel @p0 .LBB2_1-.Ltmp1, $3  }
0xa3: {  	_ =	sdelay $0x1  }
0xa4: {  	[sflag:s16] =	ssyncset.done $0x0  }
0xa5: {  	[sflag:s16] =	ssyncadd.s32 $0xFFFFD800  }
0xa6: {  	_ =	sfence.sel $0x180000  }
0xa7: {  	[bflag:$0x0] =	sbarrier.arrive $0xFFFF  }
0xa8: {  	_ =	strace $0x9000004D  }
0xa9: {  	s0 =	stileid.u32;
	[bflag:$0x2] =	sbarrier.arrive $0xFFFF  }
0xaa: {  	p0 =	sne.s32 s0, $0x0;
	s0 =	rddreg [dreg:$0x2]  }
0xab: {  	s0 =	sadd.s32 @!p0 $0x100000, s0  }
0xac: {  	[sflag:s0] =	ssyncadd.tile.s32 @!p0 $0x1;
	_ =	shalt  }
.Lfunc_end2:
_tile_overlayer_lowered:
.L_overlay_start_2:
0xad: {  	(tag) =	ssettag $0x2  }
0xae: {  	s0 =	rddreg [dreg:$0x0];
	s2 =	stileid.u32  }
0xaf: {  	s1 =	rddreg [dreg:$0x1];
	p0 =	sne.s32 s2, $0x0  }
0xb0: {  	s3 =	rddreg [dreg:$0x2];
	[bflag:$0x3] =	sbarrier.arrive $0xFFFF;
	s2 =	simm.s32 @!p0 $0x1C06  }
0xb1: {  	[timem:s3], [sflag:s2] =	dma.local @!p0 [hbm:s0], s1  }
0xb2: {  	s0 =	simm.s32 @!p0 $0x6  }
0xb3: {  	_ =	swait.ge @!p0 [sflag:s0], s1  }
0xb4: {  	s1 =	ssub.s32 @!p0 $0x0, s1;
	[sflag:s0] =	ssyncset.done @!p0 $0x0  }
0xb5: {  	[sflag:s0] =	ssyncadd.s32 @!p0 s1  }
0xb6: {  	[bflag:$0x3] =	sbarrier.arrive $0xFFFF  }
0xb7: {  	_ =	shalt  }

// kernel: kernel.8.cloned.1.call-start
scs
__scs_entry_jumppad:
0x0: {  	(pc) =	sbr.rel $0x88, $3  }
0x1: {  	(tag) =	ssettag $0x0;
	lr =	simm.s32 $0x1  }
0x2: {  	[smem:$0x3F9B] =	sst lr;
	_ =	strace $0xD0000000  }
0x3: {  	_ = 	snop  }
0x4: {  	_ = 	snop  }
0x5: {  	_ = 	snop  }
0x6: {  	_ = 	snop  }
0x7: {  	_ = 	snop  }
__scs_overlays_trampoline_lowered:
0x8: {  	[smem:$0x3FAA] =	sst s0  }
0x9: {  	[smem:$0x3FAB] =	sst s1  }
0xa: {  	[smem:$0x3FAC] =	sst s2  }
0xb: {  	[smem:$0x3FAD] =	sst s3  }
0xc: {  	[smem:$0x3FAE] =	sst s4  }
0xd: {  	[smem:$0x3FAF] =	sst s5  }
0xe: {  	[smem:$0x3FB0] =	sst s6  }
0xf: {  	[smem:$0x3FB1] =	sst s7  }
0x10: {  	[smem:$0x3FB2] =	sst s8  }
0x11: {  	[smem:$0x3FB3] =	sst s9;
	s0 =	simm.s32 @!p0 $0x0  }
0x12: {  	s1 =	sld [smem:$0x3F99];
	s0 =	simm.s32 @p0 $0x1  }
0x13: {  	[smem:$0x3FB4] =	sst s0;
	s0 =	simm.s32 @!p1 $0x0  }
0x14: {  	s2 =	sld [smem:$0x3F98];
	s0 =	simm.s32 @p1 $0x1  }
0x15: {  	[smem:$0x3FB5] =	sst s0;
	s0 =	simm.s32 @!p2 $0x0  }
0x16: {  	s3 =	sld [smem:$0x3FDB];
	s0 =	simm.s32 @p2 $0x1  }
0x17: {  	s4 =	simm.s32 $0x1BF5;
	[smem:$0x3FB7] =	sst s0  }
0x18: {  	s0 =	sld [smem:$0x3F9A];
	_ =	swait.ge [sflag:s4], $0x0  }
0x19: {  	s7 =	sld [smem:$0x3F9B]  }
0x1a: {  	s8 =	sadd.s32 $0xFFFFE003, lr  }
0x1b: {  	s9 =	sadd.s32 $0xFFFFFEF7, lr;
	s5 =	simm.s32 $0xFFFFFFFF;
	p2 =	slt.u32 s8, $0xFFFFF086  }
0x1c: {  	p1 =	slt.u32 s9, $0xF7A;
	s5 =	simm.s32 @!p2 $0x0  }
0x1d: {  	s5 =	simm.s32 @p1 $0x1;
	p0 =	seq.s32 s7, s2  }
0x1e: {  	s7 =	smul.u32 @!p0 $0xF7A, s2;
	p2 =	seq.s32 @!p0 s5, $0x0  }
0x1f: {  	s9 =	smul.u32 $0xF7A, s1;
	s8 =	simm.s32 @!p0 $0x1BF5;
	p2 =	por !p2, p0  }
0x20: {  	[sflag:s8] =	ssyncset.s32 @!p0 $0xFFFFF086;
	s6 =	sadd.s32 @!p0 s3, s7;
	s7 =	simm.s32 @!p0 $0x108  }
0x21: {  	s3 =	sadd.s32 s3, s9;
	s6 =	sadd.s32 @!p0 $0x88, s6;
	s7 =	simm.s32 @p2 $0x1082  }
0x22: {  	[simem:s7], [sflag:s8] =	dma.local @!p0 [hbm:s6], $0xF7A  }
0x23: {  	s9 =	sor.u32 $0xD0000000, s2;
	s6 =	simm.s32 $0x108;
	_ =	swait.ge @!p0 [sflag:s8], $0x0  }
0x24: {  	s3 =	sadd.s32 $0x88, s3;
	s6 =	simm.s32 @!p1 $0x1082;
	[sflag:s4] =	ssyncset.s32 $0xFFFFF086  }
0x25: {  	[simem:s6], [sflag:s4] =	dma.local [hbm:s3], $0xF7A  }
0x26: {  	[smem:$0x3F9B] =	sst s1;
	(tag) =	ssettag s2;
	_ =	strace s9  }
0x27: {  	s1 =	sld [smem:$0x3FAB]  }
0x28: {  	s2 =	sld [smem:$0x3FAC]  }
0x29: {  	s4 =	sld [smem:$0x3FAE]  }
0x2a: {  	p0 =	seq.s32 s5, $0x0;
	s5 =	sld [smem:$0x3FAF]  }
0x2b: {  	s6 =	sld [smem:$0x3FB0]  }
0x2c: {  	s7 =	sld [smem:$0x3FB1]  }
0x2d: {  	s3 =	simm.s32 $0x108;
	s8 =	sld [smem:$0x3FB2]  }
0x2e: {  	s3 =	simm.s32 @!p0 $0x1082;
	s9 =	sld [smem:$0x3FB3]  }
0x2f: {  	lr =	sadd.s32 s0, s3;
	s0 =	sld [smem:$0x3FAA]  }
0x30: {  	s3 =	sld [smem:$0x3FAD]  }
0x31: {  	[smem:$0x3FB6] =	sst s10  }
0x32: {  	s10 =	sld [smem:$0x3FB4];
	_ =	sdelay $0x3  }
0x33: {  	p0 =	seq.s32 s10, $0x1;
	s10 =	sld [smem:$0x3FB6];
	_ =	sdelay $0x3  }
0x34: {  	[smem:$0x3FB6] =	sst s10  }
0x35: {  	s10 =	sld [smem:$0x3FB5];
	_ =	sdelay $0x3  }
0x36: {  	p1 =	seq.s32 s10, $0x1;
	s10 =	sld [smem:$0x3FB6];
	_ =	sdelay $0x3  }
0x37: {  	[smem:$0x3FB6] =	sst s10  }
0x38: {  	s10 =	sld [smem:$0x3FB7]  }
0x39: {  	_ = 	snop;
	(pc) =	sbr.ind lr, $3  }
0x3a: {  	_ = 	snop  }
0x3b: {  	_ = 	snop  }
0x3c: {  	p2 =	seq.s32 s10, $0x1;
	s10 =	sld [smem:$0x3FB6]  }
0x3d: {  	_ =	shalt  }
0x3e: {  	_ =	shalt  }
0x3f: {  	_ =	shalt  }
0x40: {  	_ =	shalt  }
0x41: {  	_ =	shalt  }
0x42: {  	_ =	shalt  }
0x43: {  	_ =	shalt  }
0x44: {  	_ =	shalt  }
0x45: {  	_ =	shalt  }
0x46: {  	_ =	shalt  }
0x47: {  	_ =	shalt  }
0x48: {  	_ =	shalt  }
0x49: {  	_ =	shalt  }
0x4a: {  	_ =	shalt  }
0x4b: {  	_ =	shalt  }
0x4c: {  	_ =	shalt  }
0x4d: {  	_ =	shalt  }
0x4e: {  	_ =	shalt  }
0x4f: {  	_ =	shalt  }
0x50: {  	_ =	shalt  }
0x51: {  	_ =	shalt  }
0x52: {  	_ =	shalt  }
0x53: {  	_ =	shalt  }
0x54: {  	_ =	shalt  }
0x55: {  	_ =	shalt  }
0x56: {  	_ =	shalt  }
0x57: {  	_ =	shalt  }
0x58: {  	_ =	shalt  }
0x59: {  	_ =	shalt  }
0x5a: {  	_ =	shalt  }
0x5b: {  	_ =	shalt  }
0x5c: {  	_ =	shalt  }
0x5d: {  	_ =	shalt  }
0x5e: {  	_ =	shalt  }
0x5f: {  	_ =	shalt  }
0x60: {  	_ =	shalt  }
0x61: {  	_ =	shalt  }
0x62: {  	_ =	shalt  }
0x63: {  	_ =	shalt  }
0x64: {  	_ =	shalt  }
0x65: {  	_ =	shalt  }
0x66: {  	_ =	shalt  }
0x67: {  	_ =	shalt  }
0x68: {  	_ =	shalt  }
0x69: {  	_ =	shalt  }
0x6a: {  	_ =	shalt  }
0x6b: {  	_ =	shalt  }
0x6c: {  	_ =	shalt  }
0x6d: {  	_ =	shalt  }
0x6e: {  	_ =	shalt  }
0x6f: {  	_ =	shalt  }
0x70: {  	_ =	shalt  }
0x71: {  	_ =	shalt  }
0x72: {  	_ =	shalt  }
0x73: {  	_ =	shalt  }
0x74: {  	_ =	shalt  }
0x75: {  	_ =	shalt  }
0x76: {  	_ =	shalt  }
0x77: {  	_ =	shalt  }
0x78: {  	_ =	shalt  }
0x79: {  	_ =	shalt  }
0x7a: {  	_ =	shalt  }
0x7b: {  	_ =	shalt  }
0x7c: {  	_ =	shalt  }
0x7d: {  	_ =	shalt  }
0x7e: {  	_ =	shalt  }
0x7f: {  	_ =	shalt  }
0x80: {  	_ =	shalt  }
0x81: {  	_ =	shalt  }
0x82: {  	_ =	shalt  }
0x83: {  	_ =	shalt  }
0x84: {  	_ =	shalt  }
0x85: {  	_ =	shalt  }
0x86: {  	_ =	shalt  }
0x87: {  	_ =	shalt  }
.Lfunc_end0:
.L_simem_size_0:
called_computation_lowered:
.L_overlay_start_0:
0x88: {  	s2 =	sld [smem:$0x3FD9]  }
0x89: {  	s3 =	sld [smem:$0x3FFE];
	_ =	sdelay $0x1  }
0x8a: {  	s1 =	srdreg.scid  }
0x8b: {  	s0 =	sand.u32 $0x1, s1  }
0x8c: {  	s17 =	sshll.u32 s0, $0xA;
	s2 =	sadd.s32 s3, s2  }
0x8d: {  	s2 =	sadd.s32 s2, s17  }
0x8e: {  	[smem:$0x3FC2] =	sst s2  }
0x8f: {  	_ = 	snop  }
0x90: {  	s2 =	sld [smem:$0x3FD0];
	(tm) =	ssettm $0x1  }
0x91: {  	s18 =	sld [smem:$0x3FFB];
	_ =	sdelay $0x3  }
0x92: {  	_ =	strace s18  }
0x93: {  	s3 =	sld [smem:$0x3FFC];
	_ =	sdelay $0x3  }
0x94: {  	_ =	strace s3  }
0x95: {  	s3 =	sld [smem:$0x3FFD];
	_ =	sdelay $0x3  }
0x96: {  	_ =	strace s3  }
0x97: {  	_ =	strace $0x8FFFFFFF  }
0x98: {  	s19 =	sld [smem:$0x3FDB];
	_ =	sdelay $0x1  }
0x99: {  	s4 =	simm.s32 $_scs_section_size  }
0x9a: {  	s5 =	simm.s32 $_size__tile_overlayer_lowered;
	s6 =	simm.s32 $_tile_overlayer_lowered  }
0x9b: {  	s22 =	simm.s32 $0x1BFF;
	s21 =	sshll.u32 s6, $0x1;
	s3 =	sadd.s32 s4, s19  }
0x9c: {  	s7 =	simm.s32 $0x0;
	s20 =	sshll.u32 s5, $0x1;
	s5 =	sadd.s32 s21, s3  }
0x9d: {  	[timem:s7], [sflag:s22] =	dma.local [hbm:s5], s20  }
0x9e: {  	_ =	swait.ge [sflag:s22], s20  }
0x9f: {  	s4 =	ssub.s32 $0x0, s20;
	[sflag:s22] =	ssyncset.done $0x0  }
0xa0: {  	[sflag:s22] =	ssyncadd.s32 s4;
	_ =	sdelay $0x1  }
0xa1: {  	s23 =	simm.s32 $0x1B8B  }
0xa2: {  	_ =	swait.ge [sflag:s23], $0x1  }
0xa3: {  	[sflag:s23] =	ssyncset.done $0x0  }
0xa4: {  	s25 =	simm.s32 $0x1B8E;
	s24 =	sld [smem:$0x3FFE];
	[sflag:s23] =	ssyncadd.s32 $0xFFFFFFFF  }
0xa5: {  	s26 =	simm.s32 $execute0_lowered;
	[smem:$0x3FD2] =	sst s25  }
0xa6: {  	s5 =	sshll.u32 s26, $0x1;
	_ =	strace $0x80000046;
	[dreg:$0x1] =	wrdreg $0xFFFFFFFF  }
0xa7: {  	s28 =	simm.s32 $_size_execute0_lowered;
	s3 =	sadd.s32 s3, s5;
	[dreg:$0x0] =	wrdreg $0x0  }
0xa8: {  	s5 =	sshll.u32 s28, $0x1;
	[dreg:$0x2] =	wrdreg s3  }
0xa9: {  	[dreg:$0x3] =	wrdreg s5  }
0xaa: {  	[dreg:$0x4] =	wrdreg $0xC0  }
0xab: {  	_ =	task [dreg:s7], $0x5FFFF  }
0xac: {  	[dreg:$0x1] =	wrdreg $0xFFFFFFFF  }
0xad: {  	[dreg:$0x0] =	wrdreg $0x60  }
0xae: {  	[dreg:$0x2] =	wrdreg s24  }
0xaf: {  	[dreg:$0x3] =	wrdreg s2  }
0xb0: {  	[dreg:$0x4] =	wrdreg $0x0  }
0xb1: {  	[dreg:$0x5] =	wrdreg $0x9  }
0xb2: {  	_ =	task.clear_ibuf [dreg:s7], $0x6FFFF;
	_ =	strace $0x90000046  }
0xb3: {  	s29 =	simm.s32 $0x9;
	_ =	strace $0x80000048  }
0xb4: {  	_ =	swait.ge [sflag:s29], $0x1  }
0xb5: {  	[sflag:s29] =	ssyncadd.s32 $0xFFFFFFFF  }
0xb6: {  	_ =	strace $0x90000048  }
0xb7: {  	_ =	sfence  }
0xb8: {  	s30 =	sld [smem:$0x0];
	_ =	sdelay $0x2  }
0xb9: {  	s31 =	sshll.u32 s1, $0xD;
	s1 =	sshrl.u32 s1, $0x2  }
0xba: {  	s3 =	sand.u32 $0x4000, s31;
	s1 =	sadd.s32 s1, s30  }
0xbb: {  	s0 =	sor.u32 s3, s0;
	s1 =	sshll.u32 s1, $0x11  }
0xbc: {  	s0 =	sor.u32 s1, s0  }
0xbd: {  	s0 =	sadd.s32 $0x8F2B, s0  }
0xbe: {  	[sflag:s0] =	ssyncadd.remote.s32 $0x1  }
0xbf: {  	_ =	sfence.sel $0xFFFF  }
0xc0: {  	[dreg:$0x0] =	wrdreg $0xFFFFFFFF;
	(pc) =	sbr.abs _section_cstart, $3  }
0xc1: {  	[dreg:$0x1] =	wrdreg $0xFFFFFFFF  }
0xc2: {  	_ =	task.clear_ibuf [dreg:s7], $0x2FFFF;
	_ =	strace $0x9FFFFFFF  }
0xc3: {  	(tm) =	ssettm $0x7FFFFFFF  }
tec
execute0_lowered:
.L_overlay_start_1:
0x0: {  	(tag) =	ssettag $0x1  }
0x1: {  	s5 =	rddreg [dreg:$0x0]  }
0x2: {  	s6 =	rddreg [dreg:$0x1]  }
0x3: {  	s0 =	srdreg.scid;
	s2 =	rddreg [dreg:$0x2]  }
0x4: {  	s1 =	rddreg [dreg:$0x3];
	s3 =	simm.s32 $0x0;
	s13 =	simm.s32 $0x16800  }
0x5: {  	s14 =	simm.s32 $0x80;
	s15 =	simm.s32 $0x14080;
	s4 =	sand.u32 $0x1, s0  }
0x6: {  	s16 =	simm.s32 $0x14100;
	s0 =	stileid.u32;
	s7 =	smul.u32 $0x5000, s4  }
0x7: {  	s17 =	simm.s32 $0x14180;
	s18 =	simm.s32 $0x1;
	s8 =	smul.u32 $0x500, s0  }
0x8: {  	s19 =	simm.s32 $0x0;
	[smem:$0x7FF] =	sst s3;
	s9 =	smul.u32 $0x14000, s0  }
0x9: {  	s28 =	smul.u32 $0x140000, s4;
	_ =	strace $0x80000047;
	s10 =	ssub.s32 $0x2, s4  }
0xa: {  	s11 =	smul.u32 $0x50000, s0;
	s4 =	sadd.s32 $0x16A00, s5;
	s31 =	sshll.u32 s0, $0x6  }
0xb: {  	s12 =	sshrl.u32 s10, $0x1;
	s7 =	sadd.s32 s8, s7;
	s8 =	sadd.s32 s9, s28  }
0xc: {  	s10 =	ssub.s32 s10, s12;
	s29 =	sshrl.u32 s11, $0x2;
	s30 =	sshrl.u32 s9, $0x3  }
0xd: {  	s12 =	simm.s32 $0x14000;
	s7 =	sadd.s32 s7, s5;
	s8 =	sshrl.u32 s8, $0x3  }
0xe: {  	s11 =	sadd.s32 s29, s2;
	s9 =	smax.u32 s10, $0x1;
	s8 =	sadd.s32 s8, s5  }
0xf: {  	s5 =	sadd.s32 s6, s30;
	s6 =	sor.u32 $0x1C02, s31;
	s7 =	sadd.s32 $0xCA00, s7  }
0x10: {  	s10 =	sshrl.u32 s11, $0x3;
	s11 =	simm.s32 $0x2;
	s8 =	sadd.s32 $0x17200, s8  }
.LBB2_1:
0x11: {  	[spmem:s10], [sflag:s6] =	dma.local [hbm:s5], $0x2800  }
0x12: {  	_ =	swait.ge [sflag:s11], $0x2800  }
0x13: {  	[sflag:s11] =	ssyncset.done $0x0  }
0x14: {  	[sflag:s11] =	ssyncadd.s32 $0xFFFFD800  }
0x15: {  	[tilespmem:s12], [sflag:$0x2] =	stream.linear.gather [hbm4b:s7+s3], $0x2800, $0x38;
	[tilespmem:$0x1A800] =	vst v63  }
0x16: {  	_ =	swait.ge [sflag:s11], $0x2800  }
0x17: {  	[sflag:s11] =	ssyncset.done $0x0  }
0x18: {  	[sflag:s11] =	ssyncadd.s32 $0xFFFFD800  }
0x19: {  	[tilespmem:s13], [sflag:$0x2] =	stream.linear.gather [hbm4b:s4+s3], $0x4000, $0x38;
	[tilespmem:$0x1A800] =	vst v63  }
0x1a: {  	_ =	swait.ge [sflag:s11], $0x4000  }
0x1b: {  	[sflag:s11] =	ssyncset.done $0x0  }
0x1c: {  	[sflag:s11] =	ssyncadd.s32 $0xFFFFC000  }
0x1d: {  	[bflag:$0x0] =	sbarrier.arrive $0xFFFF  }
0x1e: {  	[spmem:s2] =	stream.indirect.scatter.add.f32 [tilespmem:s13], [sflag:$0x1], $0x80, s12, s14, $0xb8;
	[tilespmem:$0x1A800] =	vst v63  }
0x1f: {  	_ = 	snop  }
0x20: {  	[spmem:s2] =	stream.indirect.scatter.add.f32 [tilespmem:s13], [sflag:$0x1], $0x80, s15, s14, $0xb8;
	[tilespmem:$0x1A800] =	vst v63  }
0x21: {  	_ = 	snop  }
0x22: {  	[spmem:s2] =	stream.indirect.scatter.add.f32 [tilespmem:s13], [sflag:$0x1], $0x80, s16, s14, $0xb8;
	[tilespmem:$0x1A800] =	vst v63  }
0x23: {  	_ = 	snop  }
0x24: {  	[spmem:s2] =	stream.indirect.scatter.add.f32 [tilespmem:s13], [sflag:$0x1], $0x80, s17, s14, $0xb8;
	[tilespmem:$0x1A800] =	vst v63  }
0x25: {  	s20 =	simm.s32 $0x14200  }
0x26: {  	[spmem:s2] =	stream.indirect.scatter.add.f32 [tilespmem:s13], [sflag:$0x1], $0x80, s20, s14, $0xb8;
	[tilespmem:$0x1A800] =	vst v63  }
0x27: {  	s20 =	simm.s32 $0xA00;
	_ =	swait.ge [sflag:s18], $0x4000  }
.LBB2_2:
0x28: {  	s21 =	sshra.s32 s20, $0x2;
	[sflag:s18] =	ssyncset.done $0x0;
	p0 =	sne.s32 s20, $0x9E00  }
.Ltmp0:
0x29: {  	s21 =	sadd.s32 $0x14000, s21;
	[sflag:s18] =	ssyncadd.s32 $0xFFFFC000;
	(pc) =	sbr.rel @p0 .LBB2_2-.Ltmp0, $3  }
0x2a: {  	[spmem:s2] =	stream.indirect.scatter.add.f32 [tilespmem:s13], [sflag:$0x1], $0x80, s21, s14, $0xb8;
	[tilespmem:$0x1A800] =	vst v63  }
0x2b: {  	s20 =	sadd.s32 $0x200, s20;
	_ =	sdelay $0x1  }
0x2c: {  	_ =	swait.ge [sflag:s18], $0x4000  }
0x2d: {  	[sflag:s18] =	ssyncset.done $0x0  }
0x2e: {  	[sflag:s18] =	ssyncadd.s32 $0xFFFFC000  }
0x2f: {  	_ =	swait.ge [sflag:s18], $0x4000  }
0x30: {  	[sflag:s18] =	ssyncset.done $0x0  }
0x31: {  	[sflag:s18] =	ssyncadd.s32 $0xFFFFC000  }
0x32: {  	_ =	swait.ge [sflag:s18], $0x4000  }
0x33: {  	[sflag:s18] =	ssyncset.done $0x0  }
0x34: {  	[sflag:s18] =	ssyncadd.s32 $0xFFFFC000  }
0x35: {  	_ =	swait.ge [sflag:s18], $0x4000  }
0x36: {  	[sflag:s18] =	ssyncset.done $0x0  }
0x37: {  	[sflag:s18] =	ssyncadd.s32 $0xFFFFC000  }
0x38: {  	_ =	swait.ge [sflag:s18], $0x4000  }
0x39: {  	s19 =	sadd.s32 $0x1, s19;
	[sflag:s18] =	ssyncset.done $0x0  }
0x3a: {  	p0 =	sne.s32 s19, s9;
	[sflag:s18] =	ssyncadd.s32 $0xFFFFC000  }
.Ltmp1:
0x3b: {  	[bflag:$0x0] =	sbarrier.arrive $0xFFFF;
	(pc) =	sbr.rel @p0 .LBB2_1-.Ltmp1, $4  }
0x3c: {  	[hbm:s8], [sflag:s6] =	dma.local [spmem:s10], $0x2800  }
0x3d: {  	_ =	swait.ge [sflag:s11], $0x2800  }
0x3e: {  	[sflag:s11] =	ssyncset.done $0x0  }
0x3f: {  	[sflag:s11] =	ssyncadd.s32 $0xFFFFD800  }
0x40: {  	_ =	sfence.sel $0x180000  }
0x41: {  	[bflag:$0x0] =	sbarrier.arrive $0xFFFF  }
0x42: {  	p0 =	sne.s32 s0, $0x0;
	_ =	strace $0x90000047  }
0x43: {  	s0 =	sadd.s32 @!p0 $0x100000, s1;
	[bflag:$0x2] =	sbarrier.arrive $0xFFFF  }
0x44: {  	[sflag:s0] =	ssyncadd.tile.s32 @!p0 $0x1;
	_ =	shalt  }
.Lfunc_end2:
_tile_overlayer_lowered:
.L_overlay_start_2:
0x45: {  	(tag) =	ssettag $0x2  }
0x46: {  	s0 =	rddreg [dreg:$0x0];
	s2 =	stileid.u32  }
0x47: {  	s1 =	rddreg [dreg:$0x1];
	p0 =	sne.s32 s2, $0x0  }
0x48: {  	s3 =	rddreg [dreg:$0x2];
	[bflag:$0x3] =	sbarrier.arrive $0xFFFF;
	s2 =	simm.s32 @!p0 $0x1C02  }
0x49: {  	[timem:s3], [sflag:s2] =	dma.local @!p0 [hbm:s0], s1  }
0x4a: {  	s0 =	simm.s32 @!p0 $0x2  }
0x4b: {  	_ =	swait.ge @!p0 [sflag:s0], s1  }
0x4c: {  	s1 =	ssub.s32 @!p0 $0x0, s1;
	[sflag:s0] =	ssyncset.done @!p0 $0x0  }
0x4d: {  	[sflag:s0] =	ssyncadd.s32 @!p0 s1  }
0x4e: {  	[bflag:$0x3] =	sbarrier.arrive $0xFFFF  }
0x4f: {  	_ =	shalt  }

</sc_bundles>
